<compile_context>
chip_gen: v7x
topology: tpu7x:2x2x1
jax: 0.10.2.dev20260603
libtpu: 0.0.44.dev20260713+nightly
codegen_flags: <defaults>
</compile_context>

<pallas_src>
import numpy as np
import jax
import jax.numpy as jnp
from jax import lax
from jax.experimental import pallas as pl
from jax.experimental.pallas import tpu as pltpu
from jax.experimental.pallas import tpu_sc as plsc

_POOLING_COUNTS = [15, 8, 8]
_N = 64
_B = 32
_D = 512
_NW = 32
_NQ = _D // 16
_XW = _N * _D


def _active_sets():
    mask2d = np.zeros((_N, _N), dtype=bool)
    mask2d[np.arange(_N), np.arange(_N)] = True
    stride, offset = 1, 0
    for c in _POOLING_COUNTS:
        for _ in range(c):
            offset += stride
            i = np.arange(0, _N - offset, stride)
            mask2d[i, i + offset] = True
        stride *= 2
    return mask2d


def _build_static():
    mask2d = _active_sets()
    entries, starts = [], [0]
    for i in range(_N):
        act = [j | (128 if j == i else 0) for j in range(_N) if mask2d[i, j]]
        prev = [j for j in range(_N) if i >= 2 and mask2d[i - 2, j]]
        stale = [j for j in prev if not mask2d[i, j]]
        entries.extend(act)
        entries.extend(j | 64 for j in stale)
        starts.append(len(entries))
    entries.extend([64 + 63] * 16)
    starts.extend([starts[-1]] * 15)
    return (mask2d,
            np.array(entries, dtype=np.int32),
            np.array(starts, dtype=np.int32))


_MASK2D_NP, _ENTRIES_NP, _STARTS_NP = _build_static()


def _sc_body(x_hbm, tbl_hbm, st_hbm, out_hbm, xtile, tblv, stv, buf0, buf1,
             sem0, sem1):
    cid = lax.axis_index("c")
    sid = lax.axis_index("s")
    wid = sid * 2 + cid

    pltpu.sync_copy(tbl_hbm, tblv)
    pltpu.sync_copy(st_hbm, stv)
    pltpu.sync_copy(x_hbm.at[pl.ds(wid * _XW, _XW)], xtile.at[pl.ds(0, _XW)])

    zero = jnp.zeros((16,), jnp.float32)

    @plsc.parallel_loop(0, _D // 16)
    def _zero_pad(q):
        xtile[pl.ds(_XW + q * 16, 16)] = zero

    @plsc.parallel_loop(0, _XW // 16)
    def _zero_body(k):
        j = lax.shift_right_logical(k, 5)
        q = lax.bitwise_and(k, 31)
        buf0[j, pl.ds(q * 16, 16)] = zero
        buf1[j, pl.ds(q * 16, 16)] = zero

    def _process(g, buf, sem):
        @pl.when(g >= 2)
        def _():
            pltpu.make_async_copy(buf, out_hbm.at[0, 0], sem).wait()

        sv = stv[pl.ds(g, 16)]
        e0 = sv[0]
        e1 = sv[1]
        goff = g * _D

        @plsc.parallel_loop(e0, e1)
        def _jobs(e):
            ev = tblv[pl.ds(e, 16)]
            ent = ev[0]
            j = lax.bitwise_and(ent, 63)
            keep = (1 - lax.bitwise_and(
                lax.shift_right_logical(ent, 6), 1)).astype(jnp.float32)
            kv = jnp.broadcast_to(keep, (16,))
            joff = jnp.where(ent >= 128, _XW, j * _D)
            for q in range(_NQ):
                xi = xtile[pl.ds(goff + q * 16, 16)]
                xj = xtile[pl.ds(joff + q * 16, 16)]
                buf[j, pl.ds(q * 16, 16)] = (xi + xj) * kv

        pltpu.async_copy(buf, out_hbm.at[wid, g], sem)

    def _pair(t, carry):
        _process(2 * t, buf0, sem0)
        _process(2 * t + 1, buf1, sem1)
        return carry

    lax.fori_loop(0, _N // 2, _pair, 0)
    pltpu.make_async_copy(buf0, out_hbm.at[0, 0], sem0).wait()
    pltpu.make_async_copy(buf1, out_hbm.at[0, 0], sem1).wait()


_sc_call = pl.kernel(
    _sc_body,
    out_type=jax.ShapeDtypeStruct((_B, _N, _N, _D), jnp.float32),
    mesh=plsc.VectorSubcoreMesh(core_axis_name="c", subcore_axis_name="s"),
    scratch_types=[
        pltpu.VMEM((_XW + _D,), jnp.float32),
        pltpu.VMEM((_ENTRIES_NP.size,), jnp.int32),
        pltpu.VMEM((_STARTS_NP.size,), jnp.int32),
        pltpu.VMEM((_N, _D), jnp.float32),
        pltpu.VMEM((_N, _D), jnp.float32),
        pltpu.SemaphoreType.DMA,
        pltpu.SemaphoreType.DMA,
    ],
    compiler_params=pltpu.CompilerParams(needs_layout_passes=False),
)


def kernel(x):
    B, D, N = x.shape
    xt = jnp.swapaxes(x, 1, 2).reshape(B * N * D)
    out4 = _sc_call(xt, jnp.asarray(_ENTRIES_NP), jnp.asarray(_STARTS_NP))
    map2d = jnp.transpose(out4, (0, 3, 1, 2))
    mask2d = jnp.broadcast_to(
        jnp.asarray(_MASK2D_NP)[None, None, :, :], (B, 1, N, N))
    return (map2d, mask2d)

# --- scband reference (transcript-rebuilt; emitter-appended) ---
"""Pipeline reference for scband-sparse-boundary-add-12438225289334 (READ-ONLY COPY).

The authoritative reference and input builder live on the scoring server;
editing this copy changes nothing except your own understanding.
"""

import jax, jax.numpy as jnp
import numpy as np

POOLING_COUNTS = [15, 8, 8]
N_CLIPS = 64


def build_mask(N, pooling_counts):
    mask2d = np.zeros((N, N), dtype=bool)
    mask2d[np.arange(N), np.arange(N)] = True
    stride, offset = 1, 0
    maskij = []
    for c in pooling_counts:
        for _ in range(c):
            offset += stride
            i = np.arange(0, N - offset, stride)
            j = np.arange(offset, N, stride)
            mask2d[i, j] = True
            maskij.append((i, j))
        stride *= 2
    return mask2d, maskij


def setup_inputs(seed: int = 0) -> dict:
    key = jax.random.key(seed)
    x = jax.random.normal(key, (32, 512, N_CLIPS), dtype=jnp.float32)
    return {"x": x}


def reference(x):
    B, D, N = x.shape
    mask2d_np, maskij = build_mask(N, POOLING_COUNTS)
    map2d = jnp.zeros((B, D, N, N), dtype=x.dtype)
    diag = jnp.arange(N)
    # scatter-overwrite the main diagonal with x
    map2d = map2d.at[:, :, diag, diag].set(x)
    # strided boundary-add scatters for each pooled diagonal
    for i, j in maskij:
        i_arr = jnp.asarray(i, dtype=jnp.int32)
        j_arr = jnp.asarray(j, dtype=jnp.int32)
        tmp = jnp.take(x, i_arr, axis=2) + jnp.take(x, j_arr, axis=2)
        map2d = map2d.at[:, :, i_arr, j_arr].set(tmp)
    mask2d = jnp.broadcast_to(jnp.asarray(mask2d_np)[None, None, :, :], (B, 1, N, N))
    return (map2d, mask2d)

if __name__ == "__main__":
    import jax
    _d = setup_inputs()
    print(jax.jit(kernel)(*tuple(_d.values())))

</pallas_src>

<mosaic_0001>
#map = affine_map<(d0, d1) -> (0)>
#map1 = affine_map<(d0, d1) -> (0, 0, 0, 0)>
module attributes {stable_mosaic.version = 14 : i64} {
  func.func @_sc_body(%arg0: i32, %arg1: i32, %arg2: memref<1048576xf32, #tpu.memory_space<hbm>>, %arg3: memref<1280xi32, #tpu.memory_space<hbm>>, %arg4: memref<80xi32, #tpu.memory_space<hbm>>, %arg5: memref<32x64x64x512xf32, #tpu.memory_space<hbm>>, %arg6: memref<33280xf32, #tpu.memory_space<vmem>>, %arg7: memref<1280xi32, #tpu.memory_space<vmem>>, %arg8: memref<80xi32, #tpu.memory_space<vmem>>, %arg9: memref<64x512xf32, #tpu.memory_space<vmem>>, %arg10: memref<64x512xf32, #tpu.memory_space<vmem>>, %arg11: memref<!tpu.dma_semaphore, #tpu.memory_space<semaphore_mem>>, %arg12: memref<!tpu.dma_semaphore, #tpu.memory_space<semaphore_mem>>) attributes {dimension_semantics = [#tpu.dimension_semantics<core_parallel>, #tpu.dimension_semantics<subcore_parallel>], iteration_bounds = array<i64: 2, 16>, scalar_prefetch = 0 : i64, scratch_operands = 7 : i64, tpu.core_type = #tpu.core_type<sc_vector_subcore>, window_params = [{transform_indices = #map}, {transform_indices = #map}, {transform_indices = #map}, {transform_indices = #map1}]} {
    %mul3A = arith.constant 2 : i32
    %mul3A_0 = arith.muli %arg1, %mul3A : i32
    %add3A = arith.addi %mul3A_0, %arg0 : i32
    "tpu.region"() ({
      %run_scoped3A = tpu.sem_alloc : memref<!tpu.dma_semaphore, #tpu.memory_space<semaphore_mem>>
      tpu.enqueue_dma source(%arg3 : memref<1280xi32, #tpu.memory_space<hbm>>) target(%arg7 : memref<1280xi32, #tpu.memory_space<vmem>>) target_semaphore(%run_scoped3A : memref<!tpu.dma_semaphore, #tpu.memory_space<semaphore_mem>>)
      tpu.wait_dma2 semaphore(%run_scoped3A : memref<!tpu.dma_semaphore, #tpu.memory_space<semaphore_mem>>) src(%arg3 : memref<1280xi32, #tpu.memory_space<hbm>>) dst(%arg7 : memref<1280xi32, #tpu.memory_space<vmem>>)
      tpu.yield
    }) : () -> ()
    "tpu.region"() ({
      %run_scoped3A = tpu.sem_alloc : memref<!tpu.dma_semaphore, #tpu.memory_space<semaphore_mem>>
      tpu.enqueue_dma source(%arg4 : memref<80xi32, #tpu.memory_space<hbm>>) target(%arg8 : memref<80xi32, #tpu.memory_space<vmem>>) target_semaphore(%run_scoped3A : memref<!tpu.dma_semaphore, #tpu.memory_space<semaphore_mem>>)
      tpu.wait_dma2 semaphore(%run_scoped3A : memref<!tpu.dma_semaphore, #tpu.memory_space<semaphore_mem>>) src(%arg4 : memref<80xi32, #tpu.memory_space<hbm>>) dst(%arg8 : memref<80xi32, #tpu.memory_space<vmem>>)
      tpu.yield
    }) : () -> ()
    %mul3A_1 = arith.constant 32768 : i32
    %mul3A_2 = arith.muli %add3A, %mul3A_1 : i32
    "tpu.region"() ({
      %run_scoped3A = tpu.sem_alloc : memref<!tpu.dma_semaphore, #tpu.memory_space<semaphore_mem>>
      %dma_start3A = arith.constant 0 : i32
      %dma_start3A_33 = tpu.memref_slice %arg6[%dma_start3A] : memref<33280xf32, #tpu.memory_space<vmem>> -> memref<32768xf32, #tpu.memory_space<vmem>>
      %dma_start3A_34 = tpu.memref_slice %arg2[%mul3A_2] : memref<1048576xf32, #tpu.memory_space<hbm>> -> memref<32768xf32, #tpu.memory_space<hbm>>
      %dma_start3A_35 = arith.constant 0 : i32
      %dma_start3A_36 = tpu.memref_slice %arg6[%dma_start3A_35] : memref<33280xf32, #tpu.memory_space<vmem>> -> memref<32768xf32, #tpu.memory_space<vmem>>
      %dma_start3A_37 = tpu.memref_slice %arg2[%mul3A_2] : memref<1048576xf32, #tpu.memory_space<hbm>> -> memref<32768xf32, #tpu.memory_space<hbm>>
      tpu.enqueue_dma source(%dma_start3A_37 : memref<32768xf32, #tpu.memory_space<hbm>>) target(%dma_start3A_36 : memref<32768xf32, #tpu.memory_space<vmem>>) target_semaphore(%run_scoped3A : memref<!tpu.dma_semaphore, #tpu.memory_space<semaphore_mem>>)
      %dma_wait3A_38 = arith.constant 0 : i32
      %dma_wait3A_39 = tpu.memref_slice %arg6[%dma_wait3A_38] : memref<33280xf32, #tpu.memory_space<vmem>> -> memref<32768xf32, #tpu.memory_space<vmem>>
      %dma_wait3A_40 = tpu.memref_slice %arg2[%mul3A_2] : memref<1048576xf32, #tpu.memory_space<hbm>> -> memref<32768xf32, #tpu.memory_space<hbm>>
      %dma_wait3A_41 = arith.constant 0 : i32
      %dma_wait3A_42 = tpu.memref_slice %arg6[%dma_wait3A_41] : memref<33280xf32, #tpu.memory_space<vmem>> -> memref<32768xf32, #tpu.memory_space<vmem>>
      %dma_wait3A_43 = tpu.memref_slice %arg2[%mul3A_2] : memref<1048576xf32, #tpu.memory_space<hbm>> -> memref<32768xf32, #tpu.memory_space<hbm>>
      tpu.wait_dma2 semaphore(%run_scoped3A : memref<!tpu.dma_semaphore, #tpu.memory_space<semaphore_mem>>) src(%dma_wait3A_43 : memref<32768xf32, #tpu.memory_space<hbm>>) dst(%dma_wait3A_42 : memref<32768xf32, #tpu.memory_space<vmem>>)
      tpu.yield
    }) : () -> ()
    %broadcast_in_dim3A = arith.constant 0.000000e+00 : f32
    %broadcast_in_dim3A_3 = vector.broadcast %broadcast_in_dim3A : f32 to vector<16xf32>
    %parallel_loop3A = arith.constant 0 : i32
    %parallel_loop3A_4 = arith.constant 32 : i32
    %parallel_loop3A_5 = arith.constant 1 : i32
    scf.for %parallel_loop3A_33 = %parallel_loop3A to %parallel_loop3A_4 step %parallel_loop3A_5  : i32 {
      %parallel_loop3A_34 = arith.constant 16 : i32
      %parallel_loop3A_35 = arith.muli %parallel_loop3A_33, %parallel_loop3A_34 : i32
      %parallel_loop3A_36 = arith.constant 32768 : i32
      %parallel_loop3A_37 = arith.addi %parallel_loop3A_36, %parallel_loop3A_35 : i32
      %parallel_loop3A_38 = arith.index_cast %parallel_loop3A_37 : i32 to index
      %parallel_loop3A_39 = tpu.vector_load %arg6[%parallel_loop3A_38] {strides = array<i32>} : memref<33280xf32, #tpu.memory_space<vmem>>, vector<16xf32>,
      tpu.vector_store %arg6[%parallel_loop3A_38], %broadcast_in_dim3A_3 {strides = array<i32>} : memref<33280xf32, #tpu.memory_space<vmem>>, vector<16xf32>,
    } {sc.loop_unroll_factor = 1 : i64, sc.parallel_access}
    %parallel_loop3A_6 = arith.constant 0 : i32
    %parallel_loop3A_7 = arith.constant 2048 : i32
    %parallel_loop3A_8 = arith.constant 1 : i32
    scf.for %parallel_loop3A_33 = %parallel_loop3A_6 to %parallel_loop3A_7 step %parallel_loop3A_8  : i32 {
      %parallel_loop3A_34 = arith.constant 5 : i32
      %parallel_loop3A_35 = arith.shrui %parallel_loop3A_33, %parallel_loop3A_34 : i32
      %parallel_loop3A_36 = arith.constant 31 : i32
      %parallel_loop3A_37 = arith.andi %parallel_loop3A_33, %parallel_loop3A_36 : i32
      %parallel_loop3A_38 = arith.constant 16 : i32
      %parallel_loop3A_39 = arith.muli %parallel_loop3A_37, %parallel_loop3A_38 : i32
      %parallel_loop3A_40 = arith.index_cast %parallel_loop3A_35 : i32 to index
      %parallel_loop3A_41 = arith.index_cast %parallel_loop3A_39 : i32 to index
      %parallel_loop3A_42 = tpu.vector_load %arg9[%parallel_loop3A_40, %parallel_loop3A_41] {strides = array<i32>} : memref<64x512xf32, #tpu.memory_space<vmem>>, vector<16xf32>,
      tpu.vector_store %arg9[%parallel_loop3A_40, %parallel_loop3A_41], %broadcast_in_dim3A_3 {strides = array<i32>} : memref<64x512xf32, #tpu.memory_space<vmem>>, vector<16xf32>,
      %parallel_loop3A_43 = arith.constant 16 : i32
      %parallel_loop3A_44 = arith.muli %parallel_loop3A_37, %parallel_loop3A_43 : i32
      %parallel_loop3A_45 = arith.index_cast %parallel_loop3A_35 : i32 to index
      %parallel_loop3A_46 = arith.index_cast %parallel_loop3A_44 : i32 to index
      %parallel_loop3A_47 = tpu.vector_load %arg10[%parallel_loop3A_45, %parallel_loop3A_46] {strides = array<i32>} : memref<64x512xf32, #tpu.memory_space<vmem>>, vector<16xf32>,
      tpu.vector_store %arg10[%parallel_loop3A_45, %parallel_loop3A_46], %broadcast_in_dim3A_3 {strides = array<i32>} : memref<64x512xf32, #tpu.memory_space<vmem>>, vector<16xf32>,
    } {sc.loop_unroll_factor = 1 : i64, sc.parallel_access}
    %scan3A = arith.constant 0 : i32
    %scan3A_9 = arith.constant 0 : i32
    %scan3A_10 = arith.constant 32 : i32
    %scan3A_11 = arith.addi %scan3A_9, %scan3A_10 : i32
    %scan3A_12 = arith.constant 1 : i32
    scf.for %scan3A_33 = %scan3A_9 to %scan3A_11 step %scan3A_12  : i32 {
      %mul3A_34 = arith.constant 2 : i32
      %mul3A_35 = arith.muli %mul3A_34, %scan3A_33 : i32
      %ge3A = arith.constant 2 : i32
      %ge3A_36 = arith.cmpi sge, %mul3A_35, %ge3A : i32
      %convert_element_type3A = arith.extui %ge3A_36 : i1 to i32
      %cond3A = arith.constant 0 : i32
      %cond3A_37 = arith.cmpi ne, %convert_element_type3A, %cond3A : i32
      scf.if %cond3A_37 {
        %dma_wait3A_77 = arith.constant 0 : i32
        %dma_wait3A_78 = arith.constant 0 : i32
        %dma_wait3A_79 = arith.constant 0 : i32
        %dma_wait3A_80 = arith.constant 0 : i32
        %dma_wait3A_81 = tpu.memref_slice %arg5[%dma_wait3A_77, %dma_wait3A_78, %dma_wait3A_79, %dma_wait3A_80] : memref<32x64x64x512xf32, #tpu.memory_space<hbm>> -> memref<1x1x64x512xf32, #tpu.memory_space<hbm>>
        %dma_wait3A_82 = tpu.memref_squeeze %dma_wait3A_81 : memref<1x1x64x512xf32, #tpu.memory_space<hbm>> -> memref<64x512xf32, #tpu.memory_space<hbm>>
        %dma_wait3A_83 = arith.constant 0 : i32
        %dma_wait3A_84 = arith.constant 0 : i32
        %dma_wait3A_85 = tpu.memref_slice %arg5[%dma_wait3A_77, %dma_wait3A_78, %dma_wait3A_83, %dma_wait3A_84] : memref<32x64x64x512xf32, #tpu.memory_space<hbm>> -> memref<1x1x64x512xf32, #tpu.memory_space<hbm>>
        %dma_wait3A_86 = tpu.memref_squeeze %dma_wait3A_85 : memref<1x1x64x512xf32, #tpu.memory_space<hbm>> -> memref<64x512xf32, #tpu.memory_space<hbm>>
        tpu.wait_dma2 semaphore(%arg11 : memref<!tpu.dma_semaphore, #tpu.memory_space<semaphore_mem>>) src(%arg9 : memref<64x512xf32, #tpu.memory_space<vmem>>) dst(%dma_wait3A_86 : memref<64x512xf32, #tpu.memory_space<hbm>>)
      } else {
      }
      %get3A = arith.index_cast %mul3A_35 : i32 to index
      %get3A_38 = tpu.vector_load %arg8[%get3A] {strides = array<i32>} : memref<80xi32, #tpu.memory_space<vmem>>, vector<16xi32>,
      %slice3A = vector.extract_strided_slice %get3A_38 {offsets = [0], sizes = [1], strides = [1]} : vector<16xi32> to vector<1xi32>
      %squeeze3A = vector.extract %slice3A[0] : i32 from vector<1xi32>
      %slice3A_39 = vector.extract_strided_slice %get3A_38 {offsets = [1], sizes = [1], strides = [1]} : vector<16xi32> to vector<1xi32>
      %squeeze3A_40 = vector.extract %slice3A_39[0] : i32 from vector<1xi32>
      %mul3A_41 = arith.constant 512 : i32
      %mul3A_42 = arith.muli %mul3A_35, %mul3A_41 : i32
      %parallel_loop3A_43 = arith.constant 1 : i32
      scf.for %parallel_loop3A_77 = %squeeze3A to %squeeze3A_40 step %parallel_loop3A_43  : i32 {
        %parallel_loop3A_78 = arith.index_cast %parallel_loop3A_77 : i32 to index
        %parallel_loop3A_79 = tpu.vector_load %arg7[%parallel_loop3A_78] {strides = array<i32>} : memref<1280xi32, #tpu.memory_space<vmem>>, vector<16xi32>,
        %parallel_loop3A_80 = vector.extract_strided_slice %parallel_loop3A_79 {offsets = [0], sizes = [1], strides = [1]} : vector<16xi32> to vector<1xi32>
        %parallel_loop3A_81 = vector.extract %parallel_loop3A_80[0] : i32 from vector<1xi32>
        %parallel_loop3A_82 = arith.constant 63 : i32
        %parallel_loop3A_83 = arith.andi %parallel_loop3A_81, %parallel_loop3A_82 : i32
        %parallel_loop3A_84 = arith.constant 6 : i32
        %parallel_loop3A_85 = arith.shrui %parallel_loop3A_81, %parallel_loop3A_84 : i32
        %parallel_loop3A_86 = arith.constant 1 : i32
        %parallel_loop3A_87 = arith.andi %parallel_loop3A_85, %parallel_loop3A_86 : i32
        %parallel_loop3A_88 = arith.constant 1 : i32
        %parallel_loop3A_89 = arith.subi %parallel_loop3A_88, %parallel_loop3A_87 : i32
        %parallel_loop3A_90 = arith.sitofp %parallel_loop3A_89 : i32 to f32
        %parallel_loop3A_91 = vector.broadcast %parallel_loop3A_90 : f32 to vector<16xf32>
        %parallel_loop3A_92 = arith.constant 128 : i32
        %parallel_loop3A_93 = arith.cmpi sge, %parallel_loop3A_81, %parallel_loop3A_92 : i32
        %parallel_loop3A_94 = arith.constant 512 : i32
        %parallel_loop3A_95 = arith.muli %parallel_loop3A_83, %parallel_loop3A_94 : i32
        %parallel_loop3A_96 = arith.constant 32768 : i32
        %parallel_loop3A_97 = arith.select %parallel_loop3A_93, %parallel_loop3A_96, %parallel_loop3A_95 : i32
        %parallel_loop3A_98 = arith.constant 0 : i32
        %parallel_loop3A_99 = arith.addi %mul3A_42, %parallel_loop3A_98 : i32
        %parallel_loop3A_100 = arith.index_cast %parallel_loop3A_99 : i32 to index
        %parallel_loop3A_101 = tpu.vector_load %arg6[%parallel_loop3A_100] {strides = array<i32>} : memref<33280xf32, #tpu.memory_space<vmem>>, vector<16xf32>,
        %parallel_loop3A_102 = arith.constant 0 : i32
        %parallel_loop3A_103 = arith.addi %parallel_loop3A_97, %parallel_loop3A_102 : i32
        %parallel_loop3A_104 = arith.index_cast %parallel_loop3A_103 : i32 to index
        %parallel_loop3A_105 = tpu.vector_load %arg6[%parallel_loop3A_104] {strides = array<i32>} : memref<33280xf32, #tpu.memory_space<vmem>>, vector<16xf32>,
        %parallel_loop3A_106 = arith.addf %parallel_loop3A_101, %parallel_loop3A_105 : vector<16xf32>
        %parallel_loop3A_107 = arith.mulf %parallel_loop3A_106, %parallel_loop3A_91 : vector<16xf32>
        %parallel_loop3A_108 = arith.index_cast %parallel_loop3A_83 : i32 to index
        %parallel_loop3A_109 = arith.constant 0 : index
        %parallel_loop3A_110 = tpu.vector_load %arg9[%parallel_loop3A_108, %parallel_loop3A_109] {strides = array<i32>} : memref<64x512xf32, #tpu.memory_space<vmem>>, vector<16xf32>,
        tpu.vector_store %arg9[%parallel_loop3A_108, %parallel_loop3A_109], %parallel_loop3A_107 {strides = array<i32>} : memref<64x512xf32, #tpu.memory_space<vmem>>, vector<16xf32>,
        %parallel_loop3A_111 = arith.constant 16 : i32
        %parallel_loop3A_112 = arith.addi %mul3A_42, %parallel_loop3A_111 : i32
        %parallel_loop3A_113 = arith.index_cast %parallel_loop3A_112 : i32 to index
        %parallel_loop3A_114 = tpu.vector_load %arg6[%parallel_loop3A_113] {strides = array<i32>} : memref<33280xf32, #tpu.memory_space<vmem>>, vector<16xf32>,
        %parallel_loop3A_115 = arith.constant 16 : i32
        %parallel_loop3A_116 = arith.addi %parallel_loop3A_97, %parallel_loop3A_115 : i32
        %parallel_loop3A_117 = arith.index_cast %parallel_loop3A_116 : i32 to index
        %parallel_loop3A_118 = tpu.vector_load %arg6[%parallel_loop3A_117] {strides = array<i32>} : memref<33280xf32, #tpu.memory_space<vmem>>, vector<16xf32>,
        %parallel_loop3A_119 = arith.addf %parallel_loop3A_114, %parallel_loop3A_118 : vector<16xf32>
        %parallel_loop3A_120 = arith.mulf %parallel_loop3A_119, %parallel_loop3A_91 : vector<16xf32>
        %parallel_loop3A_121 = arith.index_cast %parallel_loop3A_83 : i32 to index
        %parallel_loop3A_122 = arith.constant 16 : index
        %parallel_loop3A_123 = tpu.vector_load %arg9[%parallel_loop3A_121, %parallel_loop3A_122] {strides = array<i32>} : memref<64x512xf32, #tpu.memory_space<vmem>>, vector<16xf32>,
        tpu.vector_store %arg9[%parallel_loop3A_121, %parallel_loop3A_122], %parallel_loop3A_120 {strides = array<i32>} : memref<64x512xf32, #tpu.memory_space<vmem>>, vector<16xf32>,
        %parallel_loop3A_124 = arith.constant 32 : i32
        %parallel_loop3A_125 = arith.addi %mul3A_42, %parallel_loop3A_124 : i32
        %parallel_loop3A_126 = arith.index_cast %parallel_loop3A_125 : i32 to index
        %parallel_loop3A_127 = tpu.vector_load %arg6[%parallel_loop3A_126] {strides = array<i32>} : memref<33280xf32, #tpu.memory_space<vmem>>, vector<16xf32>,
        %parallel_loop3A_128 = arith.constant 32 : i32
        %parallel_loop3A_129 = arith.addi %parallel_loop3A_97, %parallel_loop3A_128 : i32
        %parallel_loop3A_130 = arith.index_cast %parallel_loop3A_129 : i32 to index
        %parallel_loop3A_131 = tpu.vector_load %arg6[%parallel_loop3A_130] {strides = array<i32>} : memref<33280xf32, #tpu.memory_space<vmem>>, vector<16xf32>,
        %parallel_loop3A_132 = arith.addf %parallel_loop3A_127, %parallel_loop3A_131 : vector<16xf32>
        %parallel_loop3A_133 = arith.mulf %parallel_loop3A_132, %parallel_loop3A_91 : vector<16xf32>
        %parallel_loop3A_134 = arith.index_cast %parallel_loop3A_83 : i32 to index
        %parallel_loop3A_135 = arith.constant 32 : index
        %parallel_loop3A_136 = tpu.vector_load %arg9[%parallel_loop3A_134, %parallel_loop3A_135] {strides = array<i32>} : memref<64x512xf32, #tpu.memory_space<vmem>>, vector<16xf32>,
        tpu.vector_store %arg9[%parallel_loop3A_134, %parallel_loop3A_135], %parallel_loop3A_133 {strides = array<i32>} : memref<64x512xf32, #tpu.memory_space<vmem>>, vector<16xf32>,
        %parallel_loop3A_137 = arith.constant 48 : i32
        %parallel_loop3A_138 = arith.addi %mul3A_42, %parallel_loop3A_137 : i32
        %parallel_loop3A_139 = arith.index_cast %parallel_loop3A_138 : i32 to index
        %parallel_loop3A_140 = tpu.vector_load %arg6[%parallel_loop3A_139] {strides = array<i32>} : memref<33280xf32, #tpu.memory_space<vmem>>, vector<16xf32>,
        %parallel_loop3A_141 = arith.constant 48 : i32
        %parallel_loop3A_142 = arith.addi %parallel_loop3A_97, %parallel_loop3A_141 : i32
        %parallel_loop3A_143 = arith.index_cast %parallel_loop3A_142 : i32 to index
        %parallel_loop3A_144 = tpu.vector_load %arg6[%parallel_loop3A_143] {strides = array<i32>} : memref<33280xf32, #tpu.memory_space<vmem>>, vector<16xf32>,
        %parallel_loop3A_145 = arith.addf %parallel_loop3A_140, %parallel_loop3A_144 : vector<16xf32>
        %parallel_loop3A_146 = arith.mulf %parallel_loop3A_145, %parallel_loop3A_91 : vector<16xf32>
        %parallel_loop3A_147 = arith.index_cast %parallel_loop3A_83 : i32 to index
        %parallel_loop3A_148 = arith.constant 48 : index
        %parallel_loop3A_149 = tpu.vector_load %arg9[%parallel_loop3A_147, %parallel_loop3A_148] {strides = array<i32>} : memref<64x512xf32, #tpu.memory_space<vmem>>, vector<16xf32>,
        tpu.vector_store %arg9[%parallel_loop3A_147, %parallel_loop3A_148], %parallel_loop3A_146 {strides = array<i32>} : memref<64x512xf32, #tpu.memory_space<vmem>>, vector<16xf32>,
        %parallel_loop3A_150 = arith.constant 64 : i32
        %parallel_loop3A_151 = arith.addi %mul3A_42, %parallel_loop3A_150 : i32
        %parallel_loop3A_152 = arith.index_cast %parallel_loop3A_151 : i32 to index
        %parallel_loop3A_153 = tpu.vector_load %arg6[%parallel_loop3A_152] {strides = array<i32>} : memref<33280xf32, #tpu.memory_space<vmem>>, vector<16xf32>,
        %parallel_loop3A_154 = arith.constant 64 : i32
        %parallel_loop3A_155 = arith.addi %parallel_loop3A_97, %parallel_loop3A_154 : i32
        %parallel_loop3A_156 = arith.index_cast %parallel_loop3A_155 : i32 to index
        %parallel_loop3A_157 = tpu.vector_load %arg6[%parallel_loop3A_156] {strides = array<i32>} : memref<33280xf32, #tpu.memory_space<vmem>>, vector<16xf32>,
        %parallel_loop3A_158 = arith.addf %parallel_loop3A_153, %parallel_loop3A_157 : vector<16xf32>
        %parallel_loop3A_159 = arith.mulf %parallel_loop3A_158, %parallel_loop3A_91 : vector<16xf32>
        %parallel_loop3A_160 = arith.index_cast %parallel_loop3A_83 : i32 to index
        %parallel_loop3A_161 = arith.constant 64 : index
        %parallel_loop3A_162 = tpu.vector_load %arg9[%parallel_loop3A_160, %parallel_loop3A_161] {strides = array<i32>} : memref<64x512xf32, #tpu.memory_space<vmem>>, vector<16xf32>,
        tpu.vector_store %arg9[%parallel_loop3A_160, %parallel_loop3A_161], %parallel_loop3A_159 {strides = array<i32>} : memref<64x512xf32, #tpu.memory_space<vmem>>, vector<16xf32>,
        %parallel_loop3A_163 = arith.constant 80 : i32
        %parallel_loop3A_164 = arith.addi %mul3A_42, %parallel_loop3A_163 : i32
        %parallel_loop3A_165 = arith.index_cast %parallel_loop3A_164 : i32 to index
        %parallel_loop3A_166 = tpu.vector_load %arg6[%parallel_loop3A_165] {strides = array<i32>} : memref<33280xf32, #tpu.memory_space<vmem>>, vector<16xf32>,
        %parallel_loop3A_167 = arith.constant 80 : i32
        %parallel_loop3A_168 = arith.addi %parallel_loop3A_97, %parallel_loop3A_167 : i32
        %parallel_loop3A_169 = arith.index_cast %parallel_loop3A_168 : i32 to index
        %parallel_loop3A_170 = tpu.vector_load %arg6[%parallel_loop3A_169] {strides = array<i32>} : memref<33280xf32, #tpu.memory_space<vmem>>, vector<16xf32>,
        %parallel_loop3A_171 = arith.addf %parallel_loop3A_166, %parallel_loop3A_170 : vector<16xf32>
        %parallel_loop3A_172 = arith.mulf %parallel_loop3A_171, %parallel_loop3A_91 : vector<16xf32>
        %parallel_loop3A_173 = arith.index_cast %parallel_loop3A_83 : i32 to index
        %parallel_loop3A_174 = arith.constant 80 : index
        %parallel_loop3A_175 = tpu.vector_load %arg9[%parallel_loop3A_173, %parallel_loop3A_174] {strides = array<i32>} : memref<64x512xf32, #tpu.memory_space<vmem>>, vector<16xf32>,
        tpu.vector_store %arg9[%parallel_loop3A_173, %parallel_loop3A_174], %parallel_loop3A_172 {strides = array<i32>} : memref<64x512xf32, #tpu.memory_space<vmem>>, vector<16xf32>,
        %parallel_loop3A_176 = arith.constant 96 : i32
        %parallel_loop3A_177 = arith.addi %mul3A_42, %parallel_loop3A_176 : i32
        %parallel_loop3A_178 = arith.index_cast %parallel_loop3A_177 : i32 to index
        %parallel_loop3A_179 = tpu.vector_load %arg6[%parallel_loop3A_178] {strides = array<i32>} : memref<33280xf32, #tpu.memory_space<vmem>>, vector<16xf32>,
        %parallel_loop3A_180 = arith.constant 96 : i32
        %parallel_loop3A_181 = arith.addi %parallel_loop3A_97, %parallel_loop3A_180 : i32
        %parallel_loop3A_182 = arith.index_cast %parallel_loop3A_181 : i32 to index
        %parallel_loop3A_183 = tpu.vector_load %arg6[%parallel_loop3A_182] {strides = array<i32>} : memref<33280xf32, #tpu.memory_space<vmem>>, vector<16xf32>,
        %parallel_loop3A_184 = arith.addf %parallel_loop3A_179, %parallel_loop3A_183 : vector<16xf32>
        %parallel_loop3A_185 = arith.mulf %parallel_loop3A_184, %parallel_loop3A_91 : vector<16xf32>
        %parallel_loop3A_186 = arith.index_cast %parallel_loop3A_83 : i32 to index
        %parallel_loop3A_187 = arith.constant 96 : index
        %parallel_loop3A_188 = tpu.vector_load %arg9[%parallel_loop3A_186, %parallel_loop3A_187] {strides = array<i32>} : memref<64x512xf32, #tpu.memory_space<vmem>>, vector<16xf32>,
        tpu.vector_store %arg9[%parallel_loop3A_186, %parallel_loop3A_187], %parallel_loop3A_185 {strides = array<i32>} : memref<64x512xf32, #tpu.memory_space<vmem>>, vector<16xf32>,
        %parallel_loop3A_189 = arith.constant 112 : i32
        %parallel_loop3A_190 = arith.addi %mul3A_42, %parallel_loop3A_189 : i32
        %parallel_loop3A_191 = arith.index_cast %parallel_loop3A_190 : i32 to index
        %parallel_loop3A_192 = tpu.vector_load %arg6[%parallel_loop3A_191] {strides = array<i32>} : memref<33280xf32, #tpu.memory_space<vmem>>, vector<16xf32>,
        %parallel_loop3A_193 = arith.constant 112 : i32
        %parallel_loop3A_194 = arith.addi %parallel_loop3A_97, %parallel_loop3A_193 : i32
        %parallel_loop3A_195 = arith.index_cast %parallel_loop3A_194 : i32 to index
        %parallel_loop3A_196 = tpu.vector_load %arg6[%parallel_loop3A_195] {strides = array<i32>} : memref<33280xf32, #tpu.memory_space<vmem>>, vector<16xf32>,
        %parallel_loop3A_197 = arith.addf %parallel_loop3A_192, %parallel_loop3A_196 : vector<16xf32>
        %parallel_loop3A_198 = arith.mulf %parallel_loop3A_197, %parallel_loop3A_91 : vector<16xf32>
        %parallel_loop3A_199 = arith.index_cast %parallel_loop3A_83 : i32 to index
        %parallel_loop3A_200 = arith.constant 112 : index
        %parallel_loop3A_201 = tpu.vector_load %arg9[%parallel_loop3A_199, %parallel_loop3A_200] {strides = array<i32>} : memref<64x512xf32, #tpu.memory_space<vmem>>, vector<16xf32>,
        tpu.vector_store %arg9[%parallel_loop3A_199, %parallel_loop3A_200], %parallel_loop3A_198 {strides = array<i32>} : memref<64x512xf32, #tpu.memory_space<vmem>>, vector<16xf32>,
        %parallel_loop3A_202 = arith.constant 128 : i32
        %parallel_loop3A_203 = arith.addi %mul3A_42, %parallel_loop3A_202 : i32
        %parallel_loop3A_204 = arith.index_cast %parallel_loop3A_203 : i32 to index
        %parallel_loop3A_205 = tpu.vector_load %arg6[%parallel_loop3A_204] {strides = array<i32>} : memref<33280xf32, #tpu.memory_space<vmem>>, vector<16xf32>,
        %parallel_loop3A_206 = arith.constant 128 : i32
        %parallel_loop3A_207 = arith.addi %parallel_loop3A_97, %parallel_loop3A_206 : i32
        %parallel_loop3A_208 = arith.index_cast %parallel_loop3A_207 : i32 to index
        %parallel_loop3A_209 = tpu.vector_load %arg6[%parallel_loop3A_208] {strides = array<i32>} : memref<33280xf32, #tpu.memory_space<vmem>>, vector<16xf32>,
        %parallel_loop3A_210 = arith.addf %parallel_loop3A_205, %parallel_loop3A_209 : vector<16xf32>
        %parallel_loop3A_211 = arith.mulf %parallel_loop3A_210, %parallel_loop3A_91 : vector<16xf32>
        %parallel_loop3A_212 = arith.index_cast %parallel_loop3A_83 : i32 to index
        %parallel_loop3A_213 = arith.constant 128 : index
        %parallel_loop3A_214 = tpu.vector_load %arg9[%parallel_loop3A_212, %parallel_loop3A_213] {strides = array<i32>} : memref<64x512xf32, #tpu.memory_space<vmem>>, vector<16xf32>,
        tpu.vector_store %arg9[%parallel_loop3A_212, %parallel_loop3A_213], %parallel_loop3A_211 {strides = array<i32>} : memref<64x512xf32, #tpu.memory_space<vmem>>, vector<16xf32>,
        %parallel_loop3A_215 = arith.constant 144 : i32
        %parallel_loop3A_216 = arith.addi %mul3A_42, %parallel_loop3A_215 : i32
        %parallel_loop3A_217 = arith.index_cast %parallel_loop3A_216 : i32 to index
        %parallel_loop3A_218 = tpu.vector_load %arg6[%parallel_loop3A_217] {strides = array<i32>} : memref<33280xf32, #tpu.memory_space<vmem>>, vector<16xf32>,
        %parallel_loop3A_219 = arith.constant 144 : i32
        %parallel_loop3A_220 = arith.addi %parallel_loop3A_97, %parallel_loop3A_219 : i32
        %parallel_loop3A_221 = arith.index_cast %parallel_loop3A_220 : i32 to index
        %parallel_loop3A_222 = tpu.vector_load %arg6[%parallel_loop3A_221] {strides = array<i32>} : memref<33280xf32, #tpu.memory_space<vmem>>, vector<16xf32>,
        %parallel_loop3A_223 = arith.addf %parallel_loop3A_218, %parallel_loop3A_222 : vector<16xf32>
        %parallel_loop3A_224 = arith.mulf %parallel_loop3A_223, %parallel_loop3A_91 : vector<16xf32>
        %parallel_loop3A_225 = arith.index_cast %parallel_loop3A_83 : i32 to index
        %parallel_loop3A_226 = arith.constant 144 : index
        %parallel_loop3A_227 = tpu.vector_load %arg9[%parallel_loop3A_225, %parallel_loop3A_226] {strides = array<i32>} : memref<64x512xf32, #tpu.memory_space<vmem>>, vector<16xf32>,
        tpu.vector_store %arg9[%parallel_loop3A_225, %parallel_loop3A_226], %parallel_loop3A_224 {strides = array<i32>} : memref<64x512xf32, #tpu.memory_space<vmem>>, vector<16xf32>,
        %parallel_loop3A_228 = arith.constant 160 : i32
        %parallel_loop3A_229 = arith.addi %mul3A_42, %parallel_loop3A_228 : i32
        %parallel_loop3A_230 = arith.index_cast %parallel_loop3A_229 : i32 to index
        %parallel_loop3A_231 = tpu.vector_load %arg6[%parallel_loop3A_230] {strides = array<i32>} : memref<33280xf32, #tpu.memory_space<vmem>>, vector<16xf32>,
        %parallel_loop3A_232 = arith.constant 160 : i32
        %parallel_loop3A_233 = arith.addi %parallel_loop3A_97, %parallel_loop3A_232 : i32
        %parallel_loop3A_234 = arith.index_cast %parallel_loop3A_233 : i32 to index
        %parallel_loop3A_235 = tpu.vector_load %arg6[%parallel_loop3A_234] {strides = array<i32>} : memref<33280xf32, #tpu.memory_space<vmem>>, vector<16xf32>,
        %parallel_loop3A_236 = arith.addf %parallel_loop3A_231, %parallel_loop3A_235 : vector<16xf32>
        %parallel_loop3A_237 = arith.mulf %parallel_loop3A_236, %parallel_loop3A_91 : vector<16xf32>
        %parallel_loop3A_238 = arith.index_cast %parallel_loop3A_83 : i32 to index
        %parallel_loop3A_239 = arith.constant 160 : index
        %parallel_loop3A_240 = tpu.vector_load %arg9[%parallel_loop3A_238, %parallel_loop3A_239] {strides = array<i32>} : memref<64x512xf32, #tpu.memory_space<vmem>>, vector<16xf32>,
        tpu.vector_store %arg9[%parallel_loop3A_238, %parallel_loop3A_239], %parallel_loop3A_237 {strides = array<i32>} : memref<64x512xf32, #tpu.memory_space<vmem>>, vector<16xf32>,
        %parallel_loop3A_241 = arith.constant 176 : i32
        %parallel_loop3A_242 = arith.addi %mul3A_42, %parallel_loop3A_241 : i32
        %parallel_loop3A_243 = arith.index_cast %parallel_loop3A_242 : i32 to index
        %parallel_loop3A_244 = tpu.vector_load %arg6[%parallel_loop3A_243] {strides = array<i32>} : memref<33280xf32, #tpu.memory_space<vmem>>, vector<16xf32>,
        %parallel_loop3A_245 = arith.constant 176 : i32
        %parallel_loop3A_246 = arith.addi %parallel_loop3A_97, %parallel_loop3A_245 : i32
        %parallel_loop3A_247 = arith.index_cast %parallel_loop3A_246 : i32 to index
        %parallel_loop3A_248 = tpu.vector_load %arg6[%parallel_loop3A_247] {strides = array<i32>} : memref<33280xf32, #tpu.memory_space<vmem>>, vector<16xf32>,
        %parallel_loop3A_249 = arith.addf %parallel_loop3A_244, %parallel_loop3A_248 : vector<16xf32>
        %parallel_loop3A_250 = arith.mulf %parallel_loop3A_249, %parallel_loop3A_91 : vector<16xf32>
        %parallel_loop3A_251 = arith.index_cast %parallel_loop3A_83 : i32 to index
        %parallel_loop3A_252 = arith.constant 176 : index
        %parallel_loop3A_253 = tpu.vector_load %arg9[%parallel_loop3A_251, %parallel_loop3A_252] {strides = array<i32>} : memref<64x512xf32, #tpu.memory_space<vmem>>, vector<16xf32>,
        tpu.vector_store %arg9[%parallel_loop3A_251, %parallel_loop3A_252], %parallel_loop3A_250 {strides = array<i32>} : memref<64x512xf32, #tpu.memory_space<vmem>>, vector<16xf32>,
        %parallel_loop3A_254 = arith.constant 192 : i32
        %parallel_loop3A_255 = arith.addi %mul3A_42, %parallel_loop3A_254 : i32
        %parallel_loop3A_256 = arith.index_cast %parallel_loop3A_255 : i32 to index
        %parallel_loop3A_257 = tpu.vector_load %arg6[%parallel_loop3A_256] {strides = array<i32>} : memref<33280xf32, #tpu.memory_space<vmem>>, vector<16xf32>,
        %parallel_loop3A_258 = arith.constant 192 : i32
        %parallel_loop3A_259 = arith.addi %parallel_loop3A_97, %parallel_loop3A_258 : i32
        %parallel_loop3A_260 = arith.index_cast %parallel_loop3A_259 : i32 to index
        %parallel_loop3A_261 = tpu.vector_load %arg6[%parallel_loop3A_260] {strides = array<i32>} : memref<33280xf32, #tpu.memory_space<vmem>>, vector<16xf32>,
        %parallel_loop3A_262 = arith.addf %parallel_loop3A_257, %parallel_loop3A_261 : vector<16xf32>
        %parallel_loop3A_263 = arith.mulf %parallel_loop3A_262, %parallel_loop3A_91 : vector<16xf32>
        %parallel_loop3A_264 = arith.index_cast %parallel_loop3A_83 : i32 to index
        %parallel_loop3A_265 = arith.constant 192 : index
        %parallel_loop3A_266 = tpu.vector_load %arg9[%parallel_loop3A_264, %parallel_loop3A_265] {strides = array<i32>} : memref<64x512xf32, #tpu.memory_space<vmem>>, vector<16xf32>,
        tpu.vector_store %arg9[%parallel_loop3A_264, %parallel_loop3A_265], %parallel_loop3A_263 {strides = array<i32>} : memref<64x512xf32, #tpu.memory_space<vmem>>, vector<16xf32>,
        %parallel_loop3A_267 = arith.constant 208 : i32
        %parallel_loop3A_268 = arith.addi %mul3A_42, %parallel_loop3A_267 : i32
        %parallel_loop3A_269 = arith.index_cast %parallel_loop3A_268 : i32 to index
        %parallel_loop3A_270 = tpu.vector_load %arg6[%parallel_loop3A_269] {strides = array<i32>} : memref<33280xf32, #tpu.memory_space<vmem>>, vector<16xf32>,
        %parallel_loop3A_271 = arith.constant 208 : i32
        %parallel_loop3A_272 = arith.addi %parallel_loop3A_97, %parallel_loop3A_271 : i32
        %parallel_loop3A_273 = arith.index_cast %parallel_loop3A_272 : i32 to index
        %parallel_loop3A_274 = tpu.vector_load %arg6[%parallel_loop3A_273] {strides = array<i32>} : memref<33280xf32, #tpu.memory_space<vmem>>, vector<16xf32>,
        %parallel_loop3A_275 = arith.addf %parallel_loop3A_270, %parallel_loop3A_274 : vector<16xf32>
        %parallel_loop3A_276 = arith.mulf %parallel_loop3A_275, %parallel_loop3A_91 : vector<16xf32>
        %parallel_loop3A_277 = arith.index_cast %parallel_loop3A_83 : i32 to index
        %parallel_loop3A_278 = arith.constant 208 : index
        %parallel_loop3A_279 = tpu.vector_load %arg9[%parallel_loop3A_277, %parallel_loop3A_278] {strides = array<i32>} : memref<64x512xf32, #tpu.memory_space<vmem>>, vector<16xf32>,
        tpu.vector_store %arg9[%parallel_loop3A_277, %parallel_loop3A_278], %parallel_loop3A_276 {strides = array<i32>} : memref<64x512xf32, #tpu.memory_space<vmem>>, vector<16xf32>,
        %parallel_loop3A_280 = arith.constant 224 : i32
        %parallel_loop3A_281 = arith.addi %mul3A_42, %parallel_loop3A_280 : i32
        %parallel_loop3A_282 = arith.index_cast %parallel_loop3A_281 : i32 to index
        %parallel_loop3A_283 = tpu.vector_load %arg6[%parallel_loop3A_282] {strides = array<i32>} : memref<33280xf32, #tpu.memory_space<vmem>>, vector<16xf32>,
        %parallel_loop3A_284 = arith.constant 224 : i32
        %parallel_loop3A_285 = arith.addi %parallel_loop3A_97, %parallel_loop3A_284 : i32
        %parallel_loop3A_286 = arith.index_cast %parallel_loop3A_285 : i32 to index
        %parallel_loop3A_287 = tpu.vector_load %arg6[%parallel_loop3A_286] {strides = array<i32>} : memref<33280xf32, #tpu.memory_space<vmem>>, vector<16xf32>,
        %parallel_loop3A_288 = arith.addf %parallel_loop3A_283, %parallel_loop3A_287 : vector<16xf32>
        %parallel_loop3A_289 = arith.mulf %parallel_loop3A_288, %parallel_loop3A_91 : vector<16xf32>
        %parallel_loop3A_290 = arith.index_cast %parallel_loop3A_83 : i32 to index
        %parallel_loop3A_291 = arith.constant 224 : index
        %parallel_loop3A_292 = tpu.vector_load %arg9[%parallel_loop3A_290, %parallel_loop3A_291] {strides = array<i32>} : memref<64x512xf32, #tpu.memory_space<vmem>>, vector<16xf32>,
        tpu.vector_store %arg9[%parallel_loop3A_290, %parallel_loop3A_291], %parallel_loop3A_289 {strides = array<i32>} : memref<64x512xf32, #tpu.memory_space<vmem>>, vector<16xf32>,
        %parallel_loop3A_293 = arith.constant 240 : i32
        %parallel_loop3A_294 = arith.addi %mul3A_42, %parallel_loop3A_293 : i32
        %parallel_loop3A_295 = arith.index_cast %parallel_loop3A_294 : i32 to index
        %parallel_loop3A_296 = tpu.vector_load %arg6[%parallel_loop3A_295] {strides = array<i32>} : memref<33280xf32, #tpu.memory_space<vmem>>, vector<16xf32>,
        %parallel_loop3A_297 = arith.constant 240 : i32
        %parallel_loop3A_298 = arith.addi %parallel_loop3A_97, %parallel_loop3A_297 : i32
        %parallel_loop3A_299 = arith.index_cast %parallel_loop3A_298 : i32 to index
        %parallel_loop3A_300 = tpu.vector_load %arg6[%parallel_loop3A_299] {strides = array<i32>} : memref<33280xf32, #tpu.memory_space<vmem>>, vector<16xf32>,
        %parallel_loop3A_301 = arith.addf %parallel_loop3A_296, %parallel_loop3A_300 : vector<16xf32>
        %parallel_loop3A_302 = arith.mulf %parallel_loop3A_301, %parallel_loop3A_91 : vector<16xf32>
        %parallel_loop3A_303 = arith.index_cast %parallel_loop3A_83 : i32 to index
        %parallel_loop3A_304 = arith.constant 240 : index
        %parallel_loop3A_305 = tpu.vector_load %arg9[%parallel_loop3A_303, %parallel_loop3A_304] {strides = array<i32>} : memref<64x512xf32, #tpu.memory_space<vmem>>, vector<16xf32>,
        tpu.vector_store %arg9[%parallel_loop3A_303, %parallel_loop3A_304], %parallel_loop3A_302 {strides = array<i32>} : memref<64x512xf32, #tpu.memory_space<vmem>>, vector<16xf32>,
        %parallel_loop3A_306 = arith.constant 256 : i32
        %parallel_loop3A_307 = arith.addi %mul3A_42, %parallel_loop3A_306 : i32
        %parallel_loop3A_308 = arith.index_cast %parallel_loop3A_307 : i32 to index
        %parallel_loop3A_309 = tpu.vector_load %arg6[%parallel_loop3A_308] {strides = array<i32>} : memref<33280xf32, #tpu.memory_space<vmem>>, vector<16xf32>,
        %parallel_loop3A_310 = arith.constant 256 : i32
        %parallel_loop3A_311 = arith.addi %parallel_loop3A_97, %parallel_loop3A_310 : i32
        %parallel_loop3A_312 = arith.index_cast %parallel_loop3A_311 : i32 to index
        %parallel_loop3A_313 = tpu.vector_load %arg6[%parallel_loop3A_312] {strides = array<i32>} : memref<33280xf32, #tpu.memory_space<vmem>>, vector<16xf32>,
        %parallel_loop3A_314 = arith.addf %parallel_loop3A_309, %parallel_loop3A_313 : vector<16xf32>
        %parallel_loop3A_315 = arith.mulf %parallel_loop3A_314, %parallel_loop3A_91 : vector<16xf32>
        %parallel_loop3A_316 = arith.index_cast %parallel_loop3A_83 : i32 to index
        %parallel_loop3A_317 = arith.constant 256 : index
        %parallel_loop3A_318 = tpu.vector_load %arg9[%parallel_loop3A_316, %parallel_loop3A_317] {strides = array<i32>} : memref<64x512xf32, #tpu.memory_space<vmem>>, vector<16xf32>,
        tpu.vector_store %arg9[%parallel_loop3A_316, %parallel_loop3A_317], %parallel_loop3A_315 {strides = array<i32>} : memref<64x512xf32, #tpu.memory_space<vmem>>, vector<16xf32>,
        %parallel_loop3A_319 = arith.constant 272 : i32
        %parallel_loop3A_320 = arith.addi %mul3A_42, %parallel_loop3A_319 : i32
        %parallel_loop3A_321 = arith.index_cast %parallel_loop3A_320 : i32 to index
        %parallel_loop3A_322 = tpu.vector_load %arg6[%parallel_loop3A_321] {strides = array<i32>} : memref<33280xf32, #tpu.memory_space<vmem>>, vector<16xf32>,
        %parallel_loop3A_323 = arith.constant 272 : i32
        %parallel_loop3A_324 = arith.addi %parallel_loop3A_97, %parallel_loop3A_323 : i32
        %parallel_loop3A_325 = arith.index_cast %parallel_loop3A_324 : i32 to index
        %parallel_loop3A_326 = tpu.vector_load %arg6[%parallel_loop3A_325] {strides = array<i32>} : memref<33280xf32, #tpu.memory_space<vmem>>, vector<16xf32>,
        %parallel_loop3A_327 = arith.addf %parallel_loop3A_322, %parallel_loop3A_326 : vector<16xf32>
        %parallel_loop3A_328 = arith.mulf %parallel_loop3A_327, %parallel_loop3A_91 : vector<16xf32>
        %parallel_loop3A_329 = arith.index_cast %parallel_loop3A_83 : i32 to index
        %parallel_loop3A_330 = arith.constant 272 : index
        %parallel_loop3A_331 = tpu.vector_load %arg9[%parallel_loop3A_329, %parallel_loop3A_330] {strides = array<i32>} : memref<64x512xf32, #tpu.memory_space<vmem>>, vector<16xf32>,
        tpu.vector_store %arg9[%parallel_loop3A_329, %parallel_loop3A_330], %parallel_loop3A_328 {strides = array<i32>} : memref<64x512xf32, #tpu.memory_space<vmem>>, vector<16xf32>,
        %parallel_loop3A_332 = arith.constant 288 : i32
        %parallel_loop3A_333 = arith.addi %mul3A_42, %parallel_loop3A_332 : i32
        %parallel_loop3A_334 = arith.index_cast %parallel_loop3A_333 : i32 to index
        %parallel_loop3A_335 = tpu.vector_load %arg6[%parallel_loop3A_334] {strides = array<i32>} : memref<33280xf32, #tpu.memory_space<vmem>>, vector<16xf32>,
        %parallel_loop3A_336 = arith.constant 288 : i32
        %parallel_loop3A_337 = arith.addi %parallel_loop3A_97, %parallel_loop3A_336 : i32
        %parallel_loop3A_338 = arith.index_cast %parallel_loop3A_337 : i32 to index
        %parallel_loop3A_339 = tpu.vector_load %arg6[%parallel_loop3A_338] {strides = array<i32>} : memref<33280xf32, #tpu.memory_space<vmem>>, vector<16xf32>,
        %parallel_loop3A_340 = arith.addf %parallel_loop3A_335, %parallel_loop3A_339 : vector<16xf32>
        %parallel_loop3A_341 = arith.mulf %parallel_loop3A_340, %parallel_loop3A_91 : vector<16xf32>
        %parallel_loop3A_342 = arith.index_cast %parallel_loop3A_83 : i32 to index
        %parallel_loop3A_343 = arith.constant 288 : index
        %parallel_loop3A_344 = tpu.vector_load %arg9[%parallel_loop3A_342, %parallel_loop3A_343] {strides = array<i32>} : memref<64x512xf32, #tpu.memory_space<vmem>>, vector<16xf32>,
        tpu.vector_store %arg9[%parallel_loop3A_342, %parallel_loop3A_343], %parallel_loop3A_341 {strides = array<i32>} : memref<64x512xf32, #tpu.memory_space<vmem>>, vector<16xf32>,
        %parallel_loop3A_345 = arith.constant 304 : i32
        %parallel_loop3A_346 = arith.addi %mul3A_42, %parallel_loop3A_345 : i32
        %parallel_loop3A_347 = arith.index_cast %parallel_loop3A_346 : i32 to index
        %parallel_loop3A_348 = tpu.vector_load %arg6[%parallel_loop3A_347] {strides = array<i32>} : memref<33280xf32, #tpu.memory_space<vmem>>, vector<16xf32>,
        %parallel_loop3A_349 = arith.constant 304 : i32
        %parallel_loop3A_350 = arith.addi %parallel_loop3A_97, %parallel_loop3A_349 : i32
        %parallel_loop3A_351 = arith.index_cast %parallel_loop3A_350 : i32 to index
        %parallel_loop3A_352 = tpu.vector_load %arg6[%parallel_loop3A_351] {strides = array<i32>} : memref<33280xf32, #tpu.memory_space<vmem>>, vector<16xf32>,
        %parallel_loop3A_353 = arith.addf %parallel_loop3A_348, %parallel_loop3A_352 : vector<16xf32>
        %parallel_loop3A_354 = arith.mulf %parallel_loop3A_353, %parallel_loop3A_91 : vector<16xf32>
        %parallel_loop3A_355 = arith.index_cast %parallel_loop3A_83 : i32 to index
        %parallel_loop3A_356 = arith.constant 304 : index
        %parallel_loop3A_357 = tpu.vector_load %arg9[%parallel_loop3A_355, %parallel_loop3A_356] {strides = array<i32>} : memref<64x512xf32, #tpu.memory_space<vmem>>, vector<16xf32>,
        tpu.vector_store %arg9[%parallel_loop3A_355, %parallel_loop3A_356], %parallel_loop3A_354 {strides = array<i32>} : memref<64x512xf32, #tpu.memory_space<vmem>>, vector<16xf32>,
        %parallel_loop3A_358 = arith.constant 320 : i32
        %parallel_loop3A_359 = arith.addi %mul3A_42, %parallel_loop3A_358 : i32
        %parallel_loop3A_360 = arith.index_cast %parallel_loop3A_359 : i32 to index
        %parallel_loop3A_361 = tpu.vector_load %arg6[%parallel_loop3A_360] {strides = array<i32>} : memref<33280xf32, #tpu.memory_space<vmem>>, vector<16xf32>,
        %parallel_loop3A_362 = arith.constant 320 : i32
        %parallel_loop3A_363 = arith.addi %parallel_loop3A_97, %parallel_loop3A_362 : i32
        %parallel_loop3A_364 = arith.index_cast %parallel_loop3A_363 : i32 to index
        %parallel_loop3A_365 = tpu.vector_load %arg6[%parallel_loop3A_364] {strides = array<i32>} : memref<33280xf32, #tpu.memory_space<vmem>>, vector<16xf32>,
        %parallel_loop3A_366 = arith.addf %parallel_loop3A_361, %parallel_loop3A_365 : vector<16xf32>
        %parallel_loop3A_367 = arith.mulf %parallel_loop3A_366, %parallel_loop3A_91 : vector<16xf32>
        %parallel_loop3A_368 = arith.index_cast %parallel_loop3A_83 : i32 to index
        %parallel_loop3A_369 = arith.constant 320 : index
        %parallel_loop3A_370 = tpu.vector_load %arg9[%parallel_loop3A_368, %parallel_loop3A_369] {strides = array<i32>} : memref<64x512xf32, #tpu.memory_space<vmem>>, vector<16xf32>,
        tpu.vector_store %arg9[%parallel_loop3A_368, %parallel_loop3A_369], %parallel_loop3A_367 {strides = array<i32>} : memref<64x512xf32, #tpu.memory_space<vmem>>, vector<16xf32>,
        %parallel_loop3A_371 = arith.constant 336 : i32
        %parallel_loop3A_372 = arith.addi %mul3A_42, %parallel_loop3A_371 : i32
        %parallel_loop3A_373 = arith.index_cast %parallel_loop3A_372 : i32 to index
        %parallel_loop3A_374 = tpu.vector_load %arg6[%parallel_loop3A_373] {strides = array<i32>} : memref<33280xf32, #tpu.memory_space<vmem>>, vector<16xf32>,
        %parallel_loop3A_375 = arith.constant 336 : i32
        %parallel_loop3A_376 = arith.addi %parallel_loop3A_97, %parallel_loop3A_375 : i32
        %parallel_loop3A_377 = arith.index_cast %parallel_loop3A_376 : i32 to index
        %parallel_loop3A_378 = tpu.vector_load %arg6[%parallel_loop3A_377] {strides = array<i32>} : memref<33280xf32, #tpu.memory_space<vmem>>, vector<16xf32>,
        %parallel_loop3A_379 = arith.addf %parallel_loop3A_374, %parallel_loop3A_378 : vector<16xf32>
        %parallel_loop3A_380 = arith.mulf %parallel_loop3A_379, %parallel_loop3A_91 : vector<16xf32>
        %parallel_loop3A_381 = arith.index_cast %parallel_loop3A_83 : i32 to index
        %parallel_loop3A_382 = arith.constant 336 : index
        %parallel_loop3A_383 = tpu.vector_load %arg9[%parallel_loop3A_381, %parallel_loop3A_382] {strides = array<i32>} : memref<64x512xf32, #tpu.memory_space<vmem>>, vector<16xf32>,
        tpu.vector_store %arg9[%parallel_loop3A_381, %parallel_loop3A_382], %parallel_loop3A_380 {strides = array<i32>} : memref<64x512xf32, #tpu.memory_space<vmem>>, vector<16xf32>,
        %parallel_loop3A_384 = arith.constant 352 : i32
        %parallel_loop3A_385 = arith.addi %mul3A_42, %parallel_loop3A_384 : i32
        %parallel_loop3A_386 = arith.index_cast %parallel_loop3A_385 : i32 to index
        %parallel_loop3A_387 = tpu.vector_load %arg6[%parallel_loop3A_386] {strides = array<i32>} : memref<33280xf32, #tpu.memory_space<vmem>>, vector<16xf32>,
        %parallel_loop3A_388 = arith.constant 352 : i32
        %parallel_loop3A_389 = arith.addi %parallel_loop3A_97, %parallel_loop3A_388 : i32
        %parallel_loop3A_390 = arith.index_cast %parallel_loop3A_389 : i32 to index
        %parallel_loop3A_391 = tpu.vector_load %arg6[%parallel_loop3A_390] {strides = array<i32>} : memref<33280xf32, #tpu.memory_space<vmem>>, vector<16xf32>,
        %parallel_loop3A_392 = arith.addf %parallel_loop3A_387, %parallel_loop3A_391 : vector<16xf32>
        %parallel_loop3A_393 = arith.mulf %parallel_loop3A_392, %parallel_loop3A_91 : vector<16xf32>
        %parallel_loop3A_394 = arith.index_cast %parallel_loop3A_83 : i32 to index
        %parallel_loop3A_395 = arith.constant 352 : index
        %parallel_loop3A_396 = tpu.vector_load %arg9[%parallel_loop3A_394, %parallel_loop3A_395] {strides = array<i32>} : memref<64x512xf32, #tpu.memory_space<vmem>>, vector<16xf32>,
        tpu.vector_store %arg9[%parallel_loop3A_394, %parallel_loop3A_395], %parallel_loop3A_393 {strides = array<i32>} : memref<64x512xf32, #tpu.memory_space<vmem>>, vector<16xf32>,
        %parallel_loop3A_397 = arith.constant 368 : i32
        %parallel_loop3A_398 = arith.addi %mul3A_42, %parallel_loop3A_397 : i32
        %parallel_loop3A_399 = arith.index_cast %parallel_loop3A_398 : i32 to index
        %parallel_loop3A_400 = tpu.vector_load %arg6[%parallel_loop3A_399] {strides = array<i32>} : memref<33280xf32, #tpu.memory_space<vmem>>, vector<16xf32>,
        %parallel_loop3A_401 = arith.constant 368 : i32
        %parallel_loop3A_402 = arith.addi %parallel_loop3A_97, %parallel_loop3A_401 : i32
        %parallel_loop3A_403 = arith.index_cast %parallel_loop3A_402 : i32 to index
        %parallel_loop3A_404 = tpu.vector_load %arg6[%parallel_loop3A_403] {strides = array<i32>} : memref<33280xf32, #tpu.memory_space<vmem>>, vector<16xf32>,
        %parallel_loop3A_405 = arith.addf %parallel_loop3A_400, %parallel_loop3A_404 : vector<16xf32>
        %parallel_loop3A_406 = arith.mulf %parallel_loop3A_405, %parallel_loop3A_91 : vector<16xf32>
        %parallel_loop3A_407 = arith.index_cast %parallel_loop3A_83 : i32 to index
        %parallel_loop3A_408 = arith.constant 368 : index
        %parallel_loop3A_409 = tpu.vector_load %arg9[%parallel_loop3A_407, %parallel_loop3A_408] {strides = array<i32>} : memref<64x512xf32, #tpu.memory_space<vmem>>, vector<16xf32>,
        tpu.vector_store %arg9[%parallel_loop3A_407, %parallel_loop3A_408], %parallel_loop3A_406 {strides = array<i32>} : memref<64x512xf32, #tpu.memory_space<vmem>>, vector<16xf32>,
        %parallel_loop3A_410 = arith.constant 384 : i32
        %parallel_loop3A_411 = arith.addi %mul3A_42, %parallel_loop3A_410 : i32
        %parallel_loop3A_412 = arith.index_cast %parallel_loop3A_411 : i32 to index
        %parallel_loop3A_413 = tpu.vector_load %arg6[%parallel_loop3A_412] {strides = array<i32>} : memref<33280xf32, #tpu.memory_space<vmem>>, vector<16xf32>,
        %parallel_loop3A_414 = arith.constant 384 : i32
        %parallel_loop3A_415 = arith.addi %parallel_loop3A_97, %parallel_loop3A_414 : i32
        %parallel_loop3A_416 = arith.index_cast %parallel_loop3A_415 : i32 to index
        %parallel_loop3A_417 = tpu.vector_load %arg6[%parallel_loop3A_416] {strides = array<i32>} : memref<33280xf32, #tpu.memory_space<vmem>>, vector<16xf32>,
        %parallel_loop3A_418 = arith.addf %parallel_loop3A_413, %parallel_loop3A_417 : vector<16xf32>
        %parallel_loop3A_419 = arith.mulf %parallel_loop3A_418, %parallel_loop3A_91 : vector<16xf32>
        %parallel_loop3A_420 = arith.index_cast %parallel_loop3A_83 : i32 to index
        %parallel_loop3A_421 = arith.constant 384 : index
        %parallel_loop3A_422 = tpu.vector_load %arg9[%parallel_loop3A_420, %parallel_loop3A_421] {strides = array<i32>} : memref<64x512xf32, #tpu.memory_space<vmem>>, vector<16xf32>,
        tpu.vector_store %arg9[%parallel_loop3A_420, %parallel_loop3A_421], %parallel_loop3A_419 {strides = array<i32>} : memref<64x512xf32, #tpu.memory_space<vmem>>, vector<16xf32>,
        %parallel_loop3A_423 = arith.constant 400 : i32
        %parallel_loop3A_424 = arith.addi %mul3A_42, %parallel_loop3A_423 : i32
        %parallel_loop3A_425 = arith.index_cast %parallel_loop3A_424 : i32 to index
        %parallel_loop3A_426 = tpu.vector_load %arg6[%parallel_loop3A_425] {strides = array<i32>} : memref<33280xf32, #tpu.memory_space<vmem>>, vector<16xf32>,
        %parallel_loop3A_427 = arith.constant 400 : i32
        %parallel_loop3A_428 = arith.addi %parallel_loop3A_97, %parallel_loop3A_427 : i32
        %parallel_loop3A_429 = arith.index_cast %parallel_loop3A_428 : i32 to index
        %parallel_loop3A_430 = tpu.vector_load %arg6[%parallel_loop3A_429] {strides = array<i32>} : memref<33280xf32, #tpu.memory_space<vmem>>, vector<16xf32>,
        %parallel_loop3A_431 = arith.addf %parallel_loop3A_426, %parallel_loop3A_430 : vector<16xf32>
        %parallel_loop3A_432 = arith.mulf %parallel_loop3A_431, %parallel_loop3A_91 : vector<16xf32>
        %parallel_loop3A_433 = arith.index_cast %parallel_loop3A_83 : i32 to index
        %parallel_loop3A_434 = arith.constant 400 : index
        %parallel_loop3A_435 = tpu.vector_load %arg9[%parallel_loop3A_433, %parallel_loop3A_434] {strides = array<i32>} : memref<64x512xf32, #tpu.memory_space<vmem>>, vector<16xf32>,
        tpu.vector_store %arg9[%parallel_loop3A_433, %parallel_loop3A_434], %parallel_loop3A_432 {strides = array<i32>} : memref<64x512xf32, #tpu.memory_space<vmem>>, vector<16xf32>,
        %parallel_loop3A_436 = arith.constant 416 : i32
        %parallel_loop3A_437 = arith.addi %mul3A_42, %parallel_loop3A_436 : i32
        %parallel_loop3A_438 = arith.index_cast %parallel_loop3A_437 : i32 to index
        %parallel_loop3A_439 = tpu.vector_load %arg6[%parallel_loop3A_438] {strides = array<i32>} : memref<33280xf32, #tpu.memory_space<vmem>>, vector<16xf32>,
        %parallel_loop3A_440 = arith.constant 416 : i32
        %parallel_loop3A_441 = arith.addi %parallel_loop3A_97, %parallel_loop3A_440 : i32
        %parallel_loop3A_442 = arith.index_cast %parallel_loop3A_441 : i32 to index
        %parallel_loop3A_443 = tpu.vector_load %arg6[%parallel_loop3A_442] {strides = array<i32>} : memref<33280xf32, #tpu.memory_space<vmem>>, vector<16xf32>,
        %parallel_loop3A_444 = arith.addf %parallel_loop3A_439, %parallel_loop3A_443 : vector<16xf32>
        %parallel_loop3A_445 = arith.mulf %parallel_loop3A_444, %parallel_loop3A_91 : vector<16xf32>
        %parallel_loop3A_446 = arith.index_cast %parallel_loop3A_83 : i32 to index
        %parallel_loop3A_447 = arith.constant 416 : index
        %parallel_loop3A_448 = tpu.vector_load %arg9[%parallel_loop3A_446, %parallel_loop3A_447] {strides = array<i32>} : memref<64x512xf32, #tpu.memory_space<vmem>>, vector<16xf32>,
        tpu.vector_store %arg9[%parallel_loop3A_446, %parallel_loop3A_447], %parallel_loop3A_445 {strides = array<i32>} : memref<64x512xf32, #tpu.memory_space<vmem>>, vector<16xf32>,
        %parallel_loop3A_449 = arith.constant 432 : i32
        %parallel_loop3A_450 = arith.addi %mul3A_42, %parallel_loop3A_449 : i32
        %parallel_loop3A_451 = arith.index_cast %parallel_loop3A_450 : i32 to index
        %parallel_loop3A_452 = tpu.vector_load %arg6[%parallel_loop3A_451] {strides = array<i32>} : memref<33280xf32, #tpu.memory_space<vmem>>, vector<16xf32>,
        %parallel_loop3A_453 = arith.constant 432 : i32
        %parallel_loop3A_454 = arith.addi %parallel_loop3A_97, %parallel_loop3A_453 : i32
        %parallel_loop3A_455 = arith.index_cast %parallel_loop3A_454 : i32 to index
        %parallel_loop3A_456 = tpu.vector_load %arg6[%parallel_loop3A_455] {strides = array<i32>} : memref<33280xf32, #tpu.memory_space<vmem>>, vector<16xf32>,
        %parallel_loop3A_457 = arith.addf %parallel_loop3A_452, %parallel_loop3A_456 : vector<16xf32>
        %parallel_loop3A_458 = arith.mulf %parallel_loop3A_457, %parallel_loop3A_91 : vector<16xf32>
        %parallel_loop3A_459 = arith.index_cast %parallel_loop3A_83 : i32 to index
        %parallel_loop3A_460 = arith.constant 432 : index
        %parallel_loop3A_461 = tpu.vector_load %arg9[%parallel_loop3A_459, %parallel_loop3A_460] {strides = array<i32>} : memref<64x512xf32, #tpu.memory_space<vmem>>, vector<16xf32>,
        tpu.vector_store %arg9[%parallel_loop3A_459, %parallel_loop3A_460], %parallel_loop3A_458 {strides = array<i32>} : memref<64x512xf32, #tpu.memory_space<vmem>>, vector<16xf32>,
        %parallel_loop3A_462 = arith.constant 448 : i32
        %parallel_loop3A_463 = arith.addi %mul3A_42, %parallel_loop3A_462 : i32
        %parallel_loop3A_464 = arith.index_cast %parallel_loop3A_463 : i32 to index
        %parallel_loop3A_465 = tpu.vector_load %arg6[%parallel_loop3A_464] {strides = array<i32>} : memref<33280xf32, #tpu.memory_space<vmem>>, vector<16xf32>,
        %parallel_loop3A_466 = arith.constant 448 : i32
        %parallel_loop3A_467 = arith.addi %parallel_loop3A_97, %parallel_loop3A_466 : i32
        %parallel_loop3A_468 = arith.index_cast %parallel_loop3A_467 : i32 to index
        %parallel_loop3A_469 = tpu.vector_load %arg6[%parallel_loop3A_468] {strides = array<i32>} : memref<33280xf32, #tpu.memory_space<vmem>>, vector<16xf32>,
        %parallel_loop3A_470 = arith.addf %parallel_loop3A_465, %parallel_loop3A_469 : vector<16xf32>
        %parallel_loop3A_471 = arith.mulf %parallel_loop3A_470, %parallel_loop3A_91 : vector<16xf32>
        %parallel_loop3A_472 = arith.index_cast %parallel_loop3A_83 : i32 to index
        %parallel_loop3A_473 = arith.constant 448 : index
        %parallel_loop3A_474 = tpu.vector_load %arg9[%parallel_loop3A_472, %parallel_loop3A_473] {strides = array<i32>} : memref<64x512xf32, #tpu.memory_space<vmem>>, vector<16xf32>,
        tpu.vector_store %arg9[%parallel_loop3A_472, %parallel_loop3A_473], %parallel_loop3A_471 {strides = array<i32>} : memref<64x512xf32, #tpu.memory_space<vmem>>, vector<16xf32>,
        %parallel_loop3A_475 = arith.constant 464 : i32
        %parallel_loop3A_476 = arith.addi %mul3A_42, %parallel_loop3A_475 : i32
        %parallel_loop3A_477 = arith.index_cast %parallel_loop3A_476 : i32 to index
        %parallel_loop3A_478 = tpu.vector_load %arg6[%parallel_loop3A_477] {strides = array<i32>} : memref<33280xf32, #tpu.memory_space<vmem>>, vector<16xf32>,
        %parallel_loop3A_479 = arith.constant 464 : i32
        %parallel_loop3A_480 = arith.addi %parallel_loop3A_97, %parallel_loop3A_479 : i32
        %parallel_loop3A_481 = arith.index_cast %parallel_loop3A_480 : i32 to index
        %parallel_loop3A_482 = tpu.vector_load %arg6[%parallel_loop3A_481] {strides = array<i32>} : memref<33280xf32, #tpu.memory_space<vmem>>, vector<16xf32>,
        %parallel_loop3A_483 = arith.addf %parallel_loop3A_478, %parallel_loop3A_482 : vector<16xf32>
        %parallel_loop3A_484 = arith.mulf %parallel_loop3A_483, %parallel_loop3A_91 : vector<16xf32>
        %parallel_loop3A_485 = arith.index_cast %parallel_loop3A_83 : i32 to index
        %parallel_loop3A_486 = arith.constant 464 : index
        %parallel_loop3A_487 = tpu.vector_load %arg9[%parallel_loop3A_485, %parallel_loop3A_486] {strides = array<i32>} : memref<64x512xf32, #tpu.memory_space<vmem>>, vector<16xf32>,
        tpu.vector_store %arg9[%parallel_loop3A_485, %parallel_loop3A_486], %parallel_loop3A_484 {strides = array<i32>} : memref<64x512xf32, #tpu.memory_space<vmem>>, vector<16xf32>,
        %parallel_loop3A_488 = arith.constant 480 : i32
        %parallel_loop3A_489 = arith.addi %mul3A_42, %parallel_loop3A_488 : i32
        %parallel_loop3A_490 = arith.index_cast %parallel_loop3A_489 : i32 to index
        %parallel_loop3A_491 = tpu.vector_load %arg6[%parallel_loop3A_490] {strides = array<i32>} : memref<33280xf32, #tpu.memory_space<vmem>>, vector<16xf32>,
        %parallel_loop3A_492 = arith.constant 480 : i32
        %parallel_loop3A_493 = arith.addi %parallel_loop3A_97, %parallel_loop3A_492 : i32
        %parallel_loop3A_494 = arith.index_cast %parallel_loop3A_493 : i32 to index
        %parallel_loop3A_495 = tpu.vector_load %arg6[%parallel_loop3A_494] {strides = array<i32>} : memref<33280xf32, #tpu.memory_space<vmem>>, vector<16xf32>,
        %parallel_loop3A_496 = arith.addf %parallel_loop3A_491, %parallel_loop3A_495 : vector<16xf32>
        %parallel_loop3A_497 = arith.mulf %parallel_loop3A_496, %parallel_loop3A_91 : vector<16xf32>
        %parallel_loop3A_498 = arith.index_cast %parallel_loop3A_83 : i32 to index
        %parallel_loop3A_499 = arith.constant 480 : index
        %parallel_loop3A_500 = tpu.vector_load %arg9[%parallel_loop3A_498, %parallel_loop3A_499] {strides = array<i32>} : memref<64x512xf32, #tpu.memory_space<vmem>>, vector<16xf32>,
        tpu.vector_store %arg9[%parallel_loop3A_498, %parallel_loop3A_499], %parallel_loop3A_497 {strides = array<i32>} : memref<64x512xf32, #tpu.memory_space<vmem>>, vector<16xf32>,
        %parallel_loop3A_501 = arith.constant 496 : i32
        %parallel_loop3A_502 = arith.addi %mul3A_42, %parallel_loop3A_501 : i32
        %parallel_loop3A_503 = arith.index_cast %parallel_loop3A_502 : i32 to index
        %parallel_loop3A_504 = tpu.vector_load %arg6[%parallel_loop3A_503] {strides = array<i32>} : memref<33280xf32, #tpu.memory_space<vmem>>, vector<16xf32>,
        %parallel_loop3A_505 = arith.constant 496 : i32
        %parallel_loop3A_506 = arith.addi %parallel_loop3A_97, %parallel_loop3A_505 : i32
        %parallel_loop3A_507 = arith.index_cast %parallel_loop3A_506 : i32 to index
        %parallel_loop3A_508 = tpu.vector_load %arg6[%parallel_loop3A_507] {strides = array<i32>} : memref<33280xf32, #tpu.memory_space<vmem>>, vector<16xf32>,
        %parallel_loop3A_509 = arith.addf %parallel_loop3A_504, %parallel_loop3A_508 : vector<16xf32>
        %parallel_loop3A_510 = arith.mulf %parallel_loop3A_509, %parallel_loop3A_91 : vector<16xf32>
        %parallel_loop3A_511 = arith.index_cast %parallel_loop3A_83 : i32 to index
        %parallel_loop3A_512 = arith.constant 496 : index
        %parallel_loop3A_513 = tpu.vector_load %arg9[%parallel_loop3A_511, %parallel_loop3A_512] {strides = array<i32>} : memref<64x512xf32, #tpu.memory_space<vmem>>, vector<16xf32>,
        tpu.vector_store %arg9[%parallel_loop3A_511, %parallel_loop3A_512], %parallel_loop3A_510 {strides = array<i32>} : memref<64x512xf32, #tpu.memory_space<vmem>>, vector<16xf32>,
      } {sc.loop_unroll_factor = 1 : i64, sc.parallel_access}
      %dma_start3A = arith.constant 0 : i32
      %dma_start3A_44 = arith.constant 0 : i32
      %dma_start3A_45 = tpu.memref_slice %arg5[%add3A, %mul3A_35, %dma_start3A, %dma_start3A_44] : memref<32x64x64x512xf32, #tpu.memory_space<hbm>> -> memref<1x1x64x512xf32, #tpu.memory_space<hbm>>
      %dma_start3A_46 = tpu.memref_squeeze %dma_start3A_45 : memref<1x1x64x512xf32, #tpu.memory_space<hbm>> -> memref<64x512xf32, #tpu.memory_space<hbm>>
      %dma_start3A_47 = arith.constant 0 : i32
      %dma_start3A_48 = arith.constant 0 : i32
      %dma_start3A_49 = tpu.memref_slice %arg5[%add3A, %mul3A_35, %dma_start3A_47, %dma_start3A_48] : memref<32x64x64x512xf32, #tpu.memory_space<hbm>> -> memref<1x1x64x512xf32, #tpu.memory_space<hbm>>
      %dma_start3A_50 = tpu.memref_squeeze %dma_start3A_49 : memref<1x1x64x512xf32, #tpu.memory_space<hbm>> -> memref<64x512xf32, #tpu.memory_space<hbm>>
      tpu.enqueue_dma source(%arg9 : memref<64x512xf32, #tpu.memory_space<vmem>>) target(%dma_start3A_50 : memref<64x512xf32, #tpu.memory_space<hbm>>) target_semaphore(%arg11 : memref<!tpu.dma_semaphore, #tpu.memory_space<semaphore_mem>>)
      %mul3A_51 = arith.constant 2 : i32
      %mul3A_52 = arith.muli %mul3A_51, %scan3A_33 : i32
      %add3A_53 = arith.constant 1 : i32
      %add3A_54 = arith.addi %mul3A_52, %add3A_53 : i32
      %ge3A_55 = arith.constant 2 : i32
      %ge3A_56 = arith.cmpi sge, %add3A_54, %ge3A_55 : i32
      %convert_element_type3A_57 = arith.extui %ge3A_56 : i1 to i32
      %cond3A_58 = arith.constant 0 : i32
      %cond3A_59 = arith.cmpi ne, %convert_element_type3A_57, %cond3A_58 : i32
      scf.if %cond3A_59 {
        %dma_wait3A_77 = arith.constant 0 : i32
        %dma_wait3A_78 = arith.constant 0 : i32
        %dma_wait3A_79 = arith.constant 0 : i32
        %dma_wait3A_80 = arith.constant 0 : i32
        %dma_wait3A_81 = tpu.memref_slice %arg5[%dma_wait3A_77, %dma_wait3A_78, %dma_wait3A_79, %dma_wait3A_80] : memref<32x64x64x512xf32, #tpu.memory_space<hbm>> -> memref<1x1x64x512xf32, #tpu.memory_space<hbm>>
        %dma_wait3A_82 = tpu.memref_squeeze %dma_wait3A_81 : memref<1x1x64x512xf32, #tpu.memory_space<hbm>> -> memref<64x512xf32, #tpu.memory_space<hbm>>
        %dma_wait3A_83 = arith.constant 0 : i32
        %dma_wait3A_84 = arith.constant 0 : i32
        %dma_wait3A_85 = tpu.memref_slice %arg5[%dma_wait3A_77, %dma_wait3A_78, %dma_wait3A_83, %dma_wait3A_84] : memref<32x64x64x512xf32, #tpu.memory_space<hbm>> -> memref<1x1x64x512xf32, #tpu.memory_space<hbm>>
        %dma_wait3A_86 = tpu.memref_squeeze %dma_wait3A_85 : memref<1x1x64x512xf32, #tpu.memory_space<hbm>> -> memref<64x512xf32, #tpu.memory_space<hbm>>
        tpu.wait_dma2 semaphore(%arg12 : memref<!tpu.dma_semaphore, #tpu.memory_space<semaphore_mem>>) src(%arg10 : memref<64x512xf32, #tpu.memory_space<vmem>>) dst(%dma_wait3A_86 : memref<64x512xf32, #tpu.memory_space<hbm>>)
      } else {
      }
      %get3A_60 = arith.index_cast %add3A_54 : i32 to index
      %get3A_61 = tpu.vector_load %arg8[%get3A_60] {strides = array<i32>} : memref<80xi32, #tpu.memory_space<vmem>>, vector<16xi32>,
      %slice3A_62 = vector.extract_strided_slice %get3A_61 {offsets = [0], sizes = [1], strides = [1]} : vector<16xi32> to vector<1xi32>
      %squeeze3A_63 = vector.extract %slice3A_62[0] : i32 from vector<1xi32>
      %slice3A_64 = vector.extract_strided_slice %get3A_61 {offsets = [1], sizes = [1], strides = [1]} : vector<16xi32> to vector<1xi32>
      %squeeze3A_65 = vector.extract %slice3A_64[0] : i32 from vector<1xi32>
      %mul3A_66 = arith.constant 512 : i32
      %mul3A_67 = arith.muli %add3A_54, %mul3A_66 : i32
      %parallel_loop3A_68 = arith.constant 1 : i32
      scf.for %parallel_loop3A_77 = %squeeze3A_63 to %squeeze3A_65 step %parallel_loop3A_68  : i32 {
        %parallel_loop3A_78 = arith.index_cast %parallel_loop3A_77 : i32 to index
        %parallel_loop3A_79 = tpu.vector_load %arg7[%parallel_loop3A_78] {strides = array<i32>} : memref<1280xi32, #tpu.memory_space<vmem>>, vector<16xi32>,
        %parallel_loop3A_80 = vector.extract_strided_slice %parallel_loop3A_79 {offsets = [0], sizes = [1], strides = [1]} : vector<16xi32> to vector<1xi32>
        %parallel_loop3A_81 = vector.extract %parallel_loop3A_80[0] : i32 from vector<1xi32>
        %parallel_loop3A_82 = arith.constant 63 : i32
        %parallel_loop3A_83 = arith.andi %parallel_loop3A_81, %parallel_loop3A_82 : i32
        %parallel_loop3A_84 = arith.constant 6 : i32
        %parallel_loop3A_85 = arith.shrui %parallel_loop3A_81, %parallel_loop3A_84 : i32
        %parallel_loop3A_86 = arith.constant 1 : i32
        %parallel_loop3A_87 = arith.andi %parallel_loop3A_85, %parallel_loop3A_86 : i32
        %parallel_loop3A_88 = arith.constant 1 : i32
        %parallel_loop3A_89 = arith.subi %parallel_loop3A_88, %parallel_loop3A_87 : i32
        %parallel_loop3A_90 = arith.sitofp %parallel_loop3A_89 : i32 to f32
        %parallel_loop3A_91 = vector.broadcast %parallel_loop3A_90 : f32 to vector<16xf32>
        %parallel_loop3A_92 = arith.constant 128 : i32
        %parallel_loop3A_93 = arith.cmpi sge, %parallel_loop3A_81, %parallel_loop3A_92 : i32
        %parallel_loop3A_94 = arith.constant 512 : i32
        %parallel_loop3A_95 = arith.muli %parallel_loop3A_83, %parallel_loop3A_94 : i32
        %parallel_loop3A_96 = arith.constant 32768 : i32
        %parallel_loop3A_97 = arith.select %parallel_loop3A_93, %parallel_loop3A_96, %parallel_loop3A_95 : i32
        %parallel_loop3A_98 = arith.constant 0 : i32
        %parallel_loop3A_99 = arith.addi %mul3A_67, %parallel_loop3A_98 : i32
        %parallel_loop3A_100 = arith.index_cast %parallel_loop3A_99 : i32 to index
        %parallel_loop3A_101 = tpu.vector_load %arg6[%parallel_loop3A_100] {strides = array<i32>} : memref<33280xf32, #tpu.memory_space<vmem>>, vector<16xf32>,
        %parallel_loop3A_102 = arith.constant 0 : i32
        %parallel_loop3A_103 = arith.addi %parallel_loop3A_97, %parallel_loop3A_102 : i32
        %parallel_loop3A_104 = arith.index_cast %parallel_loop3A_103 : i32 to index
        %parallel_loop3A_105 = tpu.vector_load %arg6[%parallel_loop3A_104] {strides = array<i32>} : memref<33280xf32, #tpu.memory_space<vmem>>, vector<16xf32>,
        %parallel_loop3A_106 = arith.addf %parallel_loop3A_101, %parallel_loop3A_105 : vector<16xf32>
        %parallel_loop3A_107 = arith.mulf %parallel_loop3A_106, %parallel_loop3A_91 : vector<16xf32>
        %parallel_loop3A_108 = arith.index_cast %parallel_loop3A_83 : i32 to index
        %parallel_loop3A_109 = arith.constant 0 : index
        %parallel_loop3A_110 = tpu.vector_load %arg10[%parallel_loop3A_108, %parallel_loop3A_109] {strides = array<i32>} : memref<64x512xf32, #tpu.memory_space<vmem>>, vector<16xf32>,
        tpu.vector_store %arg10[%parallel_loop3A_108, %parallel_loop3A_109], %parallel_loop3A_107 {strides = array<i32>} : memref<64x512xf32, #tpu.memory_space<vmem>>, vector<16xf32>,
        %parallel_loop3A_111 = arith.constant 16 : i32
        %parallel_loop3A_112 = arith.addi %mul3A_67, %parallel_loop3A_111 : i32
        %parallel_loop3A_113 = arith.index_cast %parallel_loop3A_112 : i32 to index
        %parallel_loop3A_114 = tpu.vector_load %arg6[%parallel_loop3A_113] {strides = array<i32>} : memref<33280xf32, #tpu.memory_space<vmem>>, vector<16xf32>,
        %parallel_loop3A_115 = arith.constant 16 : i32
        %parallel_loop3A_116 = arith.addi %parallel_loop3A_97, %parallel_loop3A_115 : i32
        %parallel_loop3A_117 = arith.index_cast %parallel_loop3A_116 : i32 to index
        %parallel_loop3A_118 = tpu.vector_load %arg6[%parallel_loop3A_117] {strides = array<i32>} : memref<33280xf32, #tpu.memory_space<vmem>>, vector<16xf32>,
        %parallel_loop3A_119 = arith.addf %parallel_loop3A_114, %parallel_loop3A_118 : vector<16xf32>
        %parallel_loop3A_120 = arith.mulf %parallel_loop3A_119, %parallel_loop3A_91 : vector<16xf32>
        %parallel_loop3A_121 = arith.index_cast %parallel_loop3A_83 : i32 to index
        %parallel_loop3A_122 = arith.constant 16 : index
        %parallel_loop3A_123 = tpu.vector_load %arg10[%parallel_loop3A_121, %parallel_loop3A_122] {strides = array<i32>} : memref<64x512xf32, #tpu.memory_space<vmem>>, vector<16xf32>,
        tpu.vector_store %arg10[%parallel_loop3A_121, %parallel_loop3A_122], %parallel_loop3A_120 {strides = array<i32>} : memref<64x512xf32, #tpu.memory_space<vmem>>, vector<16xf32>,
        %parallel_loop3A_124 = arith.constant 32 : i32
        %parallel_loop3A_125 = arith.addi %mul3A_67, %parallel_loop3A_124 : i32
        %parallel_loop3A_126 = arith.index_cast %parallel_loop3A_125 : i32 to index
        %parallel_loop3A_127 = tpu.vector_load %arg6[%parallel_loop3A_126] {strides = array<i32>} : memref<33280xf32, #tpu.memory_space<vmem>>, vector<16xf32>,
        %parallel_loop3A_128 = arith.constant 32 : i32
        %parallel_loop3A_129 = arith.addi %parallel_loop3A_97, %parallel_loop3A_128 : i32
        %parallel_loop3A_130 = arith.index_cast %parallel_loop3A_129 : i32 to index
        %parallel_loop3A_131 = tpu.vector_load %arg6[%parallel_loop3A_130] {strides = array<i32>} : memref<33280xf32, #tpu.memory_space<vmem>>, vector<16xf32>,
        %parallel_loop3A_132 = arith.addf %parallel_loop3A_127, %parallel_loop3A_131 : vector<16xf32>
        %parallel_loop3A_133 = arith.mulf %parallel_loop3A_132, %parallel_loop3A_91 : vector<16xf32>
        %parallel_loop3A_134 = arith.index_cast %parallel_loop3A_83 : i32 to index
        %parallel_loop3A_135 = arith.constant 32 : index
        %parallel_loop3A_136 = tpu.vector_load %arg10[%parallel_loop3A_134, %parallel_loop3A_135] {strides = array<i32>} : memref<64x512xf32, #tpu.memory_space<vmem>>, vector<16xf32>,
        tpu.vector_store %arg10[%parallel_loop3A_134, %parallel_loop3A_135], %parallel_loop3A_133 {strides = array<i32>} : memref<64x512xf32, #tpu.memory_space<vmem>>, vector<16xf32>,
        %parallel_loop3A_137 = arith.constant 48 : i32
        %parallel_loop3A_138 = arith.addi %mul3A_67, %parallel_loop3A_137 : i32
        %parallel_loop3A_139 = arith.index_cast %parallel_loop3A_138 : i32 to index
        %parallel_loop3A_140 = tpu.vector_load %arg6[%parallel_loop3A_139] {strides = array<i32>} : memref<33280xf32, #tpu.memory_space<vmem>>, vector<16xf32>,
        %parallel_loop3A_141 = arith.constant 48 : i32
        %parallel_loop3A_142 = arith.addi %parallel_loop3A_97, %parallel_loop3A_141 : i32
        %parallel_loop3A_143 = arith.index_cast %parallel_loop3A_142 : i32 to index
        %parallel_loop3A_144 = tpu.vector_load %arg6[%parallel_loop3A_143] {strides = array<i32>} : memref<33280xf32, #tpu.memory_space<vmem>>, vector<16xf32>,
        %parallel_loop3A_145 = arith.addf %parallel_loop3A_140, %parallel_loop3A_144 : vector<16xf32>
        %parallel_loop3A_146 = arith.mulf %parallel_loop3A_145, %parallel_loop3A_91 : vector<16xf32>
        %parallel_loop3A_147 = arith.index_cast %parallel_loop3A_83 : i32 to index
        %parallel_loop3A_148 = arith.constant 48 : index
        %parallel_loop3A_149 = tpu.vector_load %arg10[%parallel_loop3A_147, %parallel_loop3A_148] {strides = array<i32>} : memref<64x512xf32, #tpu.memory_space<vmem>>, vector<16xf32>,
        tpu.vector_store %arg10[%parallel_loop3A_147, %parallel_loop3A_148], %parallel_loop3A_146 {strides = array<i32>} : memref<64x512xf32, #tpu.memory_space<vmem>>, vector<16xf32>,
        %parallel_loop3A_150 = arith.constant 64 : i32
        %parallel_loop3A_151 = arith.addi %mul3A_67, %parallel_loop3A_150 : i32
        %parallel_loop3A_152 = arith.index_cast %parallel_loop3A_151 : i32 to index
        %parallel_loop3A_153 = tpu.vector_load %arg6[%parallel_loop3A_152] {strides = array<i32>} : memref<33280xf32, #tpu.memory_space<vmem>>, vector<16xf32>,
        %parallel_loop3A_154 = arith.constant 64 : i32
        %parallel_loop3A_155 = arith.addi %parallel_loop3A_97, %parallel_loop3A_154 : i32
        %parallel_loop3A_156 = arith.index_cast %parallel_loop3A_155 : i32 to index
        %parallel_loop3A_157 = tpu.vector_load %arg6[%parallel_loop3A_156] {strides = array<i32>} : memref<33280xf32, #tpu.memory_space<vmem>>, vector<16xf32>,
        %parallel_loop3A_158 = arith.addf %parallel_loop3A_153, %parallel_loop3A_157 : vector<16xf32>
        %parallel_loop3A_159 = arith.mulf %parallel_loop3A_158, %parallel_loop3A_91 : vector<16xf32>
        %parallel_loop3A_160 = arith.index_cast %parallel_loop3A_83 : i32 to index
        %parallel_loop3A_161 = arith.constant 64 : index
        %parallel_loop3A_162 = tpu.vector_load %arg10[%parallel_loop3A_160, %parallel_loop3A_161] {strides = array<i32>} : memref<64x512xf32, #tpu.memory_space<vmem>>, vector<16xf32>,
        tpu.vector_store %arg10[%parallel_loop3A_160, %parallel_loop3A_161], %parallel_loop3A_159 {strides = array<i32>} : memref<64x512xf32, #tpu.memory_space<vmem>>, vector<16xf32>,
        %parallel_loop3A_163 = arith.constant 80 : i32
        %parallel_loop3A_164 = arith.addi %mul3A_67, %parallel_loop3A_163 : i32
        %parallel_loop3A_165 = arith.index_cast %parallel_loop3A_164 : i32 to index
        %parallel_loop3A_166 = tpu.vector_load %arg6[%parallel_loop3A_165] {strides = array<i32>} : memref<33280xf32, #tpu.memory_space<vmem>>, vector<16xf32>,
        %parallel_loop3A_167 = arith.constant 80 : i32
        %parallel_loop3A_168 = arith.addi %parallel_loop3A_97, %parallel_loop3A_167 : i32
        %parallel_loop3A_169 = arith.index_cast %parallel_loop3A_168 : i32 to index
        %parallel_loop3A_170 = tpu.vector_load %arg6[%parallel_loop3A_169] {strides = array<i32>} : memref<33280xf32, #tpu.memory_space<vmem>>, vector<16xf32>,
        %parallel_loop3A_171 = arith.addf %parallel_loop3A_166, %parallel_loop3A_170 : vector<16xf32>
        %parallel_loop3A_172 = arith.mulf %parallel_loop3A_171, %parallel_loop3A_91 : vector<16xf32>
        %parallel_loop3A_173 = arith.index_cast %parallel_loop3A_83 : i32 to index
        %parallel_loop3A_174 = arith.constant 80 : index
        %parallel_loop3A_175 = tpu.vector_load %arg10[%parallel_loop3A_173, %parallel_loop3A_174] {strides = array<i32>} : memref<64x512xf32, #tpu.memory_space<vmem>>, vector<16xf32>,
        tpu.vector_store %arg10[%parallel_loop3A_173, %parallel_loop3A_174], %parallel_loop3A_172 {strides = array<i32>} : memref<64x512xf32, #tpu.memory_space<vmem>>, vector<16xf32>,
        %parallel_loop3A_176 = arith.constant 96 : i32
        %parallel_loop3A_177 = arith.addi %mul3A_67, %parallel_loop3A_176 : i32
        %parallel_loop3A_178 = arith.index_cast %parallel_loop3A_177 : i32 to index
        %parallel_loop3A_179 = tpu.vector_load %arg6[%parallel_loop3A_178] {strides = array<i32>} : memref<33280xf32, #tpu.memory_space<vmem>>, vector<16xf32>,
        %parallel_loop3A_180 = arith.constant 96 : i32
        %parallel_loop3A_181 = arith.addi %parallel_loop3A_97, %parallel_loop3A_180 : i32
        %parallel_loop3A_182 = arith.index_cast %parallel_loop3A_181 : i32 to index
        %parallel_loop3A_183 = tpu.vector_load %arg6[%parallel_loop3A_182] {strides = array<i32>} : memref<33280xf32, #tpu.memory_space<vmem>>, vector<16xf32>,
        %parallel_loop3A_184 = arith.addf %parallel_loop3A_179, %parallel_loop3A_183 : vector<16xf32>
        %parallel_loop3A_185 = arith.mulf %parallel_loop3A_184, %parallel_loop3A_91 : vector<16xf32>
        %parallel_loop3A_186 = arith.index_cast %parallel_loop3A_83 : i32 to index
        %parallel_loop3A_187 = arith.constant 96 : index
        %parallel_loop3A_188 = tpu.vector_load %arg10[%parallel_loop3A_186, %parallel_loop3A_187] {strides = array<i32>} : memref<64x512xf32, #tpu.memory_space<vmem>>, vector<16xf32>,
        tpu.vector_store %arg10[%parallel_loop3A_186, %parallel_loop3A_187], %parallel_loop3A_185 {strides = array<i32>} : memref<64x512xf32, #tpu.memory_space<vmem>>, vector<16xf32>,
        %parallel_loop3A_189 = arith.constant 112 : i32
        %parallel_loop3A_190 = arith.addi %mul3A_67, %parallel_loop3A_189 : i32
        %parallel_loop3A_191 = arith.index_cast %parallel_loop3A_190 : i32 to index
        %parallel_loop3A_192 = tpu.vector_load %arg6[%parallel_loop3A_191] {strides = array<i32>} : memref<33280xf32, #tpu.memory_space<vmem>>, vector<16xf32>,
        %parallel_loop3A_193 = arith.constant 112 : i32
        %parallel_loop3A_194 = arith.addi %parallel_loop3A_97, %parallel_loop3A_193 : i32
        %parallel_loop3A_195 = arith.index_cast %parallel_loop3A_194 : i32 to index
        %parallel_loop3A_196 = tpu.vector_load %arg6[%parallel_loop3A_195] {strides = array<i32>} : memref<33280xf32, #tpu.memory_space<vmem>>, vector<16xf32>,
        %parallel_loop3A_197 = arith.addf %parallel_loop3A_192, %parallel_loop3A_196 : vector<16xf32>
        %parallel_loop3A_198 = arith.mulf %parallel_loop3A_197, %parallel_loop3A_91 : vector<16xf32>
        %parallel_loop3A_199 = arith.index_cast %parallel_loop3A_83 : i32 to index
        %parallel_loop3A_200 = arith.constant 112 : index
        %parallel_loop3A_201 = tpu.vector_load %arg10[%parallel_loop3A_199, %parallel_loop3A_200] {strides = array<i32>} : memref<64x512xf32, #tpu.memory_space<vmem>>, vector<16xf32>,
        tpu.vector_store %arg10[%parallel_loop3A_199, %parallel_loop3A_200], %parallel_loop3A_198 {strides = array<i32>} : memref<64x512xf32, #tpu.memory_space<vmem>>, vector<16xf32>,
        %parallel_loop3A_202 = arith.constant 128 : i32
        %parallel_loop3A_203 = arith.addi %mul3A_67, %parallel_loop3A_202 : i32
        %parallel_loop3A_204 = arith.index_cast %parallel_loop3A_203 : i32 to index
        %parallel_loop3A_205 = tpu.vector_load %arg6[%parallel_loop3A_204] {strides = array<i32>} : memref<33280xf32, #tpu.memory_space<vmem>>, vector<16xf32>,
        %parallel_loop3A_206 = arith.constant 128 : i32
        %parallel_loop3A_207 = arith.addi %parallel_loop3A_97, %parallel_loop3A_206 : i32
        %parallel_loop3A_208 = arith.index_cast %parallel_loop3A_207 : i32 to index
        %parallel_loop3A_209 = tpu.vector_load %arg6[%parallel_loop3A_208] {strides = array<i32>} : memref<33280xf32, #tpu.memory_space<vmem>>, vector<16xf32>,
        %parallel_loop3A_210 = arith.addf %parallel_loop3A_205, %parallel_loop3A_209 : vector<16xf32>
        %parallel_loop3A_211 = arith.mulf %parallel_loop3A_210, %parallel_loop3A_91 : vector<16xf32>
        %parallel_loop3A_212 = arith.index_cast %parallel_loop3A_83 : i32 to index
        %parallel_loop3A_213 = arith.constant 128 : index
        %parallel_loop3A_214 = tpu.vector_load %arg10[%parallel_loop3A_212, %parallel_loop3A_213] {strides = array<i32>} : memref<64x512xf32, #tpu.memory_space<vmem>>, vector<16xf32>,
        tpu.vector_store %arg10[%parallel_loop3A_212, %parallel_loop3A_213], %parallel_loop3A_211 {strides = array<i32>} : memref<64x512xf32, #tpu.memory_space<vmem>>, vector<16xf32>,
        %parallel_loop3A_215 = arith.constant 144 : i32
        %parallel_loop3A_216 = arith.addi %mul3A_67, %parallel_loop3A_215 : i32
        %parallel_loop3A_217 = arith.index_cast %parallel_loop3A_216 : i32 to index
        %parallel_loop3A_218 = tpu.vector_load %arg6[%parallel_loop3A_217] {strides = array<i32>} : memref<33280xf32, #tpu.memory_space<vmem>>, vector<16xf32>,
        %parallel_loop3A_219 = arith.constant 144 : i32
        %parallel_loop3A_220 = arith.addi %parallel_loop3A_97, %parallel_loop3A_219 : i32
        %parallel_loop3A_221 = arith.index_cast %parallel_loop3A_220 : i32 to index
        %parallel_loop3A_222 = tpu.vector_load %arg6[%parallel_loop3A_221] {strides = array<i32>} : memref<33280xf32, #tpu.memory_space<vmem>>, vector<16xf32>,
        %parallel_loop3A_223 = arith.addf %parallel_loop3A_218, %parallel_loop3A_222 : vector<16xf32>
        %parallel_loop3A_224 = arith.mulf %parallel_loop3A_223, %parallel_loop3A_91 : vector<16xf32>
        %parallel_loop3A_225 = arith.index_cast %parallel_loop3A_83 : i32 to index
        %parallel_loop3A_226 = arith.constant 144 : index
        %parallel_loop3A_227 = tpu.vector_load %arg10[%parallel_loop3A_225, %parallel_loop3A_226] {strides = array<i32>} : memref<64x512xf32, #tpu.memory_space<vmem>>, vector<16xf32>,
        tpu.vector_store %arg10[%parallel_loop3A_225, %parallel_loop3A_226], %parallel_loop3A_224 {strides = array<i32>} : memref<64x512xf32, #tpu.memory_space<vmem>>, vector<16xf32>,
        %parallel_loop3A_228 = arith.constant 160 : i32
        %parallel_loop3A_229 = arith.addi %mul3A_67, %parallel_loop3A_228 : i32
        %parallel_loop3A_230 = arith.index_cast %parallel_loop3A_229 : i32 to index
        %parallel_loop3A_231 = tpu.vector_load %arg6[%parallel_loop3A_230] {strides = array<i32>} : memref<33280xf32, #tpu.memory_space<vmem>>, vector<16xf32>,
        %parallel_loop3A_232 = arith.constant 160 : i32
        %parallel_loop3A_233 = arith.addi %parallel_loop3A_97, %parallel_loop3A_232 : i32
        %parallel_loop3A_234 = arith.index_cast %parallel_loop3A_233 : i32 to index
        %parallel_loop3A_235 = tpu.vector_load %arg6[%parallel_loop3A_234] {strides = array<i32>} : memref<33280xf32, #tpu.memory_space<vmem>>, vector<16xf32>,
        %parallel_loop3A_236 = arith.addf %parallel_loop3A_231, %parallel_loop3A_235 : vector<16xf32>
        %parallel_loop3A_237 = arith.mulf %parallel_loop3A_236, %parallel_loop3A_91 : vector<16xf32>
        %parallel_loop3A_238 = arith.index_cast %parallel_loop3A_83 : i32 to index
        %parallel_loop3A_239 = arith.constant 160 : index
        %parallel_loop3A_240 = tpu.vector_load %arg10[%parallel_loop3A_238, %parallel_loop3A_239] {strides = array<i32>} : memref<64x512xf32, #tpu.memory_space<vmem>>, vector<16xf32>,
        tpu.vector_store %arg10[%parallel_loop3A_238, %parallel_loop3A_239], %parallel_loop3A_237 {strides = array<i32>} : memref<64x512xf32, #tpu.memory_space<vmem>>, vector<16xf32>,
        %parallel_loop3A_241 = arith.constant 176 : i32
        %parallel_loop3A_242 = arith.addi %mul3A_67, %parallel_loop3A_241 : i32
        %parallel_loop3A_243 = arith.index_cast %parallel_loop3A_242 : i32 to index
        %parallel_loop3A_244 = tpu.vector_load %arg6[%parallel_loop3A_243] {strides = array<i32>} : memref<33280xf32, #tpu.memory_space<vmem>>, vector<16xf32>,
        %parallel_loop3A_245 = arith.constant 176 : i32
        %parallel_loop3A_246 = arith.addi %parallel_loop3A_97, %parallel_loop3A_245 : i32
        %parallel_loop3A_247 = arith.index_cast %parallel_loop3A_246 : i32 to index
        %parallel_loop3A_248 = tpu.vector_load %arg6[%parallel_loop3A_247] {strides = array<i32>} : memref<33280xf32, #tpu.memory_space<vmem>>, vector<16xf32>,
        %parallel_loop3A_249 = arith.addf %parallel_loop3A_244, %parallel_loop3A_248 : vector<16xf32>
        %parallel_loop3A_250 = arith.mulf %parallel_loop3A_249, %parallel_loop3A_91 : vector<16xf32>
        %parallel_loop3A_251 = arith.index_cast %parallel_loop3A_83 : i32 to index
        %parallel_loop3A_252 = arith.constant 176 : index
        %parallel_loop3A_253 = tpu.vector_load %arg10[%parallel_loop3A_251, %parallel_loop3A_252] {strides = array<i32>} : memref<64x512xf32, #tpu.memory_space<vmem>>, vector<16xf32>,
        tpu.vector_store %arg10[%parallel_loop3A_251, %parallel_loop3A_252], %parallel_loop3A_250 {strides = array<i32>} : memref<64x512xf32, #tpu.memory_space<vmem>>, vector<16xf32>,
        %parallel_loop3A_254 = arith.constant 192 : i32
        %parallel_loop3A_255 = arith.addi %mul3A_67, %parallel_loop3A_254 : i32
        %parallel_loop3A_256 = arith.index_cast %parallel_loop3A_255 : i32 to index
        %parallel_loop3A_257 = tpu.vector_load %arg6[%parallel_loop3A_256] {strides = array<i32>} : memref<33280xf32, #tpu.memory_space<vmem>>, vector<16xf32>,
        %parallel_loop3A_258 = arith.constant 192 : i32
        %parallel_loop3A_259 = arith.addi %parallel_loop3A_97, %parallel_loop3A_258 : i32
        %parallel_loop3A_260 = arith.index_cast %parallel_loop3A_259 : i32 to index
        %parallel_loop3A_261 = tpu.vector_load %arg6[%parallel_loop3A_260] {strides = array<i32>} : memref<33280xf32, #tpu.memory_space<vmem>>, vector<16xf32>,
        %parallel_loop3A_262 = arith.addf %parallel_loop3A_257, %parallel_loop3A_261 : vector<16xf32>
        %parallel_loop3A_263 = arith.mulf %parallel_loop3A_262, %parallel_loop3A_91 : vector<16xf32>
        %parallel_loop3A_264 = arith.index_cast %parallel_loop3A_83 : i32 to index
        %parallel_loop3A_265 = arith.constant 192 : index
        %parallel_loop3A_266 = tpu.vector_load %arg10[%parallel_loop3A_264, %parallel_loop3A_265] {strides = array<i32>} : memref<64x512xf32, #tpu.memory_space<vmem>>, vector<16xf32>,
        tpu.vector_store %arg10[%parallel_loop3A_264, %parallel_loop3A_265], %parallel_loop3A_263 {strides = array<i32>} : memref<64x512xf32, #tpu.memory_space<vmem>>, vector<16xf32>,
        %parallel_loop3A_267 = arith.constant 208 : i32
        %parallel_loop3A_268 = arith.addi %mul3A_67, %parallel_loop3A_267 : i32
        %parallel_loop3A_269 = arith.index_cast %parallel_loop3A_268 : i32 to index
        %parallel_loop3A_270 = tpu.vector_load %arg6[%parallel_loop3A_269] {strides = array<i32>} : memref<33280xf32, #tpu.memory_space<vmem>>, vector<16xf32>,
        %parallel_loop3A_271 = arith.constant 208 : i32
        %parallel_loop3A_272 = arith.addi %parallel_loop3A_97, %parallel_loop3A_271 : i32
        %parallel_loop3A_273 = arith.index_cast %parallel_loop3A_272 : i32 to index
        %parallel_loop3A_274 = tpu.vector_load %arg6[%parallel_loop3A_273] {strides = array<i32>} : memref<33280xf32, #tpu.memory_space<vmem>>, vector<16xf32>,
        %parallel_loop3A_275 = arith.addf %parallel_loop3A_270, %parallel_loop3A_274 : vector<16xf32>
        %parallel_loop3A_276 = arith.mulf %parallel_loop3A_275, %parallel_loop3A_91 : vector<16xf32>
        %parallel_loop3A_277 = arith.index_cast %parallel_loop3A_83 : i32 to index
        %parallel_loop3A_278 = arith.constant 208 : index
        %parallel_loop3A_279 = tpu.vector_load %arg10[%parallel_loop3A_277, %parallel_loop3A_278] {strides = array<i32>} : memref<64x512xf32, #tpu.memory_space<vmem>>, vector<16xf32>,
        tpu.vector_store %arg10[%parallel_loop3A_277, %parallel_loop3A_278], %parallel_loop3A_276 {strides = array<i32>} : memref<64x512xf32, #tpu.memory_space<vmem>>, vector<16xf32>,
        %parallel_loop3A_280 = arith.constant 224 : i32
        %parallel_loop3A_281 = arith.addi %mul3A_67, %parallel_loop3A_280 : i32
        %parallel_loop3A_282 = arith.index_cast %parallel_loop3A_281 : i32 to index
        %parallel_loop3A_283 = tpu.vector_load %arg6[%parallel_loop3A_282] {strides = array<i32>} : memref<33280xf32, #tpu.memory_space<vmem>>, vector<16xf32>,
        %parallel_loop3A_284 = arith.constant 224 : i32
        %parallel_loop3A_285 = arith.addi %parallel_loop3A_97, %parallel_loop3A_284 : i32
        %parallel_loop3A_286 = arith.index_cast %parallel_loop3A_285 : i32 to index
        %parallel_loop3A_287 = tpu.vector_load %arg6[%parallel_loop3A_286] {strides = array<i32>} : memref<33280xf32, #tpu.memory_space<vmem>>, vector<16xf32>,
        %parallel_loop3A_288 = arith.addf %parallel_loop3A_283, %parallel_loop3A_287 : vector<16xf32>
        %parallel_loop3A_289 = arith.mulf %parallel_loop3A_288, %parallel_loop3A_91 : vector<16xf32>
        %parallel_loop3A_290 = arith.index_cast %parallel_loop3A_83 : i32 to index
        %parallel_loop3A_291 = arith.constant 224 : index
        %parallel_loop3A_292 = tpu.vector_load %arg10[%parallel_loop3A_290, %parallel_loop3A_291] {strides = array<i32>} : memref<64x512xf32, #tpu.memory_space<vmem>>, vector<16xf32>,
        tpu.vector_store %arg10[%parallel_loop3A_290, %parallel_loop3A_291], %parallel_loop3A_289 {strides = array<i32>} : memref<64x512xf32, #tpu.memory_space<vmem>>, vector<16xf32>,
        %parallel_loop3A_293 = arith.constant 240 : i32
        %parallel_loop3A_294 = arith.addi %mul3A_67, %parallel_loop3A_293 : i32
        %parallel_loop3A_295 = arith.index_cast %parallel_loop3A_294 : i32 to index
        %parallel_loop3A_296 = tpu.vector_load %arg6[%parallel_loop3A_295] {strides = array<i32>} : memref<33280xf32, #tpu.memory_space<vmem>>, vector<16xf32>,
        %parallel_loop3A_297 = arith.constant 240 : i32
        %parallel_loop3A_298 = arith.addi %parallel_loop3A_97, %parallel_loop3A_297 : i32
        %parallel_loop3A_299 = arith.index_cast %parallel_loop3A_298 : i32 to index
        %parallel_loop3A_300 = tpu.vector_load %arg6[%parallel_loop3A_299] {strides = array<i32>} : memref<33280xf32, #tpu.memory_space<vmem>>, vector<16xf32>,
        %parallel_loop3A_301 = arith.addf %parallel_loop3A_296, %parallel_loop3A_300 : vector<16xf32>
        %parallel_loop3A_302 = arith.mulf %parallel_loop3A_301, %parallel_loop3A_91 : vector<16xf32>
        %parallel_loop3A_303 = arith.index_cast %parallel_loop3A_83 : i32 to index
        %parallel_loop3A_304 = arith.constant 240 : index
        %parallel_loop3A_305 = tpu.vector_load %arg10[%parallel_loop3A_303, %parallel_loop3A_304] {strides = array<i32>} : memref<64x512xf32, #tpu.memory_space<vmem>>, vector<16xf32>,
        tpu.vector_store %arg10[%parallel_loop3A_303, %parallel_loop3A_304], %parallel_loop3A_302 {strides = array<i32>} : memref<64x512xf32, #tpu.memory_space<vmem>>, vector<16xf32>,
        %parallel_loop3A_306 = arith.constant 256 : i32
        %parallel_loop3A_307 = arith.addi %mul3A_67, %parallel_loop3A_306 : i32
        %parallel_loop3A_308 = arith.index_cast %parallel_loop3A_307 : i32 to index
        %parallel_loop3A_309 = tpu.vector_load %arg6[%parallel_loop3A_308] {strides = array<i32>} : memref<33280xf32, #tpu.memory_space<vmem>>, vector<16xf32>,
        %parallel_loop3A_310 = arith.constant 256 : i32
        %parallel_loop3A_311 = arith.addi %parallel_loop3A_97, %parallel_loop3A_310 : i32
        %parallel_loop3A_312 = arith.index_cast %parallel_loop3A_311 : i32 to index
        %parallel_loop3A_313 = tpu.vector_load %arg6[%parallel_loop3A_312] {strides = array<i32>} : memref<33280xf32, #tpu.memory_space<vmem>>, vector<16xf32>,
        %parallel_loop3A_314 = arith.addf %parallel_loop3A_309, %parallel_loop3A_313 : vector<16xf32>
        %parallel_loop3A_315 = arith.mulf %parallel_loop3A_314, %parallel_loop3A_91 : vector<16xf32>
        %parallel_loop3A_316 = arith.index_cast %parallel_loop3A_83 : i32 to index
        %parallel_loop3A_317 = arith.constant 256 : index
        %parallel_loop3A_318 = tpu.vector_load %arg10[%parallel_loop3A_316, %parallel_loop3A_317] {strides = array<i32>} : memref<64x512xf32, #tpu.memory_space<vmem>>, vector<16xf32>,
        tpu.vector_store %arg10[%parallel_loop3A_316, %parallel_loop3A_317], %parallel_loop3A_315 {strides = array<i32>} : memref<64x512xf32, #tpu.memory_space<vmem>>, vector<16xf32>,
        %parallel_loop3A_319 = arith.constant 272 : i32
        %parallel_loop3A_320 = arith.addi %mul3A_67, %parallel_loop3A_319 : i32
        %parallel_loop3A_321 = arith.index_cast %parallel_loop3A_320 : i32 to index
        %parallel_loop3A_322 = tpu.vector_load %arg6[%parallel_loop3A_321] {strides = array<i32>} : memref<33280xf32, #tpu.memory_space<vmem>>, vector<16xf32>,
        %parallel_loop3A_323 = arith.constant 272 : i32
        %parallel_loop3A_324 = arith.addi %parallel_loop3A_97, %parallel_loop3A_323 : i32
        %parallel_loop3A_325 = arith.index_cast %parallel_loop3A_324 : i32 to index
        %parallel_loop3A_326 = tpu.vector_load %arg6[%parallel_loop3A_325] {strides = array<i32>} : memref<33280xf32, #tpu.memory_space<vmem>>, vector<16xf32>,
        %parallel_loop3A_327 = arith.addf %parallel_loop3A_322, %parallel_loop3A_326 : vector<16xf32>
        %parallel_loop3A_328 = arith.mulf %parallel_loop3A_327, %parallel_loop3A_91 : vector<16xf32>
        %parallel_loop3A_329 = arith.index_cast %parallel_loop3A_83 : i32 to index
        %parallel_loop3A_330 = arith.constant 272 : index
        %parallel_loop3A_331 = tpu.vector_load %arg10[%parallel_loop3A_329, %parallel_loop3A_330] {strides = array<i32>} : memref<64x512xf32, #tpu.memory_space<vmem>>, vector<16xf32>,
        tpu.vector_store %arg10[%parallel_loop3A_329, %parallel_loop3A_330], %parallel_loop3A_328 {strides = array<i32>} : memref<64x512xf32, #tpu.memory_space<vmem>>, vector<16xf32>,
        %parallel_loop3A_332 = arith.constant 288 : i32
        %parallel_loop3A_333 = arith.addi %mul3A_67, %parallel_loop3A_332 : i32
        %parallel_loop3A_334 = arith.index_cast %parallel_loop3A_333 : i32 to index
        %parallel_loop3A_335 = tpu.vector_load %arg6[%parallel_loop3A_334] {strides = array<i32>} : memref<33280xf32, #tpu.memory_space<vmem>>, vector<16xf32>,
        %parallel_loop3A_336 = arith.constant 288 : i32
        %parallel_loop3A_337 = arith.addi %parallel_loop3A_97, %parallel_loop3A_336 : i32
        %parallel_loop3A_338 = arith.index_cast %parallel_loop3A_337 : i32 to index
        %parallel_loop3A_339 = tpu.vector_load %arg6[%parallel_loop3A_338] {strides = array<i32>} : memref<33280xf32, #tpu.memory_space<vmem>>, vector<16xf32>,
        %parallel_loop3A_340 = arith.addf %parallel_loop3A_335, %parallel_loop3A_339 : vector<16xf32>
        %parallel_loop3A_341 = arith.mulf %parallel_loop3A_340, %parallel_loop3A_91 : vector<16xf32>
        %parallel_loop3A_342 = arith.index_cast %parallel_loop3A_83 : i32 to index
        %parallel_loop3A_343 = arith.constant 288 : index
        %parallel_loop3A_344 = tpu.vector_load %arg10[%parallel_loop3A_342, %parallel_loop3A_343] {strides = array<i32>} : memref<64x512xf32, #tpu.memory_space<vmem>>, vector<16xf32>,
        tpu.vector_store %arg10[%parallel_loop3A_342, %parallel_loop3A_343], %parallel_loop3A_341 {strides = array<i32>} : memref<64x512xf32, #tpu.memory_space<vmem>>, vector<16xf32>,
        %parallel_loop3A_345 = arith.constant 304 : i32
        %parallel_loop3A_346 = arith.addi %mul3A_67, %parallel_loop3A_345 : i32
        %parallel_loop3A_347 = arith.index_cast %parallel_loop3A_346 : i32 to index
        %parallel_loop3A_348 = tpu.vector_load %arg6[%parallel_loop3A_347] {strides = array<i32>} : memref<33280xf32, #tpu.memory_space<vmem>>, vector<16xf32>,
        %parallel_loop3A_349 = arith.constant 304 : i32
        %parallel_loop3A_350 = arith.addi %parallel_loop3A_97, %parallel_loop3A_349 : i32
        %parallel_loop3A_351 = arith.index_cast %parallel_loop3A_350 : i32 to index
        %parallel_loop3A_352 = tpu.vector_load %arg6[%parallel_loop3A_351] {strides = array<i32>} : memref<33280xf32, #tpu.memory_space<vmem>>, vector<16xf32>,
        %parallel_loop3A_353 = arith.addf %parallel_loop3A_348, %parallel_loop3A_352 : vector<16xf32>
        %parallel_loop3A_354 = arith.mulf %parallel_loop3A_353, %parallel_loop3A_91 : vector<16xf32>
        %parallel_loop3A_355 = arith.index_cast %parallel_loop3A_83 : i32 to index
        %parallel_loop3A_356 = arith.constant 304 : index
        %parallel_loop3A_357 = tpu.vector_load %arg10[%parallel_loop3A_355, %parallel_loop3A_356] {strides = array<i32>} : memref<64x512xf32, #tpu.memory_space<vmem>>, vector<16xf32>,
        tpu.vector_store %arg10[%parallel_loop3A_355, %parallel_loop3A_356], %parallel_loop3A_354 {strides = array<i32>} : memref<64x512xf32, #tpu.memory_space<vmem>>, vector<16xf32>,
        %parallel_loop3A_358 = arith.constant 320 : i32
        %parallel_loop3A_359 = arith.addi %mul3A_67, %parallel_loop3A_358 : i32
        %parallel_loop3A_360 = arith.index_cast %parallel_loop3A_359 : i32 to index
        %parallel_loop3A_361 = tpu.vector_load %arg6[%parallel_loop3A_360] {strides = array<i32>} : memref<33280xf32, #tpu.memory_space<vmem>>, vector<16xf32>,
        %parallel_loop3A_362 = arith.constant 320 : i32
        %parallel_loop3A_363 = arith.addi %parallel_loop3A_97, %parallel_loop3A_362 : i32
        %parallel_loop3A_364 = arith.index_cast %parallel_loop3A_363 : i32 to index
        %parallel_loop3A_365 = tpu.vector_load %arg6[%parallel_loop3A_364] {strides = array<i32>} : memref<33280xf32, #tpu.memory_space<vmem>>, vector<16xf32>,
        %parallel_loop3A_366 = arith.addf %parallel_loop3A_361, %parallel_loop3A_365 : vector<16xf32>
        %parallel_loop3A_367 = arith.mulf %parallel_loop3A_366, %parallel_loop3A_91 : vector<16xf32>
        %parallel_loop3A_368 = arith.index_cast %parallel_loop3A_83 : i32 to index
        %parallel_loop3A_369 = arith.constant 320 : index
        %parallel_loop3A_370 = tpu.vector_load %arg10[%parallel_loop3A_368, %parallel_loop3A_369] {strides = array<i32>} : memref<64x512xf32, #tpu.memory_space<vmem>>, vector<16xf32>,
        tpu.vector_store %arg10[%parallel_loop3A_368, %parallel_loop3A_369], %parallel_loop3A_367 {strides = array<i32>} : memref<64x512xf32, #tpu.memory_space<vmem>>, vector<16xf32>,
        %parallel_loop3A_371 = arith.constant 336 : i32
        %parallel_loop3A_372 = arith.addi %mul3A_67, %parallel_loop3A_371 : i32
        %parallel_loop3A_373 = arith.index_cast %parallel_loop3A_372 : i32 to index
        %parallel_loop3A_374 = tpu.vector_load %arg6[%parallel_loop3A_373] {strides = array<i32>} : memref<33280xf32, #tpu.memory_space<vmem>>, vector<16xf32>,
        %parallel_loop3A_375 = arith.constant 336 : i32
        %parallel_loop3A_376 = arith.addi %parallel_loop3A_97, %parallel_loop3A_375 : i32
        %parallel_loop3A_377 = arith.index_cast %parallel_loop3A_376 : i32 to index
        %parallel_loop3A_378 = tpu.vector_load %arg6[%parallel_loop3A_377] {strides = array<i32>} : memref<33280xf32, #tpu.memory_space<vmem>>, vector<16xf32>,
        %parallel_loop3A_379 = arith.addf %parallel_loop3A_374, %parallel_loop3A_378 : vector<16xf32>
        %parallel_loop3A_380 = arith.mulf %parallel_loop3A_379, %parallel_loop3A_91 : vector<16xf32>
        %parallel_loop3A_381 = arith.index_cast %parallel_loop3A_83 : i32 to index
        %parallel_loop3A_382 = arith.constant 336 : index
        %parallel_loop3A_383 = tpu.vector_load %arg10[%parallel_loop3A_381, %parallel_loop3A_382] {strides = array<i32>} : memref<64x512xf32, #tpu.memory_space<vmem>>, vector<16xf32>,
        tpu.vector_store %arg10[%parallel_loop3A_381, %parallel_loop3A_382], %parallel_loop3A_380 {strides = array<i32>} : memref<64x512xf32, #tpu.memory_space<vmem>>, vector<16xf32>,
        %parallel_loop3A_384 = arith.constant 352 : i32
        %parallel_loop3A_385 = arith.addi %mul3A_67, %parallel_loop3A_384 : i32
        %parallel_loop3A_386 = arith.index_cast %parallel_loop3A_385 : i32 to index
        %parallel_loop3A_387 = tpu.vector_load %arg6[%parallel_loop3A_386] {strides = array<i32>} : memref<33280xf32, #tpu.memory_space<vmem>>, vector<16xf32>,
        %parallel_loop3A_388 = arith.constant 352 : i32
        %parallel_loop3A_389 = arith.addi %parallel_loop3A_97, %parallel_loop3A_388 : i32
        %parallel_loop3A_390 = arith.index_cast %parallel_loop3A_389 : i32 to index
        %parallel_loop3A_391 = tpu.vector_load %arg6[%parallel_loop3A_390] {strides = array<i32>} : memref<33280xf32, #tpu.memory_space<vmem>>, vector<16xf32>,
        %parallel_loop3A_392 = arith.addf %parallel_loop3A_387, %parallel_loop3A_391 : vector<16xf32>
        %parallel_loop3A_393 = arith.mulf %parallel_loop3A_392, %parallel_loop3A_91 : vector<16xf32>
        %parallel_loop3A_394 = arith.index_cast %parallel_loop3A_83 : i32 to index
        %parallel_loop3A_395 = arith.constant 352 : index
        %parallel_loop3A_396 = tpu.vector_load %arg10[%parallel_loop3A_394, %parallel_loop3A_395] {strides = array<i32>} : memref<64x512xf32, #tpu.memory_space<vmem>>, vector<16xf32>,
        tpu.vector_store %arg10[%parallel_loop3A_394, %parallel_loop3A_395], %parallel_loop3A_393 {strides = array<i32>} : memref<64x512xf32, #tpu.memory_space<vmem>>, vector<16xf32>,
        %parallel_loop3A_397 = arith.constant 368 : i32
        %parallel_loop3A_398 = arith.addi %mul3A_67, %parallel_loop3A_397 : i32
        %parallel_loop3A_399 = arith.index_cast %parallel_loop3A_398 : i32 to index
        %parallel_loop3A_400 = tpu.vector_load %arg6[%parallel_loop3A_399] {strides = array<i32>} : memref<33280xf32, #tpu.memory_space<vmem>>, vector<16xf32>,
        %parallel_loop3A_401 = arith.constant 368 : i32
        %parallel_loop3A_402 = arith.addi %parallel_loop3A_97, %parallel_loop3A_401 : i32
        %parallel_loop3A_403 = arith.index_cast %parallel_loop3A_402 : i32 to index
        %parallel_loop3A_404 = tpu.vector_load %arg6[%parallel_loop3A_403] {strides = array<i32>} : memref<33280xf32, #tpu.memory_space<vmem>>, vector<16xf32>,
        %parallel_loop3A_405 = arith.addf %parallel_loop3A_400, %parallel_loop3A_404 : vector<16xf32>
        %parallel_loop3A_406 = arith.mulf %parallel_loop3A_405, %parallel_loop3A_91 : vector<16xf32>
        %parallel_loop3A_407 = arith.index_cast %parallel_loop3A_83 : i32 to index
        %parallel_loop3A_408 = arith.constant 368 : index
        %parallel_loop3A_409 = tpu.vector_load %arg10[%parallel_loop3A_407, %parallel_loop3A_408] {strides = array<i32>} : memref<64x512xf32, #tpu.memory_space<vmem>>, vector<16xf32>,
        tpu.vector_store %arg10[%parallel_loop3A_407, %parallel_loop3A_408], %parallel_loop3A_406 {strides = array<i32>} : memref<64x512xf32, #tpu.memory_space<vmem>>, vector<16xf32>,
        %parallel_loop3A_410 = arith.constant 384 : i32
        %parallel_loop3A_411 = arith.addi %mul3A_67, %parallel_loop3A_410 : i32
        %parallel_loop3A_412 = arith.index_cast %parallel_loop3A_411 : i32 to index
        %parallel_loop3A_413 = tpu.vector_load %arg6[%parallel_loop3A_412] {strides = array<i32>} : memref<33280xf32, #tpu.memory_space<vmem>>, vector<16xf32>,
        %parallel_loop3A_414 = arith.constant 384 : i32
        %parallel_loop3A_415 = arith.addi %parallel_loop3A_97, %parallel_loop3A_414 : i32
        %parallel_loop3A_416 = arith.index_cast %parallel_loop3A_415 : i32 to index
        %parallel_loop3A_417 = tpu.vector_load %arg6[%parallel_loop3A_416] {strides = array<i32>} : memref<33280xf32, #tpu.memory_space<vmem>>, vector<16xf32>,
        %parallel_loop3A_418 = arith.addf %parallel_loop3A_413, %parallel_loop3A_417 : vector<16xf32>
        %parallel_loop3A_419 = arith.mulf %parallel_loop3A_418, %parallel_loop3A_91 : vector<16xf32>
        %parallel_loop3A_420 = arith.index_cast %parallel_loop3A_83 : i32 to index
        %parallel_loop3A_421 = arith.constant 384 : index
        %parallel_loop3A_422 = tpu.vector_load %arg10[%parallel_loop3A_420, %parallel_loop3A_421] {strides = array<i32>} : memref<64x512xf32, #tpu.memory_space<vmem>>, vector<16xf32>,
        tpu.vector_store %arg10[%parallel_loop3A_420, %parallel_loop3A_421], %parallel_loop3A_419 {strides = array<i32>} : memref<64x512xf32, #tpu.memory_space<vmem>>, vector<16xf32>,
        %parallel_loop3A_423 = arith.constant 400 : i32
        %parallel_loop3A_424 = arith.addi %mul3A_67, %parallel_loop3A_423 : i32
        %parallel_loop3A_425 = arith.index_cast %parallel_loop3A_424 : i32 to index
        %parallel_loop3A_426 = tpu.vector_load %arg6[%parallel_loop3A_425] {strides = array<i32>} : memref<33280xf32, #tpu.memory_space<vmem>>, vector<16xf32>,
        %parallel_loop3A_427 = arith.constant 400 : i32
        %parallel_loop3A_428 = arith.addi %parallel_loop3A_97, %parallel_loop3A_427 : i32
        %parallel_loop3A_429 = arith.index_cast %parallel_loop3A_428 : i32 to index
        %parallel_loop3A_430 = tpu.vector_load %arg6[%parallel_loop3A_429] {strides = array<i32>} : memref<33280xf32, #tpu.memory_space<vmem>>, vector<16xf32>,
        %parallel_loop3A_431 = arith.addf %parallel_loop3A_426, %parallel_loop3A_430 : vector<16xf32>
        %parallel_loop3A_432 = arith.mulf %parallel_loop3A_431, %parallel_loop3A_91 : vector<16xf32>
        %parallel_loop3A_433 = arith.index_cast %parallel_loop3A_83 : i32 to index
        %parallel_loop3A_434 = arith.constant 400 : index
        %parallel_loop3A_435 = tpu.vector_load %arg10[%parallel_loop3A_433, %parallel_loop3A_434] {strides = array<i32>} : memref<64x512xf32, #tpu.memory_space<vmem>>, vector<16xf32>,
        tpu.vector_store %arg10[%parallel_loop3A_433, %parallel_loop3A_434], %parallel_loop3A_432 {strides = array<i32>} : memref<64x512xf32, #tpu.memory_space<vmem>>, vector<16xf32>,
        %parallel_loop3A_436 = arith.constant 416 : i32
        %parallel_loop3A_437 = arith.addi %mul3A_67, %parallel_loop3A_436 : i32
        %parallel_loop3A_438 = arith.index_cast %parallel_loop3A_437 : i32 to index
        %parallel_loop3A_439 = tpu.vector_load %arg6[%parallel_loop3A_438] {strides = array<i32>} : memref<33280xf32, #tpu.memory_space<vmem>>, vector<16xf32>,
        %parallel_loop3A_440 = arith.constant 416 : i32
        %parallel_loop3A_441 = arith.addi %parallel_loop3A_97, %parallel_loop3A_440 : i32
        %parallel_loop3A_442 = arith.index_cast %parallel_loop3A_441 : i32 to index
        %parallel_loop3A_443 = tpu.vector_load %arg6[%parallel_loop3A_442] {strides = array<i32>} : memref<33280xf32, #tpu.memory_space<vmem>>, vector<16xf32>,
        %parallel_loop3A_444 = arith.addf %parallel_loop3A_439, %parallel_loop3A_443 : vector<16xf32>
        %parallel_loop3A_445 = arith.mulf %parallel_loop3A_444, %parallel_loop3A_91 : vector<16xf32>
        %parallel_loop3A_446 = arith.index_cast %parallel_loop3A_83 : i32 to index
        %parallel_loop3A_447 = arith.constant 416 : index
        %parallel_loop3A_448 = tpu.vector_load %arg10[%parallel_loop3A_446, %parallel_loop3A_447] {strides = array<i32>} : memref<64x512xf32, #tpu.memory_space<vmem>>, vector<16xf32>,
        tpu.vector_store %arg10[%parallel_loop3A_446, %parallel_loop3A_447], %parallel_loop3A_445 {strides = array<i32>} : memref<64x512xf32, #tpu.memory_space<vmem>>, vector<16xf32>,
        %parallel_loop3A_449 = arith.constant 432 : i32
        %parallel_loop3A_450 = arith.addi %mul3A_67, %parallel_loop3A_449 : i32
        %parallel_loop3A_451 = arith.index_cast %parallel_loop3A_450 : i32 to index
        %parallel_loop3A_452 = tpu.vector_load %arg6[%parallel_loop3A_451] {strides = array<i32>} : memref<33280xf32, #tpu.memory_space<vmem>>, vector<16xf32>,
        %parallel_loop3A_453 = arith.constant 432 : i32
        %parallel_loop3A_454 = arith.addi %parallel_loop3A_97, %parallel_loop3A_453 : i32
        %parallel_loop3A_455 = arith.index_cast %parallel_loop3A_454 : i32 to index
        %parallel_loop3A_456 = tpu.vector_load %arg6[%parallel_loop3A_455] {strides = array<i32>} : memref<33280xf32, #tpu.memory_space<vmem>>, vector<16xf32>,
        %parallel_loop3A_457 = arith.addf %parallel_loop3A_452, %parallel_loop3A_456 : vector<16xf32>
        %parallel_loop3A_458 = arith.mulf %parallel_loop3A_457, %parallel_loop3A_91 : vector<16xf32>
        %parallel_loop3A_459 = arith.index_cast %parallel_loop3A_83 : i32 to index
        %parallel_loop3A_460 = arith.constant 432 : index
        %parallel_loop3A_461 = tpu.vector_load %arg10[%parallel_loop3A_459, %parallel_loop3A_460] {strides = array<i32>} : memref<64x512xf32, #tpu.memory_space<vmem>>, vector<16xf32>,
        tpu.vector_store %arg10[%parallel_loop3A_459, %parallel_loop3A_460], %parallel_loop3A_458 {strides = array<i32>} : memref<64x512xf32, #tpu.memory_space<vmem>>, vector<16xf32>,
        %parallel_loop3A_462 = arith.constant 448 : i32
        %parallel_loop3A_463 = arith.addi %mul3A_67, %parallel_loop3A_462 : i32
        %parallel_loop3A_464 = arith.index_cast %parallel_loop3A_463 : i32 to index
        %parallel_loop3A_465 = tpu.vector_load %arg6[%parallel_loop3A_464] {strides = array<i32>} : memref<33280xf32, #tpu.memory_space<vmem>>, vector<16xf32>,
        %parallel_loop3A_466 = arith.constant 448 : i32
        %parallel_loop3A_467 = arith.addi %parallel_loop3A_97, %parallel_loop3A_466 : i32
        %parallel_loop3A_468 = arith.index_cast %parallel_loop3A_467 : i32 to index
        %parallel_loop3A_469 = tpu.vector_load %arg6[%parallel_loop3A_468] {strides = array<i32>} : memref<33280xf32, #tpu.memory_space<vmem>>, vector<16xf32>,
        %parallel_loop3A_470 = arith.addf %parallel_loop3A_465, %parallel_loop3A_469 : vector<16xf32>
        %parallel_loop3A_471 = arith.mulf %parallel_loop3A_470, %parallel_loop3A_91 : vector<16xf32>
        %parallel_loop3A_472 = arith.index_cast %parallel_loop3A_83 : i32 to index
        %parallel_loop3A_473 = arith.constant 448 : index
        %parallel_loop3A_474 = tpu.vector_load %arg10[%parallel_loop3A_472, %parallel_loop3A_473] {strides = array<i32>} : memref<64x512xf32, #tpu.memory_space<vmem>>, vector<16xf32>,
        tpu.vector_store %arg10[%parallel_loop3A_472, %parallel_loop3A_473], %parallel_loop3A_471 {strides = array<i32>} : memref<64x512xf32, #tpu.memory_space<vmem>>, vector<16xf32>,
        %parallel_loop3A_475 = arith.constant 464 : i32
        %parallel_loop3A_476 = arith.addi %mul3A_67, %parallel_loop3A_475 : i32
        %parallel_loop3A_477 = arith.index_cast %parallel_loop3A_476 : i32 to index
        %parallel_loop3A_478 = tpu.vector_load %arg6[%parallel_loop3A_477] {strides = array<i32>} : memref<33280xf32, #tpu.memory_space<vmem>>, vector<16xf32>,
        %parallel_loop3A_479 = arith.constant 464 : i32
        %parallel_loop3A_480 = arith.addi %parallel_loop3A_97, %parallel_loop3A_479 : i32
        %parallel_loop3A_481 = arith.index_cast %parallel_loop3A_480 : i32 to index
        %parallel_loop3A_482 = tpu.vector_load %arg6[%parallel_loop3A_481] {strides = array<i32>} : memref<33280xf32, #tpu.memory_space<vmem>>, vector<16xf32>,
        %parallel_loop3A_483 = arith.addf %parallel_loop3A_478, %parallel_loop3A_482 : vector<16xf32>
        %parallel_loop3A_484 = arith.mulf %parallel_loop3A_483, %parallel_loop3A_91 : vector<16xf32>
        %parallel_loop3A_485 = arith.index_cast %parallel_loop3A_83 : i32 to index
        %parallel_loop3A_486 = arith.constant 464 : index
        %parallel_loop3A_487 = tpu.vector_load %arg10[%parallel_loop3A_485, %parallel_loop3A_486] {strides = array<i32>} : memref<64x512xf32, #tpu.memory_space<vmem>>, vector<16xf32>,
        tpu.vector_store %arg10[%parallel_loop3A_485, %parallel_loop3A_486], %parallel_loop3A_484 {strides = array<i32>} : memref<64x512xf32, #tpu.memory_space<vmem>>, vector<16xf32>,
        %parallel_loop3A_488 = arith.constant 480 : i32
        %parallel_loop3A_489 = arith.addi %mul3A_67, %parallel_loop3A_488 : i32
        %parallel_loop3A_490 = arith.index_cast %parallel_loop3A_489 : i32 to index
        %parallel_loop3A_491 = tpu.vector_load %arg6[%parallel_loop3A_490] {strides = array<i32>} : memref<33280xf32, #tpu.memory_space<vmem>>, vector<16xf32>,
        %parallel_loop3A_492 = arith.constant 480 : i32
        %parallel_loop3A_493 = arith.addi %parallel_loop3A_97, %parallel_loop3A_492 : i32
        %parallel_loop3A_494 = arith.index_cast %parallel_loop3A_493 : i32 to index
        %parallel_loop3A_495 = tpu.vector_load %arg6[%parallel_loop3A_494] {strides = array<i32>} : memref<33280xf32, #tpu.memory_space<vmem>>, vector<16xf32>,
        %parallel_loop3A_496 = arith.addf %parallel_loop3A_491, %parallel_loop3A_495 : vector<16xf32>
        %parallel_loop3A_497 = arith.mulf %parallel_loop3A_496, %parallel_loop3A_91 : vector<16xf32>
        %parallel_loop3A_498 = arith.index_cast %parallel_loop3A_83 : i32 to index
        %parallel_loop3A_499 = arith.constant 480 : index
        %parallel_loop3A_500 = tpu.vector_load %arg10[%parallel_loop3A_498, %parallel_loop3A_499] {strides = array<i32>} : memref<64x512xf32, #tpu.memory_space<vmem>>, vector<16xf32>,
        tpu.vector_store %arg10[%parallel_loop3A_498, %parallel_loop3A_499], %parallel_loop3A_497 {strides = array<i32>} : memref<64x512xf32, #tpu.memory_space<vmem>>, vector<16xf32>,
        %parallel_loop3A_501 = arith.constant 496 : i32
        %parallel_loop3A_502 = arith.addi %mul3A_67, %parallel_loop3A_501 : i32
        %parallel_loop3A_503 = arith.index_cast %parallel_loop3A_502 : i32 to index
        %parallel_loop3A_504 = tpu.vector_load %arg6[%parallel_loop3A_503] {strides = array<i32>} : memref<33280xf32, #tpu.memory_space<vmem>>, vector<16xf32>,
        %parallel_loop3A_505 = arith.constant 496 : i32
        %parallel_loop3A_506 = arith.addi %parallel_loop3A_97, %parallel_loop3A_505 : i32
        %parallel_loop3A_507 = arith.index_cast %parallel_loop3A_506 : i32 to index
        %parallel_loop3A_508 = tpu.vector_load %arg6[%parallel_loop3A_507] {strides = array<i32>} : memref<33280xf32, #tpu.memory_space<vmem>>, vector<16xf32>,
        %parallel_loop3A_509 = arith.addf %parallel_loop3A_504, %parallel_loop3A_508 : vector<16xf32>
        %parallel_loop3A_510 = arith.mulf %parallel_loop3A_509, %parallel_loop3A_91 : vector<16xf32>
        %parallel_loop3A_511 = arith.index_cast %parallel_loop3A_83 : i32 to index
        %parallel_loop3A_512 = arith.constant 496 : index
        %parallel_loop3A_513 = tpu.vector_load %arg10[%parallel_loop3A_511, %parallel_loop3A_512] {strides = array<i32>} : memref<64x512xf32, #tpu.memory_space<vmem>>, vector<16xf32>,
        tpu.vector_store %arg10[%parallel_loop3A_511, %parallel_loop3A_512], %parallel_loop3A_510 {strides = array<i32>} : memref<64x512xf32, #tpu.memory_space<vmem>>, vector<16xf32>,
      } {sc.loop_unroll_factor = 1 : i64, sc.parallel_access}
      %dma_start3A_69 = arith.constant 0 : i32
      %dma_start3A_70 = arith.constant 0 : i32
      %dma_start3A_71 = tpu.memref_slice %arg5[%add3A, %add3A_54, %dma_start3A_69, %dma_start3A_70] : memref<32x64x64x512xf32, #tpu.memory_space<hbm>> -> memref<1x1x64x512xf32, #tpu.memory_space<hbm>>
      %dma_start3A_72 = tpu.memref_squeeze %dma_start3A_71 : memref<1x1x64x512xf32, #tpu.memory_space<hbm>> -> memref<64x512xf32, #tpu.memory_space<hbm>>
      %dma_start3A_73 = arith.constant 0 : i32
      %dma_start3A_74 = arith.constant 0 : i32
      %dma_start3A_75 = tpu.memref_slice %arg5[%add3A, %add3A_54, %dma_start3A_73, %dma_start3A_74] : memref<32x64x64x512xf32, #tpu.memory_space<hbm>> -> memref<1x1x64x512xf32, #tpu.memory_space<hbm>>
      %dma_start3A_76 = tpu.memref_squeeze %dma_start3A_75 : memref<1x1x64x512xf32, #tpu.memory_space<hbm>> -> memref<64x512xf32, #tpu.memory_space<hbm>>
      tpu.enqueue_dma source(%arg10 : memref<64x512xf32, #tpu.memory_space<vmem>>) target(%dma_start3A_76 : memref<64x512xf32, #tpu.memory_space<hbm>>) target_semaphore(%arg12 : memref<!tpu.dma_semaphore, #tpu.memory_space<semaphore_mem>>)
    }
    %scan3A_13 = arith.constant 32 : i32
    %dma_wait3A = arith.constant 0 : i32
    %dma_wait3A_14 = arith.constant 0 : i32
    %dma_wait3A_15 = arith.constant 0 : i32
    %dma_wait3A_16 = arith.constant 0 : i32
    %dma_wait3A_17 = tpu.memref_slice %arg5[%dma_wait3A, %dma_wait3A_14, %dma_wait3A_15, %dma_wait3A_16] : memref<32x64x64x512xf32, #tpu.memory_space<hbm>> -> memref<1x1x64x512xf32, #tpu.memory_space<hbm>>
    %dma_wait3A_18 = tpu.memref_squeeze %dma_wait3A_17 : memref<1x1x64x512xf32, #tpu.memory_space<hbm>> -> memref<64x512xf32, #tpu.memory_space<hbm>>
    %dma_wait3A_19 = arith.constant 0 : i32
    %dma_wait3A_20 = arith.constant 0 : i32
    %dma_wait3A_21 = tpu.memref_slice %arg5[%dma_wait3A, %dma_wait3A_14, %dma_wait3A_19, %dma_wait3A_20] : memref<32x64x64x512xf32, #tpu.memory_space<hbm>> -> memref<1x1x64x512xf32, #tpu.memory_space<hbm>>
    %dma_wait3A_22 = tpu.memref_squeeze %dma_wait3A_21 : memref<1x1x64x512xf32, #tpu.memory_space<hbm>> -> memref<64x512xf32, #tpu.memory_space<hbm>>
    tpu.wait_dma2 semaphore(%arg11 : memref<!tpu.dma_semaphore, #tpu.memory_space<semaphore_mem>>) src(%arg9 : memref<64x512xf32, #tpu.memory_space<vmem>>) dst(%dma_wait3A_22 : memref<64x512xf32, #tpu.memory_space<hbm>>)
    %dma_wait3A_23 = arith.constant 0 : i32
    %dma_wait3A_24 = arith.constant 0 : i32
    %dma_wait3A_25 = arith.constant 0 : i32
    %dma_wait3A_26 = arith.constant 0 : i32
    %dma_wait3A_27 = tpu.memref_slice %arg5[%dma_wait3A_23, %dma_wait3A_24, %dma_wait3A_25, %dma_wait3A_26] : memref<32x64x64x512xf32, #tpu.memory_space<hbm>> -> memref<1x1x64x512xf32, #tpu.memory_space<hbm>>
    %dma_wait3A_28 = tpu.memref_squeeze %dma_wait3A_27 : memref<1x1x64x512xf32, #tpu.memory_space<hbm>> -> memref<64x512xf32, #tpu.memory_space<hbm>>
    %dma_wait3A_29 = arith.constant 0 : i32
    %dma_wait3A_30 = arith.constant 0 : i32
    %dma_wait3A_31 = tpu.memref_slice %arg5[%dma_wait3A_23, %dma_wait3A_24, %dma_wait3A_29, %dma_wait3A_30] : memref<32x64x64x512xf32, #tpu.memory_space<hbm>> -> memref<1x1x64x512xf32, #tpu.memory_space<hbm>>
    %dma_wait3A_32 = tpu.memref_squeeze %dma_wait3A_31 : memref<1x1x64x512xf32, #tpu.memory_space<hbm>> -> memref<64x512xf32, #tpu.memory_space<hbm>>
    tpu.wait_dma2 semaphore(%arg12 : memref<!tpu.dma_semaphore, #tpu.memory_space<semaphore_mem>>) src(%arg10 : memref<64x512xf32, #tpu.memory_space<vmem>>) dst(%dma_wait3A_32 : memref<64x512xf32, #tpu.memory_space<hbm>>)
    return
  }
}

</mosaic_0001>

<sc_bundles>
// kernel: kernel.3.cloned.1.call-start
scs
__scs_entry_jumppad:
0x0: {  	(pc) =	sbr.rel $0x88, $3  }
0x1: {  	(tag) =	ssettag $0x0;
	lr =	simm.s32 $0x1  }
0x2: {  	[smem:$0x3FA0] =	sst lr;
	_ =	strace $0xD0000000  }
0x3: {  	_ = 	snop  }
0x4: {  	_ = 	snop  }
0x5: {  	_ = 	snop  }
0x6: {  	_ = 	snop  }
0x7: {  	_ = 	snop  }
__scs_overlays_trampoline_lowered:
0x8: {  	[smem:$0x3FAF] =	sst s0  }
0x9: {  	[smem:$0x3FB0] =	sst s1  }
0xa: {  	[smem:$0x3FB1] =	sst s2  }
0xb: {  	[smem:$0x3FB2] =	sst s3  }
0xc: {  	[smem:$0x3FB3] =	sst s4  }
0xd: {  	[smem:$0x3FB4] =	sst s5  }
0xe: {  	[smem:$0x3FB5] =	sst s6  }
0xf: {  	[smem:$0x3FB6] =	sst s7  }
0x10: {  	[smem:$0x3FB7] =	sst s8  }
0x11: {  	[smem:$0x3FB8] =	sst s9;
	s0 =	simm.s32 @!p0 $0x0  }
0x12: {  	s1 =	sld [smem:$0x3F9E];
	s0 =	simm.s32 @p0 $0x1  }
0x13: {  	[smem:$0x3FB9] =	sst s0;
	s0 =	simm.s32 @!p1 $0x0  }
0x14: {  	s2 =	sld [smem:$0x3F9D];
	s0 =	simm.s32 @p1 $0x1  }
0x15: {  	[smem:$0x3FBA] =	sst s0;
	s0 =	simm.s32 @!p2 $0x0  }
0x16: {  	s3 =	sld [smem:$0x3FDB];
	s0 =	simm.s32 @p2 $0x1  }
0x17: {  	s4 =	simm.s32 $0x1BF5;
	[smem:$0x3FBC] =	sst s0  }
0x18: {  	s0 =	sld [smem:$0x3F9F];
	_ =	swait.ge [sflag:s4], $0x0  }
0x19: {  	s7 =	sld [smem:$0x3FA0]  }
0x1a: {  	s8 =	sadd.s32 $0xFFFFE003, lr  }
0x1b: {  	s9 =	sadd.s32 $0xFFFFFEF7, lr;
	s5 =	simm.s32 $0xFFFFFFFF;
	p2 =	slt.u32 s8, $0xFFFFF086  }
0x1c: {  	p1 =	slt.u32 s9, $0xF7A;
	s5 =	simm.s32 @!p2 $0x0  }
0x1d: {  	s5 =	simm.s32 @p1 $0x1;
	p0 =	seq.s32 s7, s2  }
0x1e: {  	s7 =	smul.u32 @!p0 $0xF7A, s2;
	p2 =	seq.s32 @!p0 s5, $0x0  }
0x1f: {  	s9 =	smul.u32 $0xF7A, s1;
	s8 =	simm.s32 @!p0 $0x1BF5;
	p2 =	por !p2, p0  }
0x20: {  	[sflag:s8] =	ssyncset.s32 @!p0 $0xFFFFF086;
	s6 =	sadd.s32 @!p0 s3, s7;
	s7 =	simm.s32 @!p0 $0x108  }
0x21: {  	s3 =	sadd.s32 s3, s9;
	s6 =	sadd.s32 @!p0 $0x88, s6;
	s7 =	simm.s32 @p2 $0x1082  }
0x22: {  	[simem:s7], [sflag:s8] =	dma.local @!p0 [hbm:s6], $0xF7A  }
0x23: {  	s9 =	sor.u32 $0xD0000000, s2;
	s6 =	simm.s32 $0x108;
	_ =	swait.ge @!p0 [sflag:s8], $0x0  }
0x24: {  	s3 =	sadd.s32 $0x88, s3;
	s6 =	simm.s32 @!p1 $0x1082;
	[sflag:s4] =	ssyncset.s32 $0xFFFFF086  }
0x25: {  	[simem:s6], [sflag:s4] =	dma.local [hbm:s3], $0xF7A  }
0x26: {  	[smem:$0x3FA0] =	sst s1;
	(tag) =	ssettag s2;
	_ =	strace s9  }
0x27: {  	s1 =	sld [smem:$0x3FB0]  }
0x28: {  	s2 =	sld [smem:$0x3FB1]  }
0x29: {  	s4 =	sld [smem:$0x3FB3]  }
0x2a: {  	p0 =	seq.s32 s5, $0x0;
	s5 =	sld [smem:$0x3FB4]  }
0x2b: {  	s6 =	sld [smem:$0x3FB5]  }
0x2c: {  	s7 =	sld [smem:$0x3FB6]  }
0x2d: {  	s3 =	simm.s32 $0x108;
	s8 =	sld [smem:$0x3FB7]  }
0x2e: {  	s3 =	simm.s32 @!p0 $0x1082;
	s9 =	sld [smem:$0x3FB8]  }
0x2f: {  	lr =	sadd.s32 s0, s3;
	s0 =	sld [smem:$0x3FAF]  }
0x30: {  	s3 =	sld [smem:$0x3FB2]  }
0x31: {  	[smem:$0x3FBB] =	sst s10  }
0x32: {  	s10 =	sld [smem:$0x3FB9];
	_ =	sdelay $0x3  }
0x33: {  	p0 =	seq.s32 s10, $0x1;
	s10 =	sld [smem:$0x3FBB];
	_ =	sdelay $0x3  }
0x34: {  	[smem:$0x3FBB] =	sst s10  }
0x35: {  	s10 =	sld [smem:$0x3FBA];
	_ =	sdelay $0x3  }
0x36: {  	p1 =	seq.s32 s10, $0x1;
	s10 =	sld [smem:$0x3FBB];
	_ =	sdelay $0x3  }
0x37: {  	[smem:$0x3FBB] =	sst s10  }
0x38: {  	s10 =	sld [smem:$0x3FBC]  }
0x39: {  	_ = 	snop;
	(pc) =	sbr.ind lr, $3  }
0x3a: {  	_ = 	snop  }
0x3b: {  	_ = 	snop  }
0x3c: {  	p2 =	seq.s32 s10, $0x1;
	s10 =	sld [smem:$0x3FBB]  }
0x3d: {  	_ =	shalt  }
0x3e: {  	_ =	shalt  }
0x3f: {  	_ =	shalt  }
0x40: {  	_ =	shalt  }
0x41: {  	_ =	shalt  }
0x42: {  	_ =	shalt  }
0x43: {  	_ =	shalt  }
0x44: {  	_ =	shalt  }
0x45: {  	_ =	shalt  }
0x46: {  	_ =	shalt  }
0x47: {  	_ =	shalt  }
0x48: {  	_ =	shalt  }
0x49: {  	_ =	shalt  }
0x4a: {  	_ =	shalt  }
0x4b: {  	_ =	shalt  }
0x4c: {  	_ =	shalt  }
0x4d: {  	_ =	shalt  }
0x4e: {  	_ =	shalt  }
0x4f: {  	_ =	shalt  }
0x50: {  	_ =	shalt  }
0x51: {  	_ =	shalt  }
0x52: {  	_ =	shalt  }
0x53: {  	_ =	shalt  }
0x54: {  	_ =	shalt  }
0x55: {  	_ =	shalt  }
0x56: {  	_ =	shalt  }
0x57: {  	_ =	shalt  }
0x58: {  	_ =	shalt  }
0x59: {  	_ =	shalt  }
0x5a: {  	_ =	shalt  }
0x5b: {  	_ =	shalt  }
0x5c: {  	_ =	shalt  }
0x5d: {  	_ =	shalt  }
0x5e: {  	_ =	shalt  }
0x5f: {  	_ =	shalt  }
0x60: {  	_ =	shalt  }
0x61: {  	_ =	shalt  }
0x62: {  	_ =	shalt  }
0x63: {  	_ =	shalt  }
0x64: {  	_ =	shalt  }
0x65: {  	_ =	shalt  }
0x66: {  	_ =	shalt  }
0x67: {  	_ =	shalt  }
0x68: {  	_ =	shalt  }
0x69: {  	_ =	shalt  }
0x6a: {  	_ =	shalt  }
0x6b: {  	_ =	shalt  }
0x6c: {  	_ =	shalt  }
0x6d: {  	_ =	shalt  }
0x6e: {  	_ =	shalt  }
0x6f: {  	_ =	shalt  }
0x70: {  	_ =	shalt  }
0x71: {  	_ =	shalt  }
0x72: {  	_ =	shalt  }
0x73: {  	_ =	shalt  }
0x74: {  	_ =	shalt  }
0x75: {  	_ =	shalt  }
0x76: {  	_ =	shalt  }
0x77: {  	_ =	shalt  }
0x78: {  	_ =	shalt  }
0x79: {  	_ =	shalt  }
0x7a: {  	_ =	shalt  }
0x7b: {  	_ =	shalt  }
0x7c: {  	_ =	shalt  }
0x7d: {  	_ =	shalt  }
0x7e: {  	_ =	shalt  }
0x7f: {  	_ =	shalt  }
0x80: {  	_ =	shalt  }
0x81: {  	_ =	shalt  }
0x82: {  	_ =	shalt  }
0x83: {  	_ =	shalt  }
0x84: {  	_ =	shalt  }
0x85: {  	_ =	shalt  }
0x86: {  	_ =	shalt  }
0x87: {  	_ =	shalt  }
.Lfunc_end0:
.L_simem_size_0:
called_computation_lowered:
.L_overlay_start_0:
0x88: {  	s2 =	sld [smem:$0x3FD9]  }
0x89: {  	s3 =	sld [smem:$0x3FFE];
	_ =	sdelay $0x1  }
0x8a: {  	s1 =	srdreg.scid  }
0x8b: {  	s0 =	sand.u32 $0x1, s1  }
0x8c: {  	s14 =	sshll.u32 s0, $0xA;
	s2 =	sadd.s32 s3, s2  }
0x8d: {  	s2 =	sadd.s32 s2, s14  }
0x8e: {  	[smem:$0x3FC7] =	sst s2  }
0x8f: {  	_ = 	snop  }
0x90: {  	s2 =	sld [smem:$0x3FD0];
	_ =	sdelay $0x2  }
0x91: {  	s15 =	simm.s32 $0xA;
	s4 =	simm.s32 $0x10  }
0x92: {  	[smem:s4], [sflag:s15] =	dma.local [hbm:s2], $0x1  }
0x93: {  	_ =	swait.eq [sflag:s15], $0x1  }
0x94: {  	[sflag:s15] =	ssyncset.done $0x0  }
0x95: {  	s16 =	sld [smem:$0x10];
	[sflag:s15] =	ssyncadd.s32 $0xFFFFFFFF  }
0x96: {  	s17 =	sld [smem:$0x11];
	(tm) =	ssettm $0x1  }
0x97: {  	s18 =	sld [smem:$0x3FFB];
	_ =	sdelay $0x3  }
0x98: {  	_ =	strace s18  }
0x99: {  	s4 =	sld [smem:$0x3FFC];
	_ =	sdelay $0x3  }
0x9a: {  	_ =	strace s4  }
0x9b: {  	s4 =	sld [smem:$0x3FFD];
	_ =	sdelay $0x3  }
0x9c: {  	_ =	strace s4  }
0x9d: {  	_ =	strace $0x8FFFFFFF  }
0x9e: {  	s19 =	sld [smem:$0x3FDB];
	_ =	sdelay $0x1  }
0x9f: {  	s5 =	simm.s32 $_scs_section_size  }
0xa0: {  	s6 =	simm.s32 $_size__tile_overlayer_lowered;
	s7 =	simm.s32 $_tile_overlayer_lowered  }
0xa1: {  	s22 =	simm.s32 $0x1BFF;
	s21 =	sshll.u32 s7, $0x1;
	s4 =	sadd.s32 s5, s19  }
0xa2: {  	s8 =	simm.s32 $0x0;
	s20 =	sshll.u32 s6, $0x1;
	s6 =	sadd.s32 s21, s4  }
0xa3: {  	[timem:s8], [sflag:s22] =	dma.local [hbm:s6], s20  }
0xa4: {  	_ =	swait.ge [sflag:s22], s20  }
0xa5: {  	s5 =	ssub.s32 $0x0, s20;
	[sflag:s22] =	ssyncset.done $0x0  }
0xa6: {  	[sflag:s22] =	ssyncadd.s32 s5;
	_ =	sdelay $0x1  }
0xa7: {  	s23 =	simm.s32 $0x1B8B  }
0xa8: {  	_ =	swait.ge [sflag:s23], $0x1  }
0xa9: {  	[sflag:s23] =	ssyncset.done $0x0  }
0xaa: {  	s25 =	simm.s32 $0x1B8E;
	s24 =	sld [smem:$0x3FFE];
	[sflag:s23] =	ssyncadd.s32 $0xFFFFFFFF  }
0xab: {  	s26 =	simm.s32 $execute0_lowered;
	[smem:$0x3FD2] =	sst s25  }
0xac: {  	s6 =	sshll.u32 s26, $0x1;
	_ =	strace $0x80000046;
	[dreg:$0x1] =	wrdreg $0xFFFFFFFF  }
0xad: {  	s28 =	simm.s32 $_size_execute0_lowered;
	s4 =	sadd.s32 s4, s6;
	[dreg:$0x0] =	wrdreg $0x0  }
0xae: {  	s6 =	sshll.u32 s28, $0x1;
	[dreg:$0x2] =	wrdreg s4  }
0xaf: {  	[dreg:$0x3] =	wrdreg s6  }
0xb0: {  	[dreg:$0x4] =	wrdreg $0xC0  }
0xb1: {  	_ =	task [dreg:s8], $0x5FFFF  }
0xb2: {  	[dreg:$0x1] =	wrdreg $0xFFFFFFFF  }
0xb3: {  	[dreg:$0x0] =	wrdreg $0x60  }
0xb4: {  	[dreg:$0x2] =	wrdreg s24  }
0xb5: {  	[dreg:$0x3] =	wrdreg s17  }
0xb6: {  	[dreg:$0x4] =	wrdreg s16  }
0xb7: {  	[dreg:$0x5] =	wrdreg $0x9  }
0xb8: {  	_ =	task.clear_ibuf [dreg:s8], $0x6FFFF;
	_ =	strace $0x90000046  }
0xb9: {  	s29 =	simm.s32 $0x9;
	_ =	strace $0x80000048  }
0xba: {  	_ =	swait.ge [sflag:s29], $0x1  }
0xbb: {  	[sflag:s29] =	ssyncadd.s32 $0xFFFFFFFF  }
0xbc: {  	_ =	strace $0x90000048  }
0xbd: {  	_ =	sfence  }
0xbe: {  	s30 =	sld [smem:$0x0];
	_ =	sdelay $0x2  }
0xbf: {  	s31 =	sshll.u32 s1, $0xD;
	s1 =	sshrl.u32 s1, $0x2  }
0xc0: {  	s3 =	sand.u32 $0x4000, s31;
	s1 =	sadd.s32 s1, s30  }
0xc1: {  	s0 =	sor.u32 s3, s0;
	s1 =	sshll.u32 s1, $0x11  }
0xc2: {  	s0 =	sor.u32 s1, s0  }
0xc3: {  	s0 =	sadd.s32 $0x8F2B, s0  }
0xc4: {  	[sflag:s0] =	ssyncadd.remote.s32 $0x1  }
0xc5: {  	_ =	sfence.sel $0xFFFF  }
0xc6: {  	[dreg:$0x0] =	wrdreg $0xFFFFFFFF;
	(pc) =	sbr.abs _section_cstart, $3  }
0xc7: {  	[dreg:$0x1] =	wrdreg $0xFFFFFFFF  }
0xc8: {  	_ =	task.clear_ibuf [dreg:s8], $0x2FFFF;
	_ =	strace $0x9FFFFFFF  }
0xc9: {  	(tm) =	ssettm $0x7FFFFFFF  }
tec
execute0_lowered:
.L_overlay_start_1:
0x0: {  	(tag) =	ssettag $0x1  }
0x1: {  	s0 =	rddreg [dreg:$0x0]  }
0x2: {  	s31 =	rddreg [dreg:$0x2]  }
0x3: {  	s1 =	srdreg.scid;
	s2 =	stileid.u32;
	s6 =	simm.s32 $0x0  }
0x4: {  	s1 =	sand.u32 $0x1, s1;
	s2 =	sshll.u32 s2, $0x1;
	[smem:$0x7FF] =	sst s6  }
0x5: {  	s30 =	simm.s32 $0x0;
	s2 =	sor.u32 s1, s2;
	_ =	strace $0x80000047  }
0x6: {  	s1 =	ssub.s32 $0x2, s1;
	[dreg:$0x8] =	wrdreg s30;
	s3 =	sshll.u32 s2, $0xC  }
.Ltmp0:
0x7: {  	s28 =	sshrl.u32 s1, $0x1;
	s7 =	sshll.u32 s2, $0x15;
	(pc) =	sbr.rel .LBB2_1-.Ltmp0, $4  }
0x8: {  	s3 =	sadd.s32 s3, s0;
	s0 =	sadd.s32 $0x20A00, s0;
	[dreg:$0x6] =	wrdreg s7  }
0x9: {  	[dreg:$0x4] =	wrdreg s0;
	s0 =	ssub.s32 s1, s28;
	s29 =	sadd.s32 $0xA00, s3  }
0xa: {  	[dreg:$0x5] =	wrdreg s29;
	s0 =	smax.u32 s0, $0x1  }
0xb: {  	v0 =	vimm.f32 $0.0e+00;
	[dreg:$0x7] =	wrdreg s0  }
.LBB2_41:
0xc: {  	s0 =	simm.s32 $0x1  }
0xd: {  	_ =	swait.ge [sflag:s0], $0x8000  }
0xe: {  	[sflag:s0] =	ssyncset.done $0x0  }
0xf: {  	s1 =	simm.s32 $0x2;
	[sflag:s0] =	ssyncadd.s32 $0xFFFF8000  }
0x10: {  	_ =	swait.ge [sflag:s1], $0x8000  }
0x11: {  	s2 =	rddreg [dreg:$0x8]  }
0x12: {  	s30 =	rddreg [dreg:$0x7];
	s2 =	sadd.s32 $0x1, s2  }
0x13: {  	p0 =	sne.s32 s2, s30  }
.Ltmp1:
0x14: {  	_ = 	snop;
	(pc) =	sbr.rel @!p0 .LBB2_42-.Ltmp1, $3  }
0x15: {  	_ =	sdelay $0x1  }
0x16: {  	[sflag:s1] =	ssyncset.done $0x0  }
0x17: {  	[sflag:s1] =	ssyncadd.s32 $0xFFFF8000;
	[dreg:$0x8] =	wrdreg s2  }
.LBB2_1:
0x18: {  	s0 =	rddreg [dreg:$0x1];
	s1 =	simm.s32 $0x8200;
	s28 =	simm.s32 $0x3  }
0x19: {  	[tilespmem:s1], [sflag:$0x3] =	stream.linear.gather [hbm4b:s0+s6], $0x500, $0x38;
	[tilespmem:$0x18780] =	vst v63  }
0x1a: {  	_ =	swait.ge [sflag:s28], $0x500  }
0x1b: {  	[sflag:s28] =	ssyncset.done $0x0  }
0x1c: {  	s2 =	simm.s32 $0x8700;
	s29 =	rddreg [dreg:$0x4];
	[sflag:s28] =	ssyncadd.s32 $0xFFFFFB00  }
0x1d: {  	[tilespmem:s2], [sflag:$0x3] =	stream.linear.gather [hbm4b:s29+s6], $0x80, $0x38;
	[tilespmem:$0x18780] =	vst v63  }
0x1e: {  	_ =	swait.ge [sflag:s28], $0x80  }
0x1f: {  	[sflag:s28] =	ssyncset.done $0x0  }
0x20: {  	s30 =	rddreg [dreg:$0x5];
	[sflag:s28] =	ssyncadd.s32 $0xFFFFFF80  }
0x21: {  	[tilespmem:s6], [sflag:$0x3] =	stream.linear.gather [hbm4b:s30+s6], $0x8000, $0x38;
	[tilespmem:$0x18780] =	vst v63  }
0x22: {  	_ =	swait.ge [sflag:s28], $0x8000  }
0x23: {  	[sflag:s28] =	ssyncset.done $0x0  }
0x24: {  	s0 =	simm.s32 $0x10;
	s1 =	sand.u32 $0x1F0, s6;
	[sflag:s28] =	ssyncadd.s32 $0xFFFF8000  }
.LBB2_2:
0x25: {  	p0 =	sne.s32 s0, $0x1F0;
	[tilespmem:s1+$0x8000] =	vst v0;
	s1 =	smov.u32 s0;
	s0 =	sadd.s32 $0x10, s0  }
.Ltmp2:
0x26: {  	(pc) =	sbr.rel @p0 .LBB2_2-.Ltmp2, $2  }
0x27: {  	_ =	sdelay $0x2  }
0x28: {  	s1 =	sand.u32 $0x1F0, s1  }
0x29: {  	s10 =	simm.s32 $0x0  }
0x2a: {  	s0 =	sand.u32 $0x7000, s10;
	s2 =	sand.u32 $0xC00, s10  }
0x2b: {  	s30 =	sand.u32 $0x380, s10;
	s0 =	sor.u32 s2, s0  }
0x2c: {  	s3 =	sand.u32 $0x70, s10;
	s0 =	sor.u32 s30, s0  }
0x2d: {  	[tilespmem:s1+$0x8000] =	vst v0;
	s3 =	sor.u32 s3, s0  }
0x2e: {  	s1 =	simm.s32 $0x0;
	s2 =	simm.s32 $0x0;
	s0 =	simm.s32 $0x10;
	[tilespmem:s3+$0x10780] =	vst v0  }
.LBB2_4:
0x2f: {  	s4 =	sand.u32 $0x7000, s0;
	s1 =	sadd.s32 $0x4, s1  }
0x30: {  	[tilespmem:s3+$0x8780] =	vst v0;
	s2 =	sadd.s32 $0x80, s2;
	s3 =	smov.u32 s0;
	p0 =	sne.s32 s0, $0x7FF0  }
.Ltmp3:
0x31: {  	s0 =	sadd.s32 $0x10, s0;
	s5 =	sand.u32 $0xC00, s2;
	(pc) =	sbr.rel @p0 .LBB2_4-.Ltmp3, $4  }
0x32: {  	s4 =	sor.u32 s5, s4;
	s5 =	sand.u32 $0x380, s1  }
0x33: {  	s3 =	sand.u32 $0x70, s3;
	s4 =	sor.u32 s5, s4  }
0x34: {  	s3 =	sor.u32 s3, s4  }
0x35: {  	[tilespmem:s3+$0x10780] =	vst v0  }
.Ltmp4:
0x36: {  	(pc) =	sbr.rel .LBB2_6-.Ltmp4, $2  }
0x37: {  	_ =	sdelay $0x2  }
0x38: {  	[tilespmem:s3+$0x8780] =	vst v0  }
.LBB2_26:
0x39: {  	s2 =	smov.u32 s22;
	s20 =	smov.u32 s21  }
.LBB2_39:
0x3a: {  	v8 =	vadd.f32 v14, v8;
	_ =	sdelay $0x1  }
0x3b: {  	v8 =	vmul.f32 s2, v8  }
0x3c: {  	s17 =	sadd.s32 $0x10780, s28  }
0x3d: {  	[tilespmem:s17+$0x10] =	vst v8  }
0x3e: {  	v8 =	vld [tilespmem:s18+$0x20]  }
0x3f: {  	v34 =	vld [tilespmem:s20+$0x20];
	_ =	sdelay $0x4  }
0x40: {  	v8 =	vadd.f32 v34, v8;
	_ =	sdelay $0x1  }
0x41: {  	v8 =	vmul.f32 s2, v8;
	_ =	sdelay $0x1  }
0x42: {  	[tilespmem:s17+$0x20] =	vst v8  }
0x43: {  	v8 =	vld [tilespmem:s18+$0x30]  }
0x44: {  	v35 =	vld [tilespmem:s20+$0x30];
	_ =	sdelay $0x4  }
0x45: {  	v8 =	vadd.f32 v35, v8;
	_ =	sdelay $0x1  }
0x46: {  	v8 =	vmul.f32 s2, v8;
	_ =	sdelay $0x1  }
0x47: {  	[tilespmem:s17+$0x30] =	vst v8  }
0x48: {  	v8 =	vld [tilespmem:s18+$0x40]  }
0x49: {  	v36 =	vld [tilespmem:s20+$0x40];
	_ =	sdelay $0x4  }
0x4a: {  	v8 =	vadd.f32 v36, v8;
	_ =	sdelay $0x1  }
0x4b: {  	v8 =	vmul.f32 s2, v8;
	_ =	sdelay $0x1  }
0x4c: {  	[tilespmem:s17+$0x40] =	vst v8  }
0x4d: {  	v8 =	vld [tilespmem:s18+$0x50]  }
0x4e: {  	v37 =	vld [tilespmem:s20+$0x50];
	_ =	sdelay $0x4  }
0x4f: {  	v8 =	vadd.f32 v37, v8;
	_ =	sdelay $0x1  }
0x50: {  	v8 =	vmul.f32 s2, v8;
	_ =	sdelay $0x1  }
0x51: {  	[tilespmem:s17+$0x50] =	vst v8  }
0x52: {  	v8 =	vld [tilespmem:s18+$0x60]  }
0x53: {  	v38 =	vld [tilespmem:s20+$0x60];
	_ =	sdelay $0x4  }
0x54: {  	v8 =	vadd.f32 v38, v8;
	_ =	sdelay $0x1  }
0x55: {  	v13 =	vadd.f32 @p0 v15, v13;
	v8 =	vmul.f32 s2, v8;
	_ =	sdelay $0x1  }
0x56: {  	v13 =	vmul.f32 @p0 s4, v13;
	[tilespmem:s17+$0x60] =	vst v8  }
0x57: {  	v8 =	vld [tilespmem:s18+$0x70]  }
0x58: {  	[tilespmem:s7+$0x70] =	vst @p0 v13;
	v39 =	vld [tilespmem:s20+$0x70]  }
0x59: {  	s28 =	smov.u32 @p0 s30;
	v14 =	vld @p0 [tilespmem:s18+$0x80]  }
0x5a: {  	v15 =	vld @p0 [tilespmem:s28+$0x80];
	_ =	sdelay $0x2  }
0x5b: {  	v8 =	vadd.f32 v39, v8;
	_ =	sdelay $0x1  }
0x5c: {  	v13 =	vadd.f32 @p0 v15, v14;
	v8 =	vmul.f32 s2, v8  }
0x5d: {  	s19 =	smov.u32 @p0 s4  }
0x5e: {  	v13 =	vmul.f32 @p0 s19, v13;
	[tilespmem:s17+$0x70] =	vst v8  }
0x5f: {  	v8 =	vld [tilespmem:s18+$0x80]  }
0x60: {  	[tilespmem:s7+$0x400] =	vst @p0 v13;
	v40 =	vld [tilespmem:s20+$0x80]  }
0x61: {  	v14 =	vld @p0 [tilespmem:s18+$0x90]  }
0x62: {  	v15 =	vld @p0 [tilespmem:s28+$0x90];
	_ =	sdelay $0x2  }
0x63: {  	v8 =	vadd.f32 v40, v8;
	_ =	sdelay $0x1  }
0x64: {  	v13 =	vadd.f32 @p0 v15, v14;
	v8 =	vmul.f32 s2, v8;
	_ =	sdelay $0x1  }
0x65: {  	v13 =	vmul.f32 @p0 s19, v13;
	[tilespmem:s17+$0x400] =	vst v8  }
0x66: {  	v8 =	vld [tilespmem:s18+$0x90]  }
0x67: {  	[tilespmem:s7+$0x410] =	vst @p0 v13;
	v41 =	vld [tilespmem:s20+$0x90]  }
0x68: {  	v14 =	vld @p0 [tilespmem:s18+$0xA0]  }
0x69: {  	v15 =	vld @p0 [tilespmem:s28+$0xA0];
	_ =	sdelay $0x2  }
0x6a: {  	v8 =	vadd.f32 v41, v8;
	_ =	sdelay $0x1  }
0x6b: {  	v13 =	vadd.f32 @p0 v15, v14;
	v8 =	vmul.f32 s2, v8;
	_ =	sdelay $0x1  }
0x6c: {  	v13 =	vmul.f32 @p0 s19, v13;
	[tilespmem:s17+$0x410] =	vst v8  }
0x6d: {  	v8 =	vld [tilespmem:s18+$0xA0]  }
0x6e: {  	[tilespmem:s7+$0x420] =	vst @p0 v13;
	v42 =	vld [tilespmem:s20+$0xA0]  }
0x6f: {  	v14 =	vld @p0 [tilespmem:s18+$0xB0]  }
0x70: {  	v15 =	vld @p0 [tilespmem:s28+$0xB0];
	_ =	sdelay $0x2  }
0x71: {  	v8 =	vadd.f32 v42, v8;
	_ =	sdelay $0x1  }
0x72: {  	v13 =	vadd.f32 @p0 v15, v14;
	v8 =	vmul.f32 s2, v8;
	_ =	sdelay $0x1  }
0x73: {  	v13 =	vmul.f32 @p0 s19, v13;
	[tilespmem:s17+$0x420] =	vst v8  }
0x74: {  	v8 =	vld [tilespmem:s18+$0xB0]  }
0x75: {  	[tilespmem:s7+$0x430] =	vst @p0 v13;
	v43 =	vld [tilespmem:s20+$0xB0]  }
0x76: {  	v14 =	vld @p0 [tilespmem:s18+$0xC0]  }
0x77: {  	v15 =	vld @p0 [tilespmem:s28+$0xC0];
	_ =	sdelay $0x2  }
0x78: {  	v8 =	vadd.f32 v43, v8;
	_ =	sdelay $0x1  }
0x79: {  	v13 =	vadd.f32 @p0 v15, v14;
	v8 =	vmul.f32 s2, v8;
	_ =	sdelay $0x1  }
0x7a: {  	v13 =	vmul.f32 @p0 s19, v13;
	[tilespmem:s17+$0x430] =	vst v8  }
0x7b: {  	v8 =	vld [tilespmem:s18+$0xC0]  }
0x7c: {  	[tilespmem:s7+$0x440] =	vst @p0 v13;
	v44 =	vld [tilespmem:s20+$0xC0]  }
0x7d: {  	v14 =	vld @p0 [tilespmem:s18+$0xD0]  }
0x7e: {  	v15 =	vld @p0 [tilespmem:s28+$0xD0]  }
0x7f: {  	v11 =	vadd.f32 @p1 v12, v11;
	_ =	sdelay $0x1  }
0x80: {  	v11 =	vmul.f32 @p1 s8, v11;
	v8 =	vadd.f32 v44, v8;
	_ =	sdelay $0x1  }
0x81: {  	[tilespmem:s14+$0x450] =	vst @p1 v11;
	v6 =	vpsel p0, v14, v6;
	v7 =	vpsel p0, v15, v7;
	v8 =	vmul.f32 s2, v8  }
0x82: {  	s4 =	smov.u32 @p1 s29;
	v11 =	vld @p1 [tilespmem:s18+$0xE0];
	v6 =	vadd.f32 @p0 v7, v6  }
0x83: {  	s9 =	smov.u32 @p0 s19;
	v7 =	vld @p1 [tilespmem:s4+$0xE0];
	[tilespmem:s17+$0x440] =	vst v8  }
0x84: {  	v6 =	vmul.f32 @p0 s9, v6;
	v8 =	vld [tilespmem:s18+$0xD0]  }
0x85: {  	s5 =	smov.u32 @p0 s7;
	v45 =	vld [tilespmem:s20+$0xD0]  }
0x86: {  	s0 =	smov.u32 @p0 s28;
	[tilespmem:s5+$0x450] =	vst @p0 v6  }
0x87: {  	s28 =	smov.u32 @p0 s0;
	v6 =	vld @p0 [tilespmem:s18+$0xE0]  }
0x88: {  	v7 =	vadd.f32 @p1 v7, v11;
	v11 =	vld @p0 [tilespmem:s28+$0xE0]  }
0x89: {  	s0 =	smov.u32 @p1 s8  }
0x8a: {  	v7 =	vmul.f32 @p1 s0, v7;
	v8 =	vadd.f32 v45, v8  }
0x8b: {  	s8 =	smov.u32 @p1 s14  }
0x8c: {  	[tilespmem:s8+$0x460] =	vst @p1 v7;
	v46 =	vmul.f32 s2, v8  }
0x8d: {  	v6 =	vadd.f32 @p0 v11, v6;
	v11 =	vld @p1 [tilespmem:s4+$0xF0]  }
0x8e: {  	v8 =	vld @p1 [tilespmem:s18+$0xF0];
	[tilespmem:s17+$0x450] =	vst v46  }
0x8f: {  	v6 =	vmul.f32 @p0 s9, v6;
	v7 =	vld [tilespmem:s18+$0xE0]  }
0x90: {  	v47 =	vld [tilespmem:s20+$0xE0]  }
0x91: {  	[tilespmem:s5+$0x460] =	vst @p0 v6  }
0x92: {  	v6 =	vld @p0 [tilespmem:s18+$0xF0]  }
0x93: {  	v8 =	vadd.f32 @p1 v11, v8;
	v11 =	vld @p0 [tilespmem:s28+$0xF0];
	_ =	sdelay $0x1  }
0x94: {  	v8 =	vmul.f32 @p1 s0, v8;
	v7 =	vadd.f32 v47, v7;
	_ =	sdelay $0x1  }
0x95: {  	[tilespmem:s8+$0x470] =	vst @p1 v8;
	v7 =	vmul.f32 s2, v7  }
0x96: {  	v8 =	vld @p1 [tilespmem:s18+$0x100];
	v6 =	vadd.f32 @p0 v11, v6  }
0x97: {  	v11 =	vld @p1 [tilespmem:s4+$0x100];
	[tilespmem:s17+$0x460] =	vst v7  }
0x98: {  	v6 =	vmul.f32 @p0 s9, v6;
	v7 =	vld [tilespmem:s18+$0xF0]  }
0x99: {  	v48 =	vld [tilespmem:s20+$0xF0]  }
0x9a: {  	[tilespmem:s5+$0x470] =	vst @p0 v6  }
0x9b: {  	v6 =	vld @p0 [tilespmem:s18+$0x100]  }
0x9c: {  	v8 =	vadd.f32 @p1 v11, v8;
	v11 =	vld @p0 [tilespmem:s28+$0x100];
	_ =	sdelay $0x1  }
0x9d: {  	v8 =	vmul.f32 @p1 s0, v8;
	v7 =	vadd.f32 v48, v7;
	_ =	sdelay $0x1  }
0x9e: {  	[tilespmem:s8+$0x800] =	vst @p1 v8;
	v7 =	vmul.f32 s2, v7  }
0x9f: {  	v8 =	vld @p1 [tilespmem:s18+$0x110];
	v6 =	vadd.f32 @p0 v11, v6  }
0xa0: {  	v11 =	vld @p1 [tilespmem:s4+$0x110];
	[tilespmem:s17+$0x470] =	vst v7  }
0xa1: {  	v6 =	vmul.f32 @p0 s9, v6;
	v7 =	vld [tilespmem:s18+$0x100]  }
0xa2: {  	v49 =	vld [tilespmem:s20+$0x100]  }
0xa3: {  	[tilespmem:s5+$0x800] =	vst @p0 v6  }
0xa4: {  	v6 =	vld @p0 [tilespmem:s18+$0x110]  }
0xa5: {  	v8 =	vadd.f32 @p1 v11, v8;
	v11 =	vld @p0 [tilespmem:s28+$0x110];
	_ =	sdelay $0x1  }
0xa6: {  	v8 =	vmul.f32 @p1 s0, v8;
	v7 =	vadd.f32 v49, v7;
	_ =	sdelay $0x1  }
0xa7: {  	[tilespmem:s8+$0x810] =	vst @p1 v8;
	v7 =	vmul.f32 s2, v7  }
0xa8: {  	v8 =	vld @p1 [tilespmem:s18+$0x120];
	v6 =	vadd.f32 @p0 v11, v6  }
0xa9: {  	v11 =	vld @p1 [tilespmem:s4+$0x120];
	[tilespmem:s17+$0x800] =	vst v7  }
0xaa: {  	v6 =	vmul.f32 @p0 s9, v6;
	v7 =	vld [tilespmem:s18+$0x110]  }
0xab: {  	v50 =	vld [tilespmem:s20+$0x110]  }
0xac: {  	[tilespmem:s5+$0x810] =	vst @p0 v6  }
0xad: {  	v6 =	vld @p0 [tilespmem:s18+$0x120]  }
0xae: {  	v13 =	vld @p0 [tilespmem:s28+$0x120]  }
0xaf: {  	v8 =	vadd.f32 @p1 v11, v8  }
0xb0: {  	v7 =	vadd.f32 v50, v7  }
0xb1: {  	v8 =	vmul.f32 @p1 s0, v8  }
0xb2: {  	v7 =	vmul.f32 s2, v7  }
0xb3: {  	[tilespmem:s8+$0x820] =	vst @p1 v8;
	v6 =	vadd.f32 @p0 v13, v6  }
0xb4: {  	v8 =	vld @p1 [tilespmem:s18+$0x130];
	[tilespmem:s17+$0x810] =	vst v7  }
0xb5: {  	v6 =	vmul.f32 @p0 s9, v6;
	v7 =	vld [tilespmem:s18+$0x120]  }
0xb6: {  	v51 =	vld [tilespmem:s20+$0x120]  }
0xb7: {  	v12 =	vld @p1 [tilespmem:s4+$0x130];
	[tilespmem:s5+$0x820] =	vst @p0 v6  }
0xb8: {  	v6 =	vld @p0 [tilespmem:s18+$0x130]  }
0xb9: {  	v9 =	vadd.f32 @p2 v10, v9;
	v10 =	vld @p0 [tilespmem:s28+$0x130];
	_ =	sdelay $0x1  }
0xba: {  	v9 =	vmul.f32 @p2 s15, v9;
	v7 =	vadd.f32 v51, v7  }
0xbb: {  	v3 =	vpsel p1, v8, v3;
	v4 =	vpsel p1, v12, v4  }
0xbc: {  	[tilespmem:s16+$0x830] =	vst @p2 v9;
	v3 =	vadd.f32 @p1 v4, v3;
	v52 =	vmul.f32 s2, v7  }
0xbd: {  	s7 =	smov.u32 @p2 s13;
	s25 =	smov.u32 @p1 s0;
	v7 =	vld @p2 [tilespmem:s18+$0x140];
	v1 =	vpsel p0, v6, v1;
	v2 =	vpsel p0, v10, v2  }
0xbe: {  	v3 =	vmul.f32 @p1 s25, v3;
	v6 =	vld @p2 [tilespmem:s7+$0x140];
	v1 =	vadd.f32 @p0 v2, v1;
	[tilespmem:s17+$0x820] =	vst v52  }
0xbf: {  	s26 =	smov.u32 @p1 s8;
	s0 =	smov.u32 s22;
	s22 =	smov.u32 @p0 s9;
	v2 =	vld [tilespmem:s18+$0x130]  }
0xc0: {  	[tilespmem:s26+$0x830] =	vst @p1 v3;
	v1 =	vmul.f32 @p0 s22, v1;
	v3 =	vld [tilespmem:s20+$0x130]  }
0xc1: {  	s24 =	smov.u32 @p1 s4;
	s4 =	smov.u32 s23;
	s23 =	smov.u32 @p0 s5;
	v4 =	vld @p1 [tilespmem:s18+$0x140]  }
0xc2: {  	v8 =	vld @p1 [tilespmem:s24+$0x140];
	[tilespmem:s23+$0x830] =	vst @p0 v1  }
0xc3: {  	s5 =	smov.u32 s21;
	s21 =	smov.u32 @p0 s28;
	v1 =	vadd.f32 @p2 v6, v7;
	v6 =	vld @p0 [tilespmem:s18+$0x140]  }
0xc4: {  	s28 =	smov.u32 @p2 s15;
	v7 =	vld @p0 [tilespmem:s21+$0x140]  }
0xc5: {  	v1 =	vmul.f32 @p2 s28, v1;
	v2 =	vadd.f32 v3, v2  }
0xc6: {  	s8 =	smov.u32 @p2 s16  }
0xc7: {  	[tilespmem:s8+$0x840] =	vst @p2 v1;
	v1 =	vadd.f32 @p1 v8, v4;
	v2 =	vmul.f32 s2, v2  }
0xc8: {  	s14 =	smov.u32 @p1 s25;
	v3 =	vld @p2 [tilespmem:s18+$0x150]  }
0xc9: {  	v4 =	vld @p2 [tilespmem:s7+$0x150];
	v1 =	vmul.f32 @p1 s14, v1;
	v6 =	vadd.f32 @p0 v7, v6;
	[tilespmem:s17+$0x830] =	vst v2  }
0xca: {  	s9 =	smov.u32 @p0 s22;
	s15 =	smov.u32 @p1 s26;
	v2 =	vld [tilespmem:s18+$0x140]  }
0xcb: {  	[tilespmem:s15+$0x840] =	vst @p1 v1;
	v1 =	vmul.f32 @p0 s9, v6;
	v53 =	vld [tilespmem:s20+$0x140]  }
0xcc: {  	s13 =	smov.u32 @p0 s23;
	v7 =	vld @p1 [tilespmem:s18+$0x150]  }
0xcd: {  	v8 =	vld @p1 [tilespmem:s24+$0x150];
	[tilespmem:s13+$0x840] =	vst @p0 v1  }
0xce: {  	v1 =	vadd.f32 @p2 v4, v3;
	v3 =	vld @p0 [tilespmem:s18+$0x150]  }
0xcf: {  	v4 =	vld @p0 [tilespmem:s21+$0x150]  }
0xd0: {  	v1 =	vmul.f32 @p2 s28, v1;
	v2 =	vadd.f32 v53, v2;
	_ =	sdelay $0x1  }
0xd1: {  	[tilespmem:s8+$0x850] =	vst @p2 v1;
	v1 =	vadd.f32 @p1 v8, v7;
	v2 =	vmul.f32 s2, v2  }
0xd2: {  	v6 =	vld @p2 [tilespmem:s18+$0x160]  }
0xd3: {  	v7 =	vld @p2 [tilespmem:s7+$0x160];
	v1 =	vmul.f32 @p1 s14, v1;
	v3 =	vadd.f32 @p0 v4, v3;
	[tilespmem:s17+$0x840] =	vst v2  }
0xd4: {  	v2 =	vld [tilespmem:s18+$0x150]  }
0xd5: {  	[tilespmem:s15+$0x850] =	vst @p1 v1;
	v1 =	vmul.f32 @p0 s9, v3;
	v3 =	vld [tilespmem:s20+$0x150]  }
0xd6: {  	v4 =	vld @p1 [tilespmem:s18+$0x160]  }
0xd7: {  	v8 =	vld @p1 [tilespmem:s24+$0x160];
	[tilespmem:s13+$0x850] =	vst @p0 v1  }
0xd8: {  	v1 =	vadd.f32 @p2 v7, v6;
	v6 =	vld @p0 [tilespmem:s18+$0x160]  }
0xd9: {  	v7 =	vld @p0 [tilespmem:s21+$0x160]  }
0xda: {  	v1 =	vmul.f32 @p2 s28, v1;
	v2 =	vadd.f32 v3, v2;
	_ =	sdelay $0x1  }
0xdb: {  	[tilespmem:s8+$0x860] =	vst @p2 v1;
	v1 =	vadd.f32 @p1 v8, v4;
	v2 =	vmul.f32 s2, v2  }
0xdc: {  	v3 =	vld @p2 [tilespmem:s18+$0x170]  }
0xdd: {  	v4 =	vld @p2 [tilespmem:s7+$0x170];
	v1 =	vmul.f32 @p1 s14, v1;
	v6 =	vadd.f32 @p0 v7, v6;
	[tilespmem:s17+$0x850] =	vst v2  }
0xde: {  	v2 =	vld [tilespmem:s18+$0x160]  }
0xdf: {  	[tilespmem:s15+$0x860] =	vst @p1 v1;
	v1 =	vmul.f32 @p0 s9, v6;
	v54 =	vld [tilespmem:s20+$0x160]  }
0xe0: {  	v7 =	vld @p1 [tilespmem:s18+$0x170]  }
0xe1: {  	v8 =	vld @p1 [tilespmem:s24+$0x170];
	[tilespmem:s13+$0x860] =	vst @p0 v1  }
0xe2: {  	v1 =	vadd.f32 @p2 v4, v3;
	v3 =	vld @p0 [tilespmem:s18+$0x170]  }
0xe3: {  	v4 =	vld @p0 [tilespmem:s21+$0x170]  }
0xe4: {  	v1 =	vmul.f32 @p2 s28, v1;
	v2 =	vadd.f32 v54, v2;
	_ =	sdelay $0x1  }
0xe5: {  	[tilespmem:s8+$0x870] =	vst @p2 v1;
	v1 =	vadd.f32 @p1 v8, v7;
	v2 =	vmul.f32 s2, v2  }
0xe6: {  	v6 =	vld @p2 [tilespmem:s18+$0x180]  }
0xe7: {  	v7 =	vld @p2 [tilespmem:s7+$0x180];
	v1 =	vmul.f32 @p1 s14, v1;
	v3 =	vadd.f32 @p0 v4, v3;
	[tilespmem:s17+$0x860] =	vst v2  }
0xe8: {  	v2 =	vld [tilespmem:s18+$0x170]  }
0xe9: {  	[tilespmem:s15+$0x870] =	vst @p1 v1;
	v1 =	vmul.f32 @p0 s9, v3;
	v3 =	vld [tilespmem:s20+$0x170];
	_ =	sdelay $0x1  }
0xea: {  	v4 =	vld @p1 [tilespmem:s18+$0x180]  }
0xeb: {  	v8 =	vld @p1 [tilespmem:s24+$0x180];
	[tilespmem:s13+$0x870] =	vst @p0 v1;
	v1 =	vadd.f32 @p2 v7, v6  }
0xec: {  	v6 =	vld @p0 [tilespmem:s18+$0x180]  }
0xed: {  	v7 =	vld @p0 [tilespmem:s21+$0x180];
	v1 =	vmul.f32 @p2 s28, v1;
	v2 =	vadd.f32 v3, v2  }
0xee: {  	v9 =	vld @p3 [tilespmem:s10+$0x190]  }
0xef: {  	v3 =	vld @p3 [tilespmem:s18+$0x190];
	[tilespmem:s8+$0xC00] =	vst @p2 v1;
	v2 =	vmul.f32 s2, v2  }
0xf0: {  	s5 =	smov.u32 @p2 s7;
	v1 =	vadd.f32 @p1 v8, v4;
	v4 =	vld @p2 [tilespmem:s18+$0x190]  }
0xf1: {  	v8 =	vld @p2 [tilespmem:s5+$0x190];
	[tilespmem:s17+$0x870] =	vst v2  }
0xf2: {  	v1 =	vmul.f32 @p1 s14, v1;
	v6 =	vadd.f32 @p0 v7, v6;
	v2 =	vld [tilespmem:s18+$0x180]  }
0xf3: {  	v55 =	vld [tilespmem:s20+$0x180]  }
0xf4: {  	[tilespmem:s15+$0xC00] =	vst @p1 v1;
	v1 =	vmul.f32 @p0 s9, v6;
	v3 =	vadd.f32 @p3 v9, v3  }
0xf5: {  	s16 =	smov.u32 @p1 s24;
	v7 =	vld @p1 [tilespmem:s18+$0x190]  }
0xf6: {  	v9 =	vld @p1 [tilespmem:s16+$0x190];
	[tilespmem:s13+$0xC00] =	vst @p0 v1;
	v1 =	vmul.f32 @p3 s12, v3;
	v3 =	vadd.f32 @p2 v8, v4  }
0xf7: {  	s19 =	smov.u32 @p0 s21;
	s0 =	smov.u32 @p2 s28;
	v4 =	vld @p0 [tilespmem:s18+$0x190]  }
0xf8: {  	v8 =	vld @p0 [tilespmem:s19+$0x190];
	[tilespmem:s3+$0xC10] =	vst @p3 v1;
	v1 =	vmul.f32 @p2 s0, v3;
	v2 =	vadd.f32 v55, v2  }
0xf9: {  	s4 =	smov.u32 @p2 s8;
	s8 =	smov.u32 @p3 s10;
	v3 =	vld @p3 [tilespmem:s18+$0x1A0]  }
0xfa: {  	v6 =	vld @p3 [tilespmem:s8+$0x1A0];
	[tilespmem:s4+$0xC10] =	vst @p2 v1;
	v2 =	vmul.f32 s2, v2  }
0xfb: {  	s7 =	smov.u32 @p2 s5;
	v1 =	vadd.f32 @p1 v9, v7;
	v7 =	vld @p2 [tilespmem:s18+$0x1A0]  }
0xfc: {  	s14 =	smov.u32 @p1 s14;
	v9 =	vld @p2 [tilespmem:s7+$0x1A0];
	[tilespmem:s17+$0xC00] =	vst v2  }
0xfd: {  	v1 =	vmul.f32 @p1 s14, v1;
	v4 =	vadd.f32 @p0 v8, v4;
	v2 =	vld [tilespmem:s18+$0x190]  }
0xfe: {  	s21 =	smov.u32 @p0 s9;
	s15 =	smov.u32 @p1 s15;
	v56 =	vld [tilespmem:s20+$0x190]  }
0xff: {  	[tilespmem:s15+$0xC10] =	vst @p1 v1;
	v1 =	vmul.f32 @p0 s21, v4;
	v3 =	vadd.f32 @p3 v6, v3  }
0x100: {  	s5 =	smov.u32 @p3 s12;
	s9 =	smov.u32 @p1 s16;
	s16 =	smov.u32 @p0 s13;
	v6 =	vld @p1 [tilespmem:s18+$0x1A0]  }
0x101: {  	v8 =	vld @p1 [tilespmem:s9+$0x1A0];
	[tilespmem:s16+$0xC10] =	vst @p0 v1;
	v1 =	vmul.f32 @p3 s5, v3;
	v3 =	vadd.f32 @p2 v9, v7  }
0x102: {  	s10 =	smov.u32 @p0 s19;
	s12 =	smov.u32 @p3 s3;
	v7 =	vld @p0 [tilespmem:s18+$0x1A0]  }
0x103: {  	v9 =	vld @p0 [tilespmem:s10+$0x1A0];
	[tilespmem:s12+$0xC20] =	vst @p3 v1;
	v1 =	vmul.f32 @p2 s0, v3;
	v2 =	vadd.f32 v56, v2  }
0x104: {  	s13 =	smov.u32 @p2 s4;
	v3 =	vld @p3 [tilespmem:s18+$0x1B0]  }
0x105: {  	v4 =	vld @p3 [tilespmem:s8+$0x1B0];
	[tilespmem:s13+$0xC20] =	vst @p2 v1;
	v2 =	vmul.f32 s2, v2  }
0x106: {  	v1 =	vadd.f32 @p1 v8, v6;
	v6 =	vld @p2 [tilespmem:s18+$0x1B0]  }
0x107: {  	v8 =	vld @p2 [tilespmem:s7+$0x1B0];
	[tilespmem:s17+$0xC10] =	vst v2  }
0x108: {  	s3 =	smov.u32 @p1 s14;
	v2 =	vld [tilespmem:s18+$0x1A0]  }
0x109: {  	v1 =	vmul.f32 @p1 s3, v1;
	v7 =	vadd.f32 @p0 v9, v7;
	v57 =	vld [tilespmem:s20+$0x1A0]  }
0x10a: {  	s4 =	smov.u32 @p0 s21;
	s14 =	smov.u32 @p1 s15  }
0x10b: {  	[tilespmem:s14+$0xC20] =	vst @p1 v1;
	v1 =	vmul.f32 @p0 s4, v7;
	v3 =	vadd.f32 @p3 v4, v3  }
0x10c: {  	s15 =	smov.u32 @p0 s16;
	v4 =	vld @p1 [tilespmem:s18+$0x1B0]  }
0x10d: {  	v9 =	vld @p1 [tilespmem:s9+$0x1B0];
	[tilespmem:s15+$0xC20] =	vst @p0 v1;
	v1 =	vmul.f32 @p3 s5, v3;
	v3 =	vadd.f32 @p2 v8, v6  }
0x10e: {  	v6 =	vld @p0 [tilespmem:s18+$0x1B0];
	v2 =	vadd.f32 v57, v2  }
0x10f: {  	v8 =	vld @p0 [tilespmem:s10+$0x1B0];
	[tilespmem:s12+$0xC30] =	vst @p3 v1;
	v1 =	vmul.f32 @p2 s0, v3  }
0x110: {  	v3 =	vld @p3 [tilespmem:s18+$0x1C0];
	v2 =	vmul.f32 s2, v2  }
0x111: {  	v7 =	vld @p3 [tilespmem:s8+$0x1C0];
	[tilespmem:s13+$0xC30] =	vst @p2 v1  }
0x112: {  	v1 =	vadd.f32 @p1 v9, v4;
	v4 =	vld @p2 [tilespmem:s18+$0x1C0];
	[tilespmem:s17+$0xC20] =	vst v2  }
0x113: {  	v2 =	vld [tilespmem:s18+$0x1B0]  }
0x114: {  	v58 =	vld [tilespmem:s20+$0x1B0]  }
0x115: {  	v9 =	vld @p2 [tilespmem:s7+$0x1C0];
	v1 =	vmul.f32 @p1 s3, v1;
	v6 =	vadd.f32 @p0 v8, v6;
	_ =	sdelay $0x1  }
0x116: {  	[tilespmem:s14+$0xC30] =	vst @p1 v1;
	v1 =	vmul.f32 @p0 s4, v6;
	v3 =	vadd.f32 @p3 v7, v3  }
0x117: {  	v7 =	vld @p1 [tilespmem:s18+$0x1C0]  }
0x118: {  	v8 =	vld @p1 [tilespmem:s9+$0x1C0];
	[tilespmem:s15+$0xC30] =	vst @p0 v1;
	v1 =	vmul.f32 @p3 s5, v3;
	v2 =	vadd.f32 v58, v2  }
0x119: {  	v3 =	vadd.f32 @p2 v9, v4;
	v4 =	vld @p0 [tilespmem:s18+$0x1C0]  }
0x11a: {  	v9 =	vld @p0 [tilespmem:s10+$0x1C0];
	[tilespmem:s12+$0xC40] =	vst @p3 v1;
	v2 =	vmul.f32 s2, v2  }
0x11b: {  	v1 =	vmul.f32 @p2 s0, v3;
	v3 =	vld @p3 [tilespmem:s18+$0x1D0]  }
0x11c: {  	v6 =	vld @p3 [tilespmem:s8+$0x1D0];
	[tilespmem:s17+$0xC30] =	vst v2  }
0x11d: {  	v2 =	vld [tilespmem:s18+$0x1C0]  }
0x11e: {  	[tilespmem:s13+$0xC40] =	vst @p2 v1;
	v1 =	vadd.f32 @p1 v8, v7;
	v59 =	vld [tilespmem:s20+$0x1C0]  }
0x11f: {  	v7 =	vld @p2 [tilespmem:s18+$0x1D0]  }
0x120: {  	v8 =	vld @p2 [tilespmem:s7+$0x1D0];
	v1 =	vmul.f32 @p1 s3, v1;
	v4 =	vadd.f32 @p0 v9, v4;
	_ =	sdelay $0x1  }
0x121: {  	[tilespmem:s14+$0xC40] =	vst @p1 v1;
	v1 =	vmul.f32 @p0 s4, v4;
	v3 =	vadd.f32 @p3 v6, v3  }
0x122: {  	v6 =	vld @p1 [tilespmem:s18+$0x1D0];
	v2 =	vadd.f32 v59, v2  }
0x123: {  	v9 =	vld @p1 [tilespmem:s9+$0x1D0];
	[tilespmem:s15+$0xC40] =	vst @p0 v1;
	v1 =	vmul.f32 @p3 s5, v3  }
0x124: {  	v3 =	vadd.f32 @p2 v8, v7;
	v7 =	vld @p0 [tilespmem:s18+$0x1D0];
	v2 =	vmul.f32 s2, v2  }
0x125: {  	v8 =	vld @p0 [tilespmem:s10+$0x1D0];
	[tilespmem:s12+$0xC50] =	vst @p3 v1  }
0x126: {  	v1 =	vmul.f32 @p2 s0, v3;
	[tilespmem:s17+$0xC40] =	vst v2  }
0x127: {  	v2 =	vld [tilespmem:s18+$0x1D0]  }
0x128: {  	[tilespmem:s13+$0xC50] =	vst @p2 v1;
	v1 =	vadd.f32 @p1 v9, v6;
	v60 =	vld [tilespmem:s20+$0x1D0]  }
0x129: {  	v3 =	vld @p3 [tilespmem:s18+$0x1E0]  }
0x12a: {  	v4 =	vld @p3 [tilespmem:s8+$0x1E0];
	v1 =	vmul.f32 @p1 s3, v1;
	v7 =	vadd.f32 @p0 v8, v7  }
0x12b: {  	v6 =	vld @p2 [tilespmem:s18+$0x1E0]  }
0x12c: {  	v9 =	vld @p2 [tilespmem:s7+$0x1E0];
	[tilespmem:s14+$0xC50] =	vst @p1 v1;
	v1 =	vmul.f32 @p0 s4, v7  }
0x12d: {  	v8 =	vld @p1 [tilespmem:s18+$0x1E0];
	v2 =	vadd.f32 v60, v2  }
0x12e: {  	v10 =	vld @p1 [tilespmem:s9+$0x1E0];
	[tilespmem:s15+$0xC50] =	vst @p0 v1  }
0x12f: {  	v3 =	vadd.f32 @p3 v4, v3;
	v1 =	vld @p0 [tilespmem:s18+$0x1E0];
	v2 =	vmul.f32 s2, v2  }
0x130: {  	[tilespmem:s1+$0xC60] =	vst @p4 v5;
	v11 =	vld @p0 [tilespmem:s10+$0x1E0]  }
0x131: {  	v4 =	vadd.f32 @p2 v9, v6;
	v3 =	vmul.f32 @p3 s5, v3;
	v6 =	vld @p4 [tilespmem:s6+$0x1F0];
	[tilespmem:s17+$0xC50] =	vst v2  }
0x132: {  	v61 =	vld [tilespmem:s18+$0x1E0]  }
0x133: {  	s6 =	smov.u32 @p3 s12;
	v4 =	vmul.f32 @p2 s0, v4;
	v5 =	vadd.f32 @p1 v10, v8;
	v2 =	vpsel p3, v3, v0;
	v62 =	vld [tilespmem:s20+$0x1E0]  }
0x134: {  	s8 =	smov.u32 @p3 s8;
	v8 =	vld @p4 [tilespmem:s18+$0x1F0];
	[tilespmem:s6+$0xC60] =	vst @p3 v2  }
0x135: {  	s12 =	smov.u32 @p2 s13;
	v1 =	vadd.f32 @p0 v11, v1;
	v3 =	vmul.f32 @p1 s3, v5;
	v2 =	vpsel p2, v4, v0;
	v7 =	vld @p3 [tilespmem:s8+$0x1F0]  }
0x136: {  	s7 =	smov.u32 @p2 s7;
	[tilespmem:s12+$0xC60] =	vst @p2 v2;
	v5 =	vld @p3 [tilespmem:s18+$0x1F0]  }
0x137: {  	v1 =	vmul.f32 @p0 s4, v1;
	v2 =	vpsel p1, v3, v0;
	s8 =	smov.u32 @p1 s14;
	v3 =	vld @p2 [tilespmem:s7+$0x1F0]  }
0x138: {  	s7 =	smov.u32 @p1 s9;
	[tilespmem:s8+$0xC60] =	vst @p1 v2;
	v9 =	vld @p2 [tilespmem:s18+$0x1F0];
	v4 =	vadd.f32 v62, v61  }
0x139: {  	v1 =	vpsel p0, v1, v0;
	s9 =	smov.u32 @p0 s15;
	v2 =	vld @p1 [tilespmem:s7+$0x1F0]  }
0x13a: {  	s7 =	smov.u32 @p0 s10;
	[tilespmem:s9+$0xC60] =	vst @p0 v1;
	v10 =	vld @p1 [tilespmem:s18+$0x1F0];
	v4 =	vmul.f32 s2, v4  }
0x13b: {  	v1 =	vld @p0 [tilespmem:s7+$0x1F0]  }
0x13c: {  	v11 =	vld @p0 [tilespmem:s18+$0x1F0];
	[tilespmem:s17+$0xC60] =	vst v4  }
0x13d: {  	v4 =	vld [tilespmem:s18+$0x1F0]  }
0x13e: {  	v6 =	vadd.f32 @p4 v6, v8;
	v63 =	vld [tilespmem:s20+$0x1F0]  }
0x13f: {  	v5 =	vadd.f32 @p3 v7, v5  }
0x140: {  	s5 =	smov.u32 @p3 s5;
	v6 =	vmul.f32 @p4 s11, v6;
	v3 =	vadd.f32 @p2 v3, v9  }
0x141: {  	s0 =	smov.u32 @p2 s0;
	v5 =	vmul.f32 @p3 s5, v5;
	v2 =	vadd.f32 @p1 v2, v10  }
0x142: {  	[tilespmem:s1+$0xC70] =	vst @p4 v6;
	v3 =	vmul.f32 @p2 s0, v3;
	s0 =	smov.u32 @p1 s3;
	v1 =	vadd.f32 @p0 v1, v11  }
0x143: {  	[tilespmem:s6+$0xC70] =	vst @p3 v5;
	v2 =	vmul.f32 @p1 s0, v2;
	s0 =	smov.u32 @p0 s4;
	v4 =	vadd.f32 v63, v4  }
0x144: {  	[tilespmem:s12+$0xC70] =	vst @p2 v3;
	v1 =	vmul.f32 @p0 s0, v1  }
0x145: {  	[tilespmem:s8+$0xC70] =	vst @p1 v2;
	v2 =	vmul.f32 s2, v4  }
0x146: {  	[tilespmem:s9+$0xC70] =	vst @p0 v1  }
0x147: {  	[tilespmem:s17+$0xC70] =	vst v2  }
0x148: {  	s7 =	rddreg [dreg:$0x6]  }
0x149: {  	s10 =	rddreg [dreg:$0x9]  }
0x14a: {  	s6 =	simm.s32 $0x0;
	s5 =	rddreg [dreg:$0xb]  }
.LBB2_40:
0x14b: {  	s10 =	sadd.s32 $0x1, s10  }
0x14c: {  	p0 =	seq.s32 s10, $0x20  }
.Ltmp5:
0x14d: {  	s0 =	sshll.u32 s5, $0xF;
	(pc) =	sbr.rel @p0 .LBB2_41-.Ltmp5, $4  }
0x14e: {  	s0 =	sadd.s32 s7, s0  }
0x14f: {  	s0 =	sshrl.u32 s0, $0x3  }
0x150: {  	s1 =	simm.s32 $0x10780;
	s0 =	sadd.s32 s31, s0  }
0x151: {  	[hbm4b:s0+s6] =	stream.linear.scatter [tilespmem:s1], [sflag:$0x2], $0x8000, $0x38;
	[tilespmem:$0x18780] =	vst v63  }
.LBB2_6:
0x152: {  	p0 =	seq.s32 s10, $0x0  }
0x153: {  	s0 =	simm.s32 @!p0 $0x1  }
0x154: {  	_ =	swait.ge @!p0 [sflag:s0], $0x8000  }
0x155: {  	[sflag:s0] =	ssyncset.done @!p0 $0x0  }
0x156: {  	s9 =	sshll.u32 s10, $0x1;
	[sflag:s0] =	ssyncadd.s32 @!p0 $0xFFFF8000  }
0x157: {  	v1 =	vld [tilespmem:s9+$0x8700];
	_ =	sdelay $0x4  }
0x158: {  	(v2sf) =	vpush v1, $0x0  }
0x159: {  	(v2sf) =	vpush v1, $0x1;
	_ =	sdelay $0xd  }
0x15a: {  	s0 =	spop (v2sf)  }
0x15b: {  	s1 =	spop (v2sf)  }
0x15c: {  	p1 =	sle.s32 s1, s0  }
.Ltmp6:
0x15d: {  	_ = 	snop;
	(pc) =	sbr.rel @p1 .LBB2_24-.Ltmp6, $2  }
0x15e: {  	_ =	sdelay $0x2  }
0x15f: {  	[dreg:$0x9] =	wrdreg s10  }
0x160: {  	s2 =	sshll.u32 s0, $0x2  }
0x161: {  	s2 =	sshra.s32 s2, $0x2  }
0x162: {  	s1 =	ssub.s32 s1, s0;
	s0 =	sadd.s32 $0x8200, s2  }
0x163: {  	p5 =	por $0x0, $0x0;
	p6 =	seq.s32 s1, $0x1;
	v1 =	vld [tilespmem:s0+$0x0]  }
.Ltmp7:
0x164: {  	s2 =	sadd.s32 $0xFFFFFFFF, s1;
	s1 =	simm.s32 @!p5 $0x0;
	(pc) =	sbr.rel @p6 .LBB2_8-.Ltmp7, $4  }
0x165: {  	s3 =	sshll.u32 s10, $0xC;
	p1 =	por $0x0, $0x0;
	s1 =	simm.s32 @p5 $0x1  }
0x166: {  	p2 =	por $0x0, $0x0;
	[smem:$0x7FC] =	sst s1;
	s1 =	simm.s32 @!p0 $0x0  }
0x167: {  	p3 =	por $0x0, $0x0;
	[dreg:$0xa] =	wrdreg s9;
	s1 =	simm.s32 @p0 $0x1  }
0x168: {  	p4 =	por $0x0, $0x0;
	s19 =	sshra.s32 s3, $0x2;
	[smem:$0x7FD] =	sst s1;
	(v2sf) =	vpush v1, $0x0  }
0x169: {  	_ =	sdelay $0xd  }
0x16a: {  	s1 =	spop (v2sf)  }
0x16b: {  	s3 =	sshll.u32 s1, $0x9  }
0x16c: {  	p1 =	sgt.s32 s1, $0x7F;
	s29 =	sand.u32 $0x7E00, s3  }
0x16d: {  	v1 =	vld [tilespmem:s19+$0x0];
	s29 =	simm.s32 @p1 $0x8000  }
0x16e: {  	v2 =	vld [tilespmem:s29+$0x0];
	_ =	sdelay $0x1  }
0x16f: {  	s4 =	sxor.u32 $0xFFFFFFFF, s1  }
0x170: {  	s4 =	sshrl.u32 s4, $0x6  }
0x171: {  	s4 =	sand.u32 $0x1, s4  }
0x172: {  	s15 =	scvt.s32.f32 s4;
	v1 =	vadd.f32 v2, v1  }
0x173: {  	s1 =	sshll.u32 s1, $0x7  }
0x174: {  	s3 =	sand.u32 $0x7000, s3;
	s1 =	sand.u32 $0x380, s1;
	v1 =	vmul.f32 s15, v1  }
0x175: {  	s3 =	sor.u32 s1, s3  }
0x176: {  	[tilespmem:s3+$0x8780] =	vst v1  }
0x177: {  	v1 =	vld [tilespmem:s19+$0x10]  }
0x178: {  	v2 =	vld [tilespmem:s29+$0x10];
	_ =	sdelay $0x4  }
0x179: {  	v1 =	vadd.f32 v2, v1;
	_ =	sdelay $0x1  }
0x17a: {  	v1 =	vmul.f32 s15, v1;
	_ =	sdelay $0x1  }
0x17b: {  	[tilespmem:s3+$0x8790] =	vst v1  }
0x17c: {  	v1 =	vld [tilespmem:s19+$0x20]  }
0x17d: {  	v2 =	vld [tilespmem:s29+$0x20];
	_ =	sdelay $0x4  }
0x17e: {  	v1 =	vadd.f32 v2, v1;
	_ =	sdelay $0x1  }
0x17f: {  	v1 =	vmul.f32 s15, v1;
	_ =	sdelay $0x1  }
0x180: {  	[tilespmem:s3+$0x87A0] =	vst v1  }
0x181: {  	v1 =	vld [tilespmem:s19+$0x30]  }
0x182: {  	v2 =	vld [tilespmem:s29+$0x30];
	_ =	sdelay $0x4  }
0x183: {  	v1 =	vadd.f32 v2, v1;
	_ =	sdelay $0x1  }
0x184: {  	v1 =	vmul.f32 s15, v1;
	_ =	sdelay $0x1  }
0x185: {  	[tilespmem:s3+$0x87B0] =	vst v1  }
0x186: {  	v1 =	vld [tilespmem:s19+$0x40]  }
0x187: {  	v2 =	vld [tilespmem:s29+$0x40]  }
0x188: {  	s1 =	sadd.s32 $0x1, s0  }
0x189: {  	p6 =	seq.s32 s2, $0x1;
	v3 =	vld [tilespmem:s1+$0x0]  }
.Ltmp8:
0x18a: {  	_ = 	snop;
	(pc) =	sbr.rel @p6 .LBB2_10-.Ltmp8, $3  }
0x18b: {  	_ = 	snop  }
0x18c: {  	v1 =	vadd.f32 v2, v1;
	_ =	sdelay $0x1  }
0x18d: {  	p5 =	por $0x0, $0x0;
	s0 =	sadd.s32 $0xFFFFFFFF, s2;
	p1 =	por $0x1, $0x1;
	(v2sf) =	vpush v3, $0x0;
	v18 =	vmul.f32 s15, v1  }
0x18e: {  	_ =	sdelay $0x2  }
0x18f: {  	[tilespmem:s3+$0x87C0] =	vst v18  }
0x190: {  	v1 =	vld [tilespmem:s19+$0x50]  }
0x191: {  	v2 =	vld [tilespmem:s29+$0x50];
	_ =	sdelay $0x4  }
0x192: {  	v1 =	vadd.f32 v2, v1;
	_ =	sdelay $0x1  }
0x193: {  	v1 =	vmul.f32 s15, v1;
	_ =	sdelay $0x1  }
0x194: {  	[tilespmem:s3+$0x87D0] =	vst v1;
	s4 =	spop (v2sf)  }
0x195: {  	v1 =	vld [tilespmem:s19+$0x60];
	s5 =	sshll.u32 s4, $0x9  }
0x196: {  	v4 =	vld [tilespmem:s29+$0x60];
	p2 =	sgt.s32 s4, $0x7F;
	s2 =	sand.u32 $0x7E00, s5  }
0x197: {  	v2 =	vld [tilespmem:s19+$0x0];
	s2 =	simm.s32 @p2 $0x8000  }
0x198: {  	v3 =	vld [tilespmem:s2+$0x0];
	_ =	sdelay $0x1  }
0x199: {  	s6 =	sxor.u32 $0xFFFFFFFF, s4  }
0x19a: {  	s6 =	sshrl.u32 s6, $0x6;
	v1 =	vadd.f32 v4, v1  }
0x19b: {  	s6 =	sand.u32 $0x1, s6  }
0x19c: {  	s8 =	scvt.s32.f32 s6;
	v1 =	vmul.f32 s15, v1;
	v2 =	vadd.f32 v3, v2  }
0x19d: {  	s4 =	sshll.u32 s4, $0x7  }
0x19e: {  	s5 =	sand.u32 $0x7000, s5;
	s4 =	sand.u32 $0x380, s4;
	[tilespmem:s3+$0x87E0] =	vst v1;
	v2 =	vmul.f32 s8, v2  }
0x19f: {  	s14 =	sor.u32 s4, s5;
	v1 =	vld [tilespmem:s19+$0x70]  }
0x1a0: {  	v60 =	vld [tilespmem:s29+$0x70];
	[tilespmem:s14+$0x8780] =	vst v2  }
0x1a1: {  	v2 =	vld [tilespmem:s19+$0x10]  }
0x1a2: {  	v3 =	vld [tilespmem:s2+$0x10];
	_ =	sdelay $0x2  }
0x1a3: {  	v1 =	vadd.f32 v60, v1;
	_ =	sdelay $0x1  }
0x1a4: {  	v1 =	vmul.f32 s15, v1;
	v2 =	vadd.f32 v3, v2;
	_ =	sdelay $0x1  }
0x1a5: {  	[tilespmem:s3+$0x87F0] =	vst v1;
	v2 =	vmul.f32 s8, v2  }
0x1a6: {  	v1 =	vld [tilespmem:s19+$0x80]  }
0x1a7: {  	v61 =	vld [tilespmem:s29+$0x80];
	[tilespmem:s14+$0x8790] =	vst v2  }
0x1a8: {  	v2 =	vld [tilespmem:s19+$0x20]  }
0x1a9: {  	v3 =	vld [tilespmem:s2+$0x20];
	_ =	sdelay $0x2  }
0x1aa: {  	v1 =	vadd.f32 v61, v1;
	_ =	sdelay $0x1  }
0x1ab: {  	v1 =	vmul.f32 s15, v1;
	v2 =	vadd.f32 v3, v2;
	_ =	sdelay $0x1  }
0x1ac: {  	[tilespmem:s3+$0x8B80] =	vst v1;
	v2 =	vmul.f32 s8, v2  }
0x1ad: {  	v1 =	vld [tilespmem:s19+$0x90]  }
0x1ae: {  	v62 =	vld [tilespmem:s29+$0x90];
	[tilespmem:s14+$0x87A0] =	vst v2  }
0x1af: {  	v2 =	vld [tilespmem:s19+$0x30]  }
0x1b0: {  	v3 =	vld [tilespmem:s2+$0x30];
	_ =	sdelay $0x3  }
0x1b1: {  	v1 =	vadd.f32 v62, v1  }
0x1b2: {  	v2 =	vadd.f32 v3, v2  }
0x1b3: {  	v1 =	vmul.f32 s15, v1  }
0x1b4: {  	v2 =	vmul.f32 s8, v2  }
0x1b5: {  	[tilespmem:s3+$0x8B90] =	vst v1  }
0x1b6: {  	v1 =	vld [tilespmem:s19+$0xA0];
	[tilespmem:s14+$0x87B0] =	vst v2  }
0x1b7: {  	v2 =	vld [tilespmem:s19+$0x40]  }
0x1b8: {  	v63 =	vld [tilespmem:s2+$0x40]  }
0x1b9: {  	s1 =	sadd.s32 $0x1, s1;
	v5 =	vld [tilespmem:s29+$0xA0]  }
0x1ba: {  	p6 =	seq.s32 s0, $0x1;
	v3 =	vld [tilespmem:s1+$0x0]  }
.Ltmp9:
0x1bb: {  	_ = 	snop;
	(pc) =	sbr.rel @p6 .LBB2_12-.Ltmp9, $3  }
0x1bc: {  	_ = 	snop  }
0x1bd: {  	v2 =	vadd.f32 v63, v2;
	_ =	sdelay $0x1  }
0x1be: {  	s0 =	sadd.s32 $0xFFFFFFFF, s0;
	p2 =	por $0x1, $0x1;
	v17 =	vadd.f32 v5, v1;
	(v2sf) =	vpush v3, $0x0;
	v18 =	vmul.f32 s8, v2  }
0x1bf: {  	_ =	sdelay $0x6  }
0x1c0: {  	[tilespmem:s14+$0x87C0] =	vst v18  }
0x1c1: {  	v1 =	vld [tilespmem:s19+$0x50]  }
0x1c2: {  	v2 =	vld [tilespmem:s2+$0x50]  }
0x1c3: {  	v3 =	vmul.f32 s15, v17;
	_ =	sdelay $0x1  }
0x1c4: {  	[tilespmem:s3+$0x8BA0] =	vst v3  }
0x1c5: {  	v3 =	vld [tilespmem:s19+$0xB0]  }
0x1c6: {  	v4 =	vld [tilespmem:s29+$0xB0];
	v1 =	vadd.f32 v2, v1;
	s4 =	spop (v2sf)  }
0x1c7: {  	s5 =	sshll.u32 s4, $0x9  }
0x1c8: {  	v1 =	vmul.f32 s8, v1;
	p3 =	sgt.s32 s4, $0x7F;
	s12 =	sand.u32 $0x7E00, s5  }
0x1c9: {  	v2 =	vld [tilespmem:s19+$0x0];
	s12 =	simm.s32 @p3 $0x8000  }
0x1ca: {  	[tilespmem:s14+$0x87D0] =	vst v1;
	v5 =	vld [tilespmem:s12+$0x0]  }
0x1cb: {  	v1 =	vadd.f32 v4, v3;
	v3 =	vld [tilespmem:s19+$0x60]  }
0x1cc: {  	v51 =	vld [tilespmem:s2+$0x60];
	s6 =	sxor.u32 $0xFFFFFFFF, s4  }
0x1cd: {  	v1 =	vmul.f32 s15, v1;
	s6 =	sshrl.u32 s6, $0x6  }
0x1ce: {  	s6 =	sand.u32 $0x1, s6  }
0x1cf: {  	[tilespmem:s3+$0x8BB0] =	vst v1;
	s16 =	scvt.s32.f32 s6;
	v1 =	vadd.f32 v5, v2  }
0x1d0: {  	s4 =	sshll.u32 s4, $0x7;
	v52 =	vld [tilespmem:s29+$0xC0]  }
0x1d1: {  	s5 =	sand.u32 $0x7000, s5;
	s4 =	sand.u32 $0x380, s4;
	v3 =	vadd.f32 v51, v3;
	v2 =	vld [tilespmem:s19+$0xC0];
	v1 =	vmul.f32 s16, v1  }
0x1d2: {  	s28 =	sor.u32 s4, s5  }
0x1d3: {  	[tilespmem:s28+$0x8780] =	vst v1;
	v1 =	vmul.f32 s8, v3  }
0x1d4: {  	v3 =	vld [tilespmem:s19+$0x10]  }
0x1d5: {  	v53 =	vld [tilespmem:s12+$0x10];
	[tilespmem:s14+$0x87E0] =	vst v1  }
0x1d6: {  	v1 =	vadd.f32 v52, v2;
	v2 =	vld [tilespmem:s19+$0x70]  }
0x1d7: {  	v54 =	vld [tilespmem:s2+$0x70]  }
0x1d8: {  	v1 =	vmul.f32 s15, v1;
	_ =	sdelay $0x1  }
0x1d9: {  	[tilespmem:s3+$0x8BC0] =	vst v1;
	v1 =	vadd.f32 v53, v3  }
0x1da: {  	v3 =	vld [tilespmem:s19+$0xD0]  }
0x1db: {  	v55 =	vld [tilespmem:s29+$0xD0];
	v1 =	vmul.f32 s16, v1;
	v2 =	vadd.f32 v54, v2;
	_ =	sdelay $0x1  }
0x1dc: {  	[tilespmem:s28+$0x8790] =	vst v1;
	v1 =	vmul.f32 s8, v2  }
0x1dd: {  	v2 =	vld [tilespmem:s19+$0x20]  }
0x1de: {  	v56 =	vld [tilespmem:s12+$0x20];
	[tilespmem:s14+$0x87F0] =	vst v1  }
0x1df: {  	v1 =	vadd.f32 v55, v3;
	v3 =	vld [tilespmem:s19+$0x80]  }
0x1e0: {  	v57 =	vld [tilespmem:s2+$0x80]  }
0x1e1: {  	v1 =	vmul.f32 s15, v1;
	_ =	sdelay $0x1  }
0x1e2: {  	[tilespmem:s3+$0x8BD0] =	vst v1;
	v1 =	vadd.f32 v56, v2  }
0x1e3: {  	v2 =	vld [tilespmem:s19+$0xE0]  }
0x1e4: {  	v58 =	vld [tilespmem:s29+$0xE0];
	v1 =	vmul.f32 s16, v1;
	v3 =	vadd.f32 v57, v3;
	_ =	sdelay $0x1  }
0x1e5: {  	[tilespmem:s28+$0x87A0] =	vst v1;
	v1 =	vmul.f32 s8, v3  }
0x1e6: {  	v3 =	vld [tilespmem:s19+$0x30]  }
0x1e7: {  	v59 =	vld [tilespmem:s12+$0x30];
	[tilespmem:s14+$0x8B80] =	vst v1  }
0x1e8: {  	v1 =	vadd.f32 v58, v2;
	v2 =	vld [tilespmem:s19+$0x90]  }
0x1e9: {  	v60 =	vld [tilespmem:s2+$0x90]  }
0x1ea: {  	v1 =	vmul.f32 s15, v1;
	_ =	sdelay $0x1  }
0x1eb: {  	[tilespmem:s3+$0x8BE0] =	vst v1;
	v1 =	vadd.f32 v59, v3  }
0x1ec: {  	v3 =	vld [tilespmem:s19+$0xF0]  }
0x1ed: {  	v61 =	vld [tilespmem:s29+$0xF0];
	v1 =	vmul.f32 s16, v1;
	v2 =	vadd.f32 v60, v2  }
0x1ee: {  	s1 =	sadd.s32 $0x1, s1  }
0x1ef: {  	v62 =	vld [tilespmem:s1+$0x0];
	[tilespmem:s28+$0x87B0] =	vst v1;
	v1 =	vmul.f32 s8, v2  }
0x1f0: {  	v2 =	vld [tilespmem:s19+$0x40]  }
0x1f1: {  	v6 =	vld [tilespmem:s12+$0x40];
	[tilespmem:s14+$0x8B90] =	vst v1  }
0x1f2: {  	v1 =	vadd.f32 v61, v3;
	v3 =	vld [tilespmem:s19+$0xA0]  }
0x1f3: {  	p6 =	seq.s32 s0, $0x1;
	v63 =	vld [tilespmem:s2+$0xA0]  }
.Ltmp10:
0x1f4: {  	v1 =	vmul.f32 s15, v1;
	(pc) =	sbr.rel @p6 .LBB2_14-.Ltmp10, $4  }
0x1f5: {  	_ = 	snop  }
0x1f6: {  	[tilespmem:s3+$0x8BF0] =	vst v1;
	v1 =	vadd.f32 v6, v2  }
0x1f7: {  	v15 =	vld [tilespmem:s19+$0x100]  }
0x1f8: {  	s0 =	sadd.s32 $0xFFFFFFFF, s0;
	(v2sf) =	vpush v62, $0x0;
	p3 =	por $0x1, $0x1;
	v16 =	vld [tilespmem:s29+$0x100];
	v18 =	vmul.f32 s16, v1;
	v17 =	vadd.f32 v63, v3  }
0x1f9: {  	_ =	sdelay $0x6  }
0x1fa: {  	[tilespmem:s28+$0x87C0] =	vst v18  }
0x1fb: {  	v2 =	vmul.f32 s8, v17;
	v1 =	vld [tilespmem:s19+$0x50];
	v3 =	vadd.f32 v16, v15  }
0x1fc: {  	v4 =	vld [tilespmem:s12+$0x50]  }
0x1fd: {  	[tilespmem:s14+$0x8BA0] =	vst v2;
	v2 =	vmul.f32 s15, v3  }
0x1fe: {  	v5 =	vld [tilespmem:s2+$0xB0]  }
0x1ff: {  	v3 =	vld [tilespmem:s19+$0xB0];
	[tilespmem:s3+$0x8F80] =	vst v2  }
0x200: {  	v2 =	vld [tilespmem:s19+$0x110]  }
0x201: {  	v1 =	vadd.f32 v4, v1;
	v4 =	vld [tilespmem:s29+$0x110];
	s5 =	spop (v2sf)  }
0x202: {  	s6 =	sshll.u32 s5, $0x9  }
0x203: {  	v1 =	vmul.f32 s16, v1;
	p4 =	sgt.s32 s5, $0x7F;
	s13 =	sand.u32 $0x7E00, s6  }
0x204: {  	v6 =	vld [tilespmem:s19+$0x0];
	v3 =	vadd.f32 v5, v3;
	s13 =	simm.s32 @p4 $0x8000  }
0x205: {  	[tilespmem:s28+$0x87D0] =	vst v1;
	v5 =	vld [tilespmem:s13+$0x0]  }
0x206: {  	v1 =	vld [tilespmem:s19+$0x60];
	v3 =	vmul.f32 s8, v3;
	v2 =	vadd.f32 v4, v2  }
0x207: {  	v4 =	vld [tilespmem:s12+$0x60];
	s7 =	sxor.u32 $0xFFFFFFFF, s5  }
0x208: {  	[tilespmem:s14+$0x8BB0] =	vst v3;
	s7 =	sshrl.u32 s7, $0x6;
	v2 =	vmul.f32 s15, v2  }
0x209: {  	v3 =	vld [tilespmem:s19+$0xC0];
	s7 =	sand.u32 $0x1, s7  }
0x20a: {  	s4 =	scvt.s32.f32 s7;
	[tilespmem:s3+$0x8F90] =	vst v2;
	v5 =	vadd.f32 v5, v6;
	v6 =	vld [tilespmem:s2+$0xC0]  }
0x20b: {  	s5 =	sshll.u32 s5, $0x7;
	v2 =	vld [tilespmem:s19+$0x120]  }
0x20c: {  	s6 =	sand.u32 $0x7000, s6;
	s5 =	sand.u32 $0x380, s5;
	v1 =	vadd.f32 v4, v1;
	v4 =	vld [tilespmem:s29+$0x120];
	v5 =	vmul.f32 s4, v5  }
0x20d: {  	s11 =	sor.u32 s5, s6  }
0x20e: {  	[tilespmem:s11+$0x8780] =	vst v5  }
0x20f: {  	v1 =	vmul.f32 s16, v1;
	v5 =	vld [tilespmem:s19+$0x10];
	v3 =	vadd.f32 v6, v3  }
0x210: {  	v6 =	vld [tilespmem:s13+$0x10]  }
0x211: {  	[tilespmem:s28+$0x87E0] =	vst v1;
	v2 =	vadd.f32 v4, v2;
	v1 =	vmul.f32 s8, v3  }
0x212: {  	v4 =	vld [tilespmem:s12+$0x70]  }
0x213: {  	v3 =	vld [tilespmem:s19+$0x70];
	[tilespmem:s14+$0x8BC0] =	vst v1;
	v1 =	vmul.f32 s15, v2  }
0x214: {  	v2 =	vld [tilespmem:s19+$0xD0]  }
0x215: {  	v7 =	vld [tilespmem:s2+$0xD0];
	[tilespmem:s3+$0x8FA0] =	vst v1;
	v1 =	vadd.f32 v6, v5  }
0x216: {  	v5 =	vld [tilespmem:s19+$0x130]  }
0x217: {  	v6 =	vld [tilespmem:s29+$0x130];
	v1 =	vmul.f32 s4, v1  }
0x218: {  	v3 =	vadd.f32 v4, v3  }
0x219: {  	[tilespmem:s11+$0x8790] =	vst v1  }
0x21a: {  	v1 =	vmul.f32 s16, v3;
	v2 =	vadd.f32 v7, v2;
	v3 =	vld [tilespmem:s19+$0x20]  }
0x21b: {  	v4 =	vld [tilespmem:s13+$0x20]  }
0x21c: {  	[tilespmem:s28+$0x87F0] =	vst v1;
	v1 =	vmul.f32 s8, v2;
	v2 =	vadd.f32 v6, v5  }
0x21d: {  	v5 =	vld [tilespmem:s19+$0x80]  }
0x21e: {  	v6 =	vld [tilespmem:s12+$0x80];
	[tilespmem:s14+$0x8BD0] =	vst v1;
	v1 =	vmul.f32 s15, v2  }
0x21f: {  	v2 =	vld [tilespmem:s19+$0xE0]  }
0x220: {  	v7 =	vld [tilespmem:s2+$0xE0];
	[tilespmem:s3+$0x8FB0] =	vst v1;
	v1 =	vadd.f32 v4, v3  }
0x221: {  	v3 =	vld [tilespmem:s19+$0x140]  }
0x222: {  	v4 =	vld [tilespmem:s29+$0x140];
	v1 =	vmul.f32 s4, v1  }
0x223: {  	v5 =	vadd.f32 v6, v5  }
0x224: {  	[tilespmem:s11+$0x87A0] =	vst v1  }
0x225: {  	v1 =	vmul.f32 s16, v5;
	v2 =	vadd.f32 v7, v2;
	v5 =	vld [tilespmem:s19+$0x30]  }
0x226: {  	v6 =	vld [tilespmem:s13+$0x30]  }
0x227: {  	[tilespmem:s28+$0x8B80] =	vst v1;
	v1 =	vmul.f32 s8, v2;
	v2 =	vadd.f32 v4, v3  }
0x228: {  	v3 =	vld [tilespmem:s19+$0x90]  }
0x229: {  	v4 =	vld [tilespmem:s12+$0x90];
	[tilespmem:s14+$0x8BE0] =	vst v1;
	v1 =	vmul.f32 s15, v2  }
0x22a: {  	v2 =	vld [tilespmem:s19+$0xF0]  }
0x22b: {  	[tilespmem:s3+$0x8FC0] =	vst v1;
	v1 =	vadd.f32 v6, v5;
	v5 =	vld [tilespmem:s2+$0xF0]  }
0x22c: {  	v6 =	vld [tilespmem:s19+$0x150]  }
0x22d: {  	v7 =	vld [tilespmem:s29+$0x150];
	v1 =	vmul.f32 s4, v1  }
0x22e: {  	v3 =	vadd.f32 v4, v3  }
0x22f: {  	[tilespmem:s11+$0x87B0] =	vst v1  }
0x230: {  	v1 =	vmul.f32 s16, v3;
	v3 =	vld [tilespmem:s19+$0x40];
	v2 =	vadd.f32 v5, v2  }
0x231: {  	s5 =	sadd.s32 $0x1, s1;
	v5 =	vld [tilespmem:s13+$0x40]  }
0x232: {  	v8 =	vld [tilespmem:s5+$0x0];
	[tilespmem:s28+$0x8B90] =	vst v1;
	v1 =	vmul.f32 s8, v2;
	v2 =	vadd.f32 v7, v6  }
0x233: {  	v6 =	vld [tilespmem:s19+$0xA0]  }
0x234: {  	p6 =	seq.s32 s0, $0x1;
	v7 =	vld [tilespmem:s12+$0xA0];
	[tilespmem:s14+$0x8BF0] =	vst v1;
	v1 =	vmul.f32 s15, v2  }
.Ltmp11:
0x235: {  	v4 =	vld [tilespmem:s19+$0x100];
	(pc) =	sbr.rel @p6 .LBB2_16-.Ltmp11, $4  }
0x236: {  	v2 =	vadd.f32 v5, v3;
	v5 =	vld [tilespmem:s2+$0x100];
	[tilespmem:s3+$0x8FD0] =	vst v1  }
0x237: {  	v1 =	vld [tilespmem:s19+$0x160]  }
0x238: {  	v18 =	vmul.f32 s4, v2;
	v2 =	vld [tilespmem:s29+$0x160];
	[dreg:$0xc] =	wrdreg s29  }
0x239: {  	s1 =	sadd.s32 $0xFFFFFFFF, s0;
	p4 =	por $0x1, $0x1;
	(v2sf) =	vpush v8, $0x0;
	v17 =	vadd.f32 v7, v6;
	[dreg:$0x13] =	wrdreg s15  }
0x23a: {  	_ =	sdelay $0x6  }
0x23b: {  	[tilespmem:s11+$0x87C0] =	vst v18;
	v3 =	vmul.f32 s16, v17;
	v6 =	vadd.f32 v5, v4  }
0x23c: {  	v7 =	vld [tilespmem:s19+$0x50]  }
0x23d: {  	v8 =	vld [tilespmem:s13+$0x50];
	[tilespmem:s28+$0x8BA0] =	vst v3;
	v3 =	vmul.f32 s8, v6  }
0x23e: {  	v6 =	vld [tilespmem:s19+$0xB0]  }
0x23f: {  	v9 =	vld [tilespmem:s12+$0xB0];
	[tilespmem:s14+$0x8F80] =	vst v3  }
0x240: {  	v3 =	vld [tilespmem:s19+$0x110]  }
0x241: {  	v10 =	vld [tilespmem:s2+$0x110]  }
0x242: {  	v7 =	vadd.f32 v8, v7;
	s0 =	spop (v2sf)  }
0x243: {  	s6 =	sshll.u32 s0, $0x9  }
0x244: {  	v7 =	vmul.f32 s4, v7;
	v6 =	vadd.f32 v9, v6;
	p5 =	sgt.s32 s0, $0x7F;
	s20 =	sand.u32 $0x7E00, s6  }
0x245: {  	v8 =	vld [tilespmem:s19+$0x0];
	s20 =	simm.s32 @p5 $0x8000  }
0x246: {  	[tilespmem:s11+$0x87D0] =	vst v7;
	v6 =	vmul.f32 s16, v6;
	v3 =	vadd.f32 v10, v3;
	v9 =	vld [tilespmem:s20+$0x0]  }
0x247: {  	v7 =	vld [tilespmem:s19+$0x60]  }
0x248: {  	v10 =	vadd.f32 v2, v1;
	v11 =	vld [tilespmem:s13+$0x60];
	[tilespmem:s28+$0x8BB0] =	vst v6;
	v3 =	vmul.f32 s8, v3;
	s7 =	sxor.u32 $0xFFFFFFFF, s0  }
0x249: {  	v6 =	vld [tilespmem:s19+$0xC0];
	s7 =	sshrl.u32 s7, $0x6  }
0x24a: {  	v10 =	vmul.f32 s15, v10;
	v12 =	vld [tilespmem:s12+$0xC0];
	[tilespmem:s14+$0x8F90] =	vst v3;
	s7 =	sand.u32 $0x1, s7  }
0x24b: {  	s21 =	scvt.s32.f32 s7;
	v3 =	vadd.f32 v9, v8;
	v8 =	vld [tilespmem:s19+$0x120]  }
0x24c: {  	s0 =	sshll.u32 s0, $0x7;
	[tilespmem:s3+$0x8FE0] =	vst v10;
	v9 =	vld [tilespmem:s2+$0x120]  }
0x24d: {  	s6 =	sand.u32 $0x7000, s6;
	s0 =	sand.u32 $0x380, s0;
	v10 =	vld [tilespmem:s19+$0x170];
	v7 =	vadd.f32 v11, v7;
	v3 =	vmul.f32 s21, v3  }
0x24e: {  	v11 =	vld [tilespmem:s29+$0x170];
	s0 =	sor.u32 s0, s6  }
0x24f: {  	v6 =	vadd.f32 v12, v6;
	[tilespmem:s0+$0x8780] =	vst v3;
	v3 =	vmul.f32 s4, v7  }
0x250: {  	v7 =	vld [tilespmem:s19+$0x10]  }
0x251: {  	v59 =	vld [tilespmem:s20+$0x10];
	[tilespmem:s11+$0x87E0] =	vst v3;
	v3 =	vmul.f32 s16, v6;
	v6 =	vadd.f32 v9, v8  }
0x252: {  	v8 =	vld [tilespmem:s19+$0x70]  }
0x253: {  	v9 =	vadd.f32 v11, v10;
	v10 =	vld [tilespmem:s13+$0x70];
	[tilespmem:s28+$0x8BC0] =	vst v3;
	v3 =	vmul.f32 s8, v6  }
0x254: {  	v6 =	vld [tilespmem:s19+$0xD0]  }
0x255: {  	v9 =	vmul.f32 s15, v9;
	v11 =	vld [tilespmem:s12+$0xD0];
	[tilespmem:s14+$0x8FA0] =	vst v3  }
0x256: {  	v3 =	vadd.f32 v59, v7;
	v7 =	vld [tilespmem:s19+$0x130]  }
0x257: {  	[tilespmem:s3+$0x8FF0] =	vst v9;
	v9 =	vld [tilespmem:s2+$0x130]  }
0x258: {  	v60 =	vld [tilespmem:s19+$0x180];
	v3 =	vmul.f32 s21, v3;
	v8 =	vadd.f32 v10, v8  }
0x259: {  	v10 =	vld [tilespmem:s29+$0x180]  }
0x25a: {  	[tilespmem:s0+$0x8790] =	vst v3;
	v3 =	vmul.f32 s4, v8;
	v6 =	vadd.f32 v11, v6  }
0x25b: {  	v8 =	vld [tilespmem:s19+$0x20]  }
0x25c: {  	v11 =	vld [tilespmem:s20+$0x20];
	[tilespmem:s11+$0x87F0] =	vst v3;
	v3 =	vmul.f32 s16, v6;
	v6 =	vadd.f32 v9, v7  }
0x25d: {  	v7 =	vld [tilespmem:s19+$0x80]  }
0x25e: {  	v9 =	vadd.f32 v10, v60;
	v10 =	vld [tilespmem:s13+$0x80];
	[tilespmem:s28+$0x8BD0] =	vst v3;
	v3 =	vmul.f32 s8, v6  }
0x25f: {  	v6 =	vld [tilespmem:s19+$0xE0]  }
0x260: {  	v9 =	vmul.f32 s15, v9;
	v61 =	vld [tilespmem:s12+$0xE0];
	[tilespmem:s14+$0x8FB0] =	vst v3  }
0x261: {  	v3 =	vadd.f32 v11, v8;
	v8 =	vld [tilespmem:s19+$0x140]  }
0x262: {  	[tilespmem:s3+$0x9380] =	vst v9;
	v9 =	vld [tilespmem:s2+$0x140]  }
0x263: {  	v11 =	vld [tilespmem:s19+$0x190];
	v3 =	vmul.f32 s21, v3;
	v7 =	vadd.f32 v10, v7  }
0x264: {  	v10 =	vld [tilespmem:s29+$0x190]  }
0x265: {  	[tilespmem:s0+$0x87A0] =	vst v3;
	v3 =	vmul.f32 s4, v7;
	v6 =	vadd.f32 v61, v6  }
0x266: {  	v7 =	vld [tilespmem:s19+$0x30]  }
0x267: {  	v62 =	vld [tilespmem:s20+$0x30];
	[tilespmem:s11+$0x8B80] =	vst v3;
	v3 =	vmul.f32 s16, v6;
	v6 =	vadd.f32 v9, v8  }
0x268: {  	v8 =	vld [tilespmem:s19+$0x90]  }
0x269: {  	v9 =	vadd.f32 v10, v11;
	[tilespmem:s28+$0x8BE0] =	vst v3;
	v3 =	vmul.f32 s8, v6;
	v6 =	vld [tilespmem:s13+$0x90]  }
0x26a: {  	v10 =	vld [tilespmem:s19+$0xF0]  }
0x26b: {  	v9 =	vmul.f32 s15, v9;
	[tilespmem:s14+$0x8FC0] =	vst v3;
	v3 =	vld [tilespmem:s12+$0xF0]  }
0x26c: {  	v7 =	vadd.f32 v62, v7;
	v11 =	vld [tilespmem:s19+$0x150]  }
0x26d: {  	[tilespmem:s3+$0x9390] =	vst v9;
	v9 =	vld [tilespmem:s2+$0x150]  }
0x26e: {  	v7 =	vmul.f32 s21, v7;
	v63 =	vld [tilespmem:s29+$0x1A0];
	v6 =	vadd.f32 v6, v8  }
0x26f: {  	s9 =	sadd.s32 $0x1, s5;
	v8 =	vld [tilespmem:s19+$0x1A0]  }
0x270: {  	v13 =	vld [tilespmem:s9+$0x0];
	[tilespmem:s0+$0x87B0] =	vst v7;
	v6 =	vmul.f32 s4, v6;
	v3 =	vadd.f32 v3, v10  }
0x271: {  	v7 =	vld [tilespmem:s19+$0x40]  }
0x272: {  	v14 =	vld [tilespmem:s20+$0x40];
	[tilespmem:s11+$0x8B90] =	vst v6;
	v3 =	vmul.f32 s16, v3;
	v6 =	vadd.f32 v9, v11  }
0x273: {  	v11 =	vld [tilespmem:s19+$0xA0]  }
0x274: {  	v15 =	vld [tilespmem:s13+$0xA0];
	[tilespmem:s28+$0x8BF0] =	vst v3;
	v3 =	vmul.f32 s8, v6;
	v6 =	vadd.f32 v63, v8  }
0x275: {  	v9 =	vld [tilespmem:s19+$0x100]  }
0x276: {  	v10 =	vld [tilespmem:s12+$0x100];
	[tilespmem:s14+$0x8FD0] =	vst v3;
	v3 =	vmul.f32 s15, v6  }
0x277: {  	p6 =	seq.s32 s1, $0x1;
	v6 =	vld [tilespmem:s19+$0x160]  }
.Ltmp12:
0x278: {  	v8 =	vld [tilespmem:s2+$0x160];
	[tilespmem:s3+$0x93A0] =	vst v3;
	(pc) =	sbr.rel @p6 .LBB2_18-.Ltmp12, $4  }
0x279: {  	v3 =	vld [tilespmem:s19+$0x1B0];
	[dreg:$0xe] =	wrdreg s28  }
0x27a: {  	v7 =	vadd.f32 v14, v7;
	[dreg:$0xf] =	wrdreg s4  }
0x27b: {  	[dreg:$0x10] =	wrdreg s13  }
0x27c: {  	s1 =	sadd.s32 $0xFFFFFFFF, s1;
	(v2sf) =	vpush v13, $0x0;
	p5 =	por $0x1, $0x1;
	v18 =	vmul.f32 s21, v7;
	v11 =	vadd.f32 v15, v11;
	[dreg:$0x11] =	wrdreg s11  }
0x27d: {  	_ =	sdelay $0x7  }
0x27e: {  	v15 =	vld [tilespmem:s29+$0x1B0];
	[tilespmem:s0+$0x87C0] =	vst v18  }
0x27f: {  	v13 =	vadd.f32 v10, v9;
	v12 =	vmul.f32 s4, v11;
	v7 =	vld [tilespmem:s19+$0x50]  }
0x280: {  	v14 =	vld [tilespmem:s20+$0x50]  }
0x281: {  	[tilespmem:s11+$0x8BA0] =	vst v12;
	v12 =	vmul.f32 s16, v13  }
0x282: {  	v13 =	vadd.f32 v8, v6;
	v16 =	vld [tilespmem:s19+$0xB0]  }
0x283: {  	v17 =	vld [tilespmem:s13+$0xB0];
	[tilespmem:s28+$0x8F80] =	vst v12  }
0x284: {  	v12 =	vmul.f32 s8, v13;
	v15 =	vadd.f32 v15, v3;
	v13 =	vld [tilespmem:s19+$0x110];
	s6 =	spop (v2sf)  }
0x285: {  	v7 =	vadd.f32 v14, v7;
	v14 =	vld [tilespmem:s12+$0x110];
	s10 =	sshll.u32 s6, $0x9  }
0x286: {  	v18 =	vld [tilespmem:s19+$0x0];
	[tilespmem:s14+$0x8FE0] =	vst v12;
	v15 =	vmul.f32 s15, v15;
	p6 =	sgt.s32 s6, $0x7F;
	s5 =	sand.u32 $0x7E00, s10  }
0x287: {  	v12 =	vld [tilespmem:s19+$0x170];
	v7 =	vmul.f32 s21, v7;
	s5 =	simm.s32 @p6 $0x8000  }
0x288: {  	v16 =	vadd.f32 v17, v16;
	[tilespmem:s3+$0x93B0] =	vst v15;
	v19 =	vld [tilespmem:s5+$0x0]  }
0x289: {  	[tilespmem:s0+$0x87D0] =	vst v7;
	v7 =	vld [tilespmem:s2+$0x170]  }
0x28a: {  	v15 =	vld [tilespmem:s19+$0x1C0];
	v16 =	vmul.f32 s4, v16;
	v13 =	vadd.f32 v14, v13;
	s7 =	sxor.u32 $0xFFFFFFFF, s6  }
0x28b: {  	v17 =	vld [tilespmem:s19+$0x60];
	s7 =	sshrl.u32 s7, $0x6  }
0x28c: {  	v14 =	vld [tilespmem:s20+$0x60];
	[tilespmem:s11+$0x8BB0] =	vst v16;
	v13 =	vmul.f32 s16, v13;
	s7 =	sand.u32 $0x1, s7  }
0x28d: {  	s7 =	scvt.s32.f32 s7;
	v16 =	vadd.f32 v19, v18;
	v18 =	vld [tilespmem:s19+$0xC0]  }
0x28e: {  	s6 =	sshll.u32 s6, $0x7;
	[tilespmem:s28+$0x8F90] =	vst v13;
	v7 =	vadd.f32 v7, v12;
	v19 =	vld [tilespmem:s13+$0xC0]  }
0x28f: {  	s10 =	sand.u32 $0x7000, s10;
	s6 =	sand.u32 $0x380, s6;
	v13 =	vld [tilespmem:s19+$0x120];
	v12 =	vmul.f32 s7, v16  }
0x290: {  	s6 =	sor.u32 s6, s10;
	v7 =	vmul.f32 s8, v7;
	v16 =	vld [tilespmem:s12+$0x120]  }
0x291: {  	v14 =	vadd.f32 v14, v17;
	[tilespmem:s6+$0x8780] =	vst v12;
	v12 =	vld [tilespmem:s29+$0x1C0]  }
0x292: {  	[tilespmem:s14+$0x8FF0] =	vst v7;
	v17 =	vld [tilespmem:s19+$0x10]  }
0x293: {  	v7 =	vmul.f32 s21, v14;
	v14 =	vadd.f32 v19, v18;
	v18 =	vld [tilespmem:s19+$0x180]  }
0x294: {  	v20 =	vld [tilespmem:s5+$0x10]  }
0x295: {  	v19 =	vld [tilespmem:s2+$0x180]  }
0x296: {  	[tilespmem:s0+$0x87E0] =	vst v7;
	v7 =	vmul.f32 s4, v14;
	v13 =	vadd.f32 v16, v13  }
0x297: {  	v14 =	vld [tilespmem:s19+$0x70]  }
0x298: {  	v12 =	vadd.f32 v12, v15;
	v15 =	vld [tilespmem:s20+$0x70];
	[tilespmem:s11+$0x8BC0] =	vst v7;
	v7 =	vmul.f32 s16, v13  }
0x299: {  	v13 =	vld [tilespmem:s19+$0xD0];
	v17 =	vadd.f32 v20, v17  }
0x29a: {  	v16 =	vld [tilespmem:s13+$0xD0];
	v12 =	vmul.f32 s15, v12;
	[tilespmem:s28+$0x8FA0] =	vst v7;
	v7 =	vadd.f32 v19, v18  }
0x29b: {  	v18 =	vld [tilespmem:s19+$0x130];
	v17 =	vmul.f32 s7, v17  }
0x29c: {  	[tilespmem:s3+$0x93C0] =	vst v12;
	v12 =	vld [tilespmem:s12+$0x130];
	v7 =	vmul.f32 s8, v7  }
0x29d: {  	v14 =	vadd.f32 v15, v14;
	v15 =	vld [tilespmem:s19+$0x1D0];
	[tilespmem:s6+$0x8790] =	vst v17  }
0x29e: {  	[tilespmem:s14+$0x9380] =	vst v7;
	v7 =	vld [tilespmem:s29+$0x1D0]  }
0x29f: {  	v13 =	vadd.f32 v16, v13;
	v17 =	vld [tilespmem:s19+$0x20];
	v14 =	vmul.f32 s21, v14  }
0x2a0: {  	v19 =	vld [tilespmem:s5+$0x20]  }
0x2a1: {  	v16 =	vld [tilespmem:s19+$0x190];
	v13 =	vmul.f32 s4, v13;
	[tilespmem:s0+$0x87F0] =	vst v14;
	v12 =	vadd.f32 v12, v18  }
0x2a2: {  	v14 =	vld [tilespmem:s19+$0x80]  }
0x2a3: {  	v18 =	vld [tilespmem:s20+$0x80];
	[tilespmem:s11+$0x8BD0] =	vst v13;
	v12 =	vmul.f32 s16, v12  }
0x2a4: {  	v7 =	vadd.f32 v7, v15;
	v13 =	vld [tilespmem:s19+$0xE0]  }
0x2a5: {  	v15 =	vld [tilespmem:s13+$0xE0];
	[tilespmem:s28+$0x8FB0] =	vst v12  }
0x2a6: {  	v7 =	vmul.f32 s15, v7;
	v12 =	vadd.f32 v19, v17;
	v17 =	vld [tilespmem:s19+$0x140]  }
0x2a7: {  	v19 =	vld [tilespmem:s12+$0x140]  }
0x2a8: {  	[tilespmem:s3+$0x93D0] =	vst v7;
	v7 =	vmul.f32 s7, v12;
	v12 =	vadd.f32 v18, v14;
	v14 =	vld [tilespmem:s2+$0x190]  }
0x2a9: {  	v18 =	vld [tilespmem:s29+$0x1E0]  }
0x2aa: {  	[tilespmem:s6+$0x87A0] =	vst v7;
	v7 =	vmul.f32 s21, v12;
	v12 =	vld [tilespmem:s19+$0x1E0]  }
0x2ab: {  	v13 =	vadd.f32 v15, v13;
	v15 =	vld [tilespmem:s19+$0x30]  }
0x2ac: {  	s17 =	sadd.s32 $0x1, s9;
	v20 =	vld [tilespmem:s5+$0x30]  }
0x2ad: {  	[tilespmem:s0+$0x8B80] =	vst v7;
	v7 =	vmul.f32 s4, v13;
	v13 =	vadd.f32 v19, v17;
	v19 =	vld [tilespmem:s17+$0x0]  }
0x2ae: {  	v17 =	vld [tilespmem:s19+$0x90]  }
0x2af: {  	v14 =	vadd.f32 v14, v16;
	[tilespmem:s11+$0x8BE0] =	vst v7;
	v7 =	vmul.f32 s16, v13;
	v13 =	vld [tilespmem:s20+$0x90]  }
0x2b0: {  	v16 =	vld [tilespmem:s19+$0xF0]  }
0x2b1: {  	v14 =	vmul.f32 s8, v14;
	[tilespmem:s28+$0x8FC0] =	vst v7;
	v7 =	vadd.f32 v20, v15;
	v15 =	vld [tilespmem:s13+$0xF0]  }
0x2b2: {  	v20 =	vld [tilespmem:s19+$0x150]  }
0x2b3: {  	v12 =	vadd.f32 v18, v12;
	[tilespmem:s14+$0x9390] =	vst v14;
	v14 =	vld [tilespmem:s12+$0x150];
	v7 =	vmul.f32 s7, v7  }
0x2b4: {  	(v2sf) =	vpush v19, $0x0;
	v18 =	vld [tilespmem:s2+$0x1A0];
	v13 =	vadd.f32 v13, v17  }
0x2b5: {  	v12 =	vmul.f32 s15, v12;
	v17 =	vld [tilespmem:s19+$0x1A0];
	[tilespmem:s6+$0x87B0] =	vst v7  }
0x2b6: {  	v21 =	vld [tilespmem:s19+$0x40];
	v7 =	vmul.f32 s21, v13;
	v13 =	vadd.f32 v15, v16  }
0x2b7: {  	[tilespmem:s3+$0x93E0] =	vst v12;
	v12 =	vld [tilespmem:s5+$0x40]  }
0x2b8: {  	v14 =	vadd.f32 v14, v20;
	[tilespmem:s0+$0x8B90] =	vst v7;
	v13 =	vmul.f32 s4, v13;
	v7 =	vld [tilespmem:s19+$0x1F0]  }
0x2b9: {  	v20 =	vld [tilespmem:s19+$0xA0]  }
0x2ba: {  	v22 =	vld [tilespmem:s20+$0xA0];
	[tilespmem:s11+$0x8BF0] =	vst v13;
	v13 =	vmul.f32 s16, v14;
	v14 =	vadd.f32 v18, v17  }
0x2bb: {  	s18 =	sadd.s32 $0xFFFFFFFF, s1;
	p0 =	por $0x1, $0x1;
	p6 =	seq.s32 s1, $0x1;
	v15 =	vld [tilespmem:s19+$0x100]  }
.Ltmp13:
0x2bc: {  	s23 =	smov.u32 s2;
	s30 =	smov.u32 s29;
	v16 =	vld [tilespmem:s13+$0x100];
	[tilespmem:s28+$0x8FD0] =	vst v13;
	v17 =	vmul.f32 s8, v14;
	(pc) =	sbr.rel @p6 .LBB2_20-.Ltmp13, $4  }
0x2bd: {  	s26 =	smov.u32 s16;
	s9 =	smov.u32 s13;
	s1 =	simm.s32 @!p0 $0x0;
	v12 =	vadd.f32 v12, v21;
	v13 =	vld [tilespmem:s19+$0x160]  }
0x2be: {  	s24 =	smov.u32 s8;
	s25 =	smov.u32 s14;
	s1 =	simm.s32 @p0 $0x1;
	v14 =	vld [tilespmem:s12+$0x160];
	[tilespmem:s14+$0x93A0] =	vst v17  }
0x2bf: {  	s31 =	smov.u32 s15;
	s22 =	smov.u32 s3;
	v18 =	vmul.f32 s7, v12;
	v12 =	vld [tilespmem:s19+$0x1B0];
	[smem:$0x7FC] =	sst s1  }
0x2c0: {  	s29 =	smov.u32 s12;
	v17 =	vadd.f32 v22, v20;
	s1 =	smov.u32 s4;
	[dreg:$0xd] =	wrdreg s16  }
.LBB2_21:
0x2c1: {  	p6 =	seq.s32 s18, $0x1;
	s18 =	sadd.s32 $0xFFFFFFFF, s18;
	[tilespmem:s6+$0x87C0] =	vst v18;
	v18 =	vld [tilespmem:s23+$0x1B0]  }
0x2c2: {  	v19 =	vld [tilespmem:s19+$0x50];
	v17 =	vmul.f32 s21, v17;
	v15 =	vadd.f32 v16, v15  }
0x2c3: {  	s10 =	spop (v2sf);
	v16 =	vld [tilespmem:s5+$0x50]  }
0x2c4: {  	s16 =	sxor.u32 $0xFFFFFFFF, s10;
	s13 =	sshll.u32 s10, $0x9;
	s4 =	sshll.u32 s10, $0x7;
	[tilespmem:s0+$0x8BA0] =	vst v17;
	v15 =	vmul.f32 s1, v15;
	v13 =	vadd.f32 v14, v13;
	v14 =	vld [tilespmem:s30+$0x1F0]  }
0x2c5: {  	p0 =	sgt.s32 s10, $0x7F;
	s16 =	sshrl.u32 s16, $0x6;
	s10 =	sand.u32 $0x7E00, s13;
	v17 =	vld [tilespmem:s19+$0xB0]  }
0x2c6: {  	s13 =	sand.u32 $0x7000, s13;
	s16 =	sand.u32 $0x1, s16;
	s10 =	simm.s32 @p0 $0x8000;
	v20 =	vld [tilespmem:s20+$0xB0];
	[tilespmem:s11+$0x8F80] =	vst v15;
	v13 =	vmul.f32 s26, v13;
	v12 =	vadd.f32 v18, v12  }
0x2c7: {  	s30 =	smov.u32 s23;
	s23 =	smov.u32 s29;
	s4 =	sand.u32 $0x380, s4;
	v15 =	vld [tilespmem:s19+$0x110]  }
0x2c8: {  	s29 =	smov.u32 s9;
	s4 =	sor.u32 s4, s13;
	v16 =	vadd.f32 v16, v19;
	v18 =	vld [tilespmem:s9+$0x110];
	[tilespmem:s28+$0x8FE0] =	vst v13;
	v12 =	vmul.f32 s24, v12;
	s9 =	smov.u32 s20  }
0x2c9: {  	s20 =	smov.u32 s5;
	s5 =	smov.u32 s10;
	v13 =	vld [tilespmem:s19+$0x170];
	v7 =	vadd.f32 v14, v7  }
0x2ca: {  	v14 =	vld [tilespmem:s19+$0x0];
	v16 =	vmul.f32 s7, v16;
	[tilespmem:s25+$0x93B0] =	vst v12  }
0x2cb: {  	v12 =	vld [tilespmem:s5+$0x0];
	v17 =	vadd.f32 v20, v17;
	v7 =	vmul.f32 s31, v7;
	s31 =	smov.u32 s24;
	s24 =	smov.u32 s26;
	s26 =	smov.u32 s1  }
0x2cc: {  	s1 =	smov.u32 s21;
	s21 =	smov.u32 s7;
	[tilespmem:s6+$0x87D0] =	vst v16;
	v16 =	vld [tilespmem:s23+$0x170]  }
0x2cd: {  	v19 =	vld [tilespmem:s19+$0x60];
	v17 =	vmul.f32 s1, v17;
	v15 =	vadd.f32 v18, v15;
	[tilespmem:s22+$0x93F0] =	vst v7;
	s22 =	smov.u32 s25;
	s25 =	smov.u32 s28;
	s28 =	smov.u32 s11  }
0x2ce: {  	s7 =	scvt.s32.f32 s16;
	s11 =	smov.u32 s0;
	s0 =	smov.u32 s6;
	v7 =	vld [tilespmem:s20+$0x60]  }
0x2cf: {  	s6 =	smov.u32 s4;
	[tilespmem:s11+$0x8BB0] =	vst v17;
	v15 =	vmul.f32 s26, v15;
	v17 =	vld [tilespmem:s19+$0x1C0]  }
0x2d0: {  	v12 =	vadd.f32 v12, v14;
	v14 =	vld [tilespmem:s19+$0xC0]  }
0x2d1: {  	v18 =	vld [tilespmem:s9+$0xC0];
	[tilespmem:s28+$0x8F90] =	vst v15;
	v13 =	vadd.f32 v16, v13  }
0x2d2: {  	v12 =	vmul.f32 s7, v12;
	v15 =	vld [tilespmem:s19+$0x120]  }
0x2d3: {  	v7 =	vadd.f32 v7, v19;
	v16 =	vld [tilespmem:s29+$0x120];
	v13 =	vmul.f32 s24, v13  }
0x2d4: {  	[tilespmem:s6+$0x8780] =	vst v12;
	v12 =	vld [tilespmem:s30+$0x1C0]  }
0x2d5: {  	v19 =	vld [tilespmem:s19+$0x10];
	v7 =	vmul.f32 s21, v7;
	[tilespmem:s25+$0x8FF0] =	vst v13  }
0x2d6: {  	v13 =	vadd.f32 v18, v14;
	v14 =	vld [tilespmem:s19+$0x180]  }
0x2d7: {  	v18 =	vld [tilespmem:s23+$0x180]  }
0x2d8: {  	v20 =	vld [tilespmem:s5+$0x10];
	[tilespmem:s0+$0x87E0] =	vst v7;
	v7 =	vmul.f32 s1, v13;
	v13 =	vadd.f32 v16, v15  }
0x2d9: {  	v15 =	vld [tilespmem:s19+$0x70];
	v12 =	vadd.f32 v12, v17  }
0x2da: {  	v16 =	vld [tilespmem:s20+$0x70];
	[tilespmem:s11+$0x8BC0] =	vst v7;
	v7 =	vmul.f32 s26, v13  }
0x2db: {  	v13 =	vld [tilespmem:s19+$0xD0];
	v12 =	vmul.f32 s31, v12  }
0x2dc: {  	v17 =	vld [tilespmem:s9+$0xD0];
	[tilespmem:s28+$0x8FA0] =	vst v7;
	v7 =	vadd.f32 v18, v14  }
0x2dd: {  	v14 =	vadd.f32 v20, v19;
	v18 =	vld [tilespmem:s19+$0x130];
	[tilespmem:s22+$0x93C0] =	vst v12  }
0x2de: {  	v12 =	vld [tilespmem:s29+$0x130];
	v7 =	vmul.f32 s24, v7  }
0x2df: {  	v14 =	vmul.f32 s7, v14;
	v15 =	vadd.f32 v16, v15;
	v16 =	vld [tilespmem:s19+$0x1D0]  }
0x2e0: {  	[tilespmem:s25+$0x9380] =	vst v7;
	v7 =	vld [tilespmem:s30+$0x1D0]  }
0x2e1: {  	[tilespmem:s6+$0x8790] =	vst v14;
	v14 =	vmul.f32 s21, v15;
	v13 =	vadd.f32 v17, v13;
	v15 =	vld [tilespmem:s19+$0x190]  }
0x2e2: {  	v17 =	vld [tilespmem:s19+$0x20]  }
0x2e3: {  	v19 =	vld [tilespmem:s5+$0x20];
	[tilespmem:s0+$0x87F0] =	vst v14;
	v13 =	vmul.f32 s1, v13;
	v12 =	vadd.f32 v12, v18  }
0x2e4: {  	v14 =	vld [tilespmem:s19+$0x80]  }
0x2e5: {  	v18 =	vld [tilespmem:s20+$0x80];
	[tilespmem:s11+$0x8BD0] =	vst v13;
	v12 =	vmul.f32 s26, v12;
	v7 =	vadd.f32 v7, v16  }
0x2e6: {  	v13 =	vld [tilespmem:s19+$0xE0]  }
0x2e7: {  	v16 =	vld [tilespmem:s9+$0xE0];
	[tilespmem:s28+$0x8FB0] =	vst v12;
	v7 =	vmul.f32 s31, v7  }
0x2e8: {  	v12 =	vadd.f32 v19, v17;
	v17 =	vld [tilespmem:s19+$0x140]  }
0x2e9: {  	v19 =	vld [tilespmem:s29+$0x140];
	[tilespmem:s22+$0x93D0] =	vst v7  }
0x2ea: {  	v7 =	vmul.f32 s7, v12;
	v12 =	vadd.f32 v18, v14;
	v14 =	vld [tilespmem:s23+$0x190]  }
0x2eb: {  	v18 =	vld [tilespmem:s30+$0x1E0]  }
0x2ec: {  	[tilespmem:s6+$0x87A0] =	vst v7;
	v7 =	vmul.f32 s21, v12;
	v12 =	vadd.f32 v16, v13;
	v13 =	vld [tilespmem:s19+$0x1E0]  }
0x2ed: {  	v16 =	vld [tilespmem:s19+$0x30]  }
0x2ee: {  	s17 =	sadd.s32 $0x1, s17;
	v20 =	vld [tilespmem:s5+$0x30];
	[tilespmem:s0+$0x8B80] =	vst v7;
	v7 =	vmul.f32 s1, v12;
	v12 =	vadd.f32 v19, v17  }
0x2ef: {  	v17 =	vld [tilespmem:s19+$0x90];
	v14 =	vadd.f32 v14, v15  }
0x2f0: {  	v15 =	vld [tilespmem:s17+$0x0];
	[tilespmem:s11+$0x8BE0] =	vst v7;
	v7 =	vmul.f32 s26, v12  }
0x2f1: {  	v12 =	vld [tilespmem:s20+$0x90];
	v14 =	vmul.f32 s24, v14;
	v13 =	vadd.f32 v18, v13  }
0x2f2: {  	v18 =	vld [tilespmem:s19+$0xF0];
	[tilespmem:s28+$0x8FC0] =	vst v7  }
0x2f3: {  	v7 =	vadd.f32 v20, v16;
	v16 =	vld [tilespmem:s9+$0xF0];
	[tilespmem:s25+$0x9390] =	vst v14;
	v13 =	vmul.f32 s31, v13  }
0x2f4: {  	v14 =	vld [tilespmem:s19+$0x150]  }
0x2f5: {  	(v2sf) =	vpush v15, $0x0;
	v7 =	vmul.f32 s7, v7;
	v15 =	vld [tilespmem:s29+$0x150];
	[tilespmem:s22+$0x93E0] =	vst v13  }
0x2f6: {  	v12 =	vadd.f32 v12, v17;
	v13 =	vld [tilespmem:s19+$0x1A0]  }
0x2f7: {  	[tilespmem:s6+$0x87B0] =	vst v7;
	v17 =	vld [tilespmem:s23+$0x1A0]  }
0x2f8: {  	v19 =	vld [tilespmem:s19+$0x40];
	v7 =	vmul.f32 s21, v12;
	v12 =	vadd.f32 v16, v18  }
0x2f9: {  	v16 =	vld [tilespmem:s5+$0x40]  }
0x2fa: {  	[tilespmem:s0+$0x8B90] =	vst v7;
	v12 =	vmul.f32 s1, v12;
	v14 =	vadd.f32 v15, v14;
	v7 =	vld [tilespmem:s19+$0x1F0]  }
0x2fb: {  	v20 =	vld [tilespmem:s19+$0xA0]  }
0x2fc: {  	v21 =	vld [tilespmem:s20+$0xA0];
	[tilespmem:s11+$0x8BF0] =	vst v12;
	v12 =	vmul.f32 s26, v14;
	v13 =	vadd.f32 v17, v13  }
.Ltmp14:
0x2fd: {  	v15 =	vld [tilespmem:s19+$0x100];
	(pc) =	sbr.rel @!p6 .LBB2_21-.Ltmp14, $4  }
0x2fe: {  	v14 =	vadd.f32 v16, v19;
	v16 =	vld [tilespmem:s9+$0x100];
	[tilespmem:s28+$0x8FD0] =	vst v12;
	v12 =	vmul.f32 s24, v13  }
0x2ff: {  	v13 =	vld [tilespmem:s19+$0x160]  }
0x300: {  	v18 =	vmul.f32 s7, v14;
	v14 =	vld [tilespmem:s29+$0x160];
	[tilespmem:s25+$0x93A0] =	vst v12  }
0x301: {  	v17 =	vadd.f32 v21, v20;
	v12 =	vld [tilespmem:s19+$0x1B0]  }
0x302: {  	[dreg:$0x12] =	wrdreg s21  }
0x303: {  	s21 =	smov.u32 s7;
	s16 =	rddreg [dreg:$0xd]  }
.LBB2_23:
0x304: {  	s4 =	spop (v2sf)  }
0x305: {  	s10 =	sshll.u32 s4, $0x9  }
0x306: {  	p0 =	sgt.s32 s4, $0x7F;
	s7 =	sand.u32 $0x7E00, s10  }
0x307: {  	v19 =	vld [tilespmem:s19+$0x0];
	s7 =	simm.s32 @p0 $0x8000  }
0x308: {  	v20 =	vld [tilespmem:s7+$0x0];
	_ =	sdelay $0x1  }
0x309: {  	s13 =	sxor.u32 $0xFFFFFFFF, s4  }
0x30a: {  	s13 =	sshrl.u32 s13, $0x6  }
0x30b: {  	s13 =	sand.u32 $0x1, s13  }
0x30c: {  	s18 =	scvt.s32.f32 s13;
	v19 =	vadd.f32 v20, v19  }
0x30d: {  	s4 =	sshll.u32 s4, $0x7  }
0x30e: {  	s10 =	sand.u32 $0x7000, s10;
	s4 =	sand.u32 $0x380, s4;
	v19 =	vmul.f32 s18, v19  }
0x30f: {  	s17 =	sor.u32 s4, s10  }
0x310: {  	[tilespmem:s17+$0x8780] =	vst v19  }
0x311: {  	v19 =	vld [tilespmem:s19+$0x10]  }
0x312: {  	v28 =	vld [tilespmem:s7+$0x10];
	_ =	sdelay $0x4  }
0x313: {  	v19 =	vadd.f32 v28, v19;
	_ =	sdelay $0x1  }
0x314: {  	v19 =	vmul.f32 s18, v19;
	_ =	sdelay $0x1  }
0x315: {  	[tilespmem:s17+$0x8790] =	vst v19  }
0x316: {  	v19 =	vld [tilespmem:s19+$0x20]  }
0x317: {  	v29 =	vld [tilespmem:s7+$0x20];
	_ =	sdelay $0x4  }
0x318: {  	v19 =	vadd.f32 v29, v19;
	_ =	sdelay $0x1  }
0x319: {  	v19 =	vmul.f32 s18, v19;
	_ =	sdelay $0x1  }
0x31a: {  	[tilespmem:s17+$0x87A0] =	vst v19  }
0x31b: {  	v19 =	vld [tilespmem:s19+$0x30]  }
0x31c: {  	v30 =	vld [tilespmem:s7+$0x30];
	_ =	sdelay $0x4  }
0x31d: {  	v19 =	vadd.f32 v30, v19;
	_ =	sdelay $0x1  }
0x31e: {  	v19 =	vmul.f32 s18, v19;
	_ =	sdelay $0x1  }
0x31f: {  	[tilespmem:s17+$0x87B0] =	vst v19  }
0x320: {  	v19 =	vld [tilespmem:s19+$0x40]  }
0x321: {  	[tilespmem:s6+$0x87C0] =	vst @p1 v18;
	v31 =	vld [tilespmem:s7+$0x40]  }
0x322: {  	v21 =	vld @p1 [tilespmem:s5+$0x50]  }
0x323: {  	v20 =	vld @p1 [tilespmem:s19+$0x50];
	_ =	sdelay $0x2  }
0x324: {  	v18 =	vadd.f32 v31, v19;
	_ =	sdelay $0x1  }
0x325: {  	v19 =	vadd.f32 @p1 v21, v20;
	v18 =	vmul.f32 s18, v18;
	_ =	sdelay $0x1  }
0x326: {  	v19 =	vmul.f32 @p1 s21, v19;
	[tilespmem:s17+$0x87C0] =	vst v18  }
0x327: {  	v18 =	vld [tilespmem:s19+$0x50]  }
0x328: {  	[tilespmem:s6+$0x87D0] =	vst @p1 v19;
	v32 =	vld [tilespmem:s7+$0x50]  }
0x329: {  	s4 =	smov.u32 @p1 s5;
	v20 =	vld @p1 [tilespmem:s19+$0x60]  }
0x32a: {  	v21 =	vld @p1 [tilespmem:s4+$0x60];
	_ =	sdelay $0x2  }
0x32b: {  	v18 =	vadd.f32 v32, v18;
	_ =	sdelay $0x1  }
0x32c: {  	v19 =	vadd.f32 @p1 v21, v20;
	v18 =	vmul.f32 s18, v18  }
0x32d: {  	s5 =	smov.u32 @p1 s21  }
0x32e: {  	v19 =	vmul.f32 @p1 s5, v19;
	[tilespmem:s17+$0x87D0] =	vst v18  }
0x32f: {  	v18 =	vld [tilespmem:s19+$0x60]  }
0x330: {  	[tilespmem:s6+$0x87E0] =	vst @p1 v19;
	v33 =	vld [tilespmem:s7+$0x60]  }
0x331: {  	v20 =	vld @p1 [tilespmem:s19+$0x70]  }
0x332: {  	v21 =	vld @p1 [tilespmem:s4+$0x70];
	_ =	sdelay $0x2  }
0x333: {  	v18 =	vadd.f32 v33, v18;
	_ =	sdelay $0x1  }
0x334: {  	v19 =	vadd.f32 @p1 v21, v20;
	v18 =	vmul.f32 s18, v18;
	_ =	sdelay $0x1  }
0x335: {  	v19 =	vmul.f32 @p1 s5, v19;
	[tilespmem:s17+$0x87E0] =	vst v18  }
0x336: {  	v18 =	vld [tilespmem:s19+$0x70]  }
0x337: {  	[tilespmem:s6+$0x87F0] =	vst @p1 v19;
	v34 =	vld [tilespmem:s7+$0x70]  }
0x338: {  	v20 =	vld @p1 [tilespmem:s19+$0x80]  }
0x339: {  	v21 =	vld @p1 [tilespmem:s4+$0x80];
	_ =	sdelay $0x2  }
0x33a: {  	v18 =	vadd.f32 v34, v18;
	_ =	sdelay $0x1  }
0x33b: {  	v19 =	vadd.f32 @p1 v21, v20;
	v18 =	vmul.f32 s18, v18;
	_ =	sdelay $0x1  }
0x33c: {  	v19 =	vmul.f32 @p1 s5, v19;
	[tilespmem:s17+$0x87F0] =	vst v18  }
0x33d: {  	v18 =	vld [tilespmem:s19+$0x80]  }
0x33e: {  	[tilespmem:s6+$0x8B80] =	vst @p1 v19;
	v35 =	vld [tilespmem:s7+$0x80]  }
0x33f: {  	v20 =	vld @p1 [tilespmem:s19+$0x90]  }
0x340: {  	v21 =	vld @p1 [tilespmem:s4+$0x90];
	_ =	sdelay $0x2  }
0x341: {  	v18 =	vadd.f32 v35, v18;
	_ =	sdelay $0x1  }
0x342: {  	v19 =	vadd.f32 @p1 v21, v20;
	v18 =	vmul.f32 s18, v18;
	_ =	sdelay $0x1  }
0x343: {  	v19 =	vmul.f32 @p1 s5, v19;
	[tilespmem:s17+$0x8B80] =	vst v18  }
0x344: {  	v18 =	vld [tilespmem:s19+$0x90]  }
0x345: {  	[tilespmem:s6+$0x8B90] =	vst @p1 v19;
	v36 =	vld [tilespmem:s7+$0x90]  }
0x346: {  	v20 =	vld @p1 [tilespmem:s19+$0xA0]  }
0x347: {  	v21 =	vld @p1 [tilespmem:s4+$0xA0];
	_ =	sdelay $0x1  }
0x348: {  	s15 =	rddreg [dreg:$0x12]  }
0x349: {  	v17 =	vmul.f32 @p2 s15, v17;
	v18 =	vadd.f32 v36, v18;
	_ =	sdelay $0x1  }
0x34a: {  	[tilespmem:s0+$0x8BA0] =	vst @p2 v17;
	v17 =	vadd.f32 @p1 v21, v20;
	v18 =	vmul.f32 s18, v18  }
0x34b: {  	v19 =	vld @p2 [tilespmem:s19+$0xB0];
	s10 =	rddreg [dreg:$0xf]  }
0x34c: {  	s10 =	smov.u32 @p1 s5;
	v20 =	vld @p2 [tilespmem:s20+$0xB0];
	v11 =	vpsel p1, v17, v11;
	[tilespmem:s17+$0x8B90] =	vst v18  }
0x34d: {  	v11 =	vmul.f32 @p1 s10, v11;
	v37 =	vld [tilespmem:s19+$0xA0];
	s21 =	rddreg [dreg:$0x11]  }
0x34e: {  	v18 =	vld [tilespmem:s7+$0xA0];
	s21 =	smov.u32 @p1 s6  }
0x34f: {  	[tilespmem:s21+$0x8BA0] =	vst @p1 v11  }
0x350: {  	s13 =	rddreg [dreg:$0x10]  }
0x351: {  	v19 =	vadd.f32 @p2 v20, v19;
	v11 =	vld @p1 [tilespmem:s19+$0xB0];
	s13 =	smov.u32 @p1 s4  }
0x352: {  	s5 =	smov.u32 @p2 s15;
	v20 =	vld @p1 [tilespmem:s13+$0xB0]  }
0x353: {  	v19 =	vmul.f32 @p2 s5, v19;
	v17 =	vadd.f32 v18, v37  }
0x354: {  	s6 =	smov.u32 @p2 s0  }
0x355: {  	[tilespmem:s6+$0x8BB0] =	vst @p2 v19;
	v17 =	vmul.f32 s18, v17  }
0x356: {  	s0 =	smov.u32 @p2 s20;
	v18 =	vld @p2 [tilespmem:s19+$0xC0]  }
0x357: {  	v19 =	vld @p2 [tilespmem:s0+$0xC0];
	[tilespmem:s17+$0x8BA0] =	vst v17;
	v11 =	vadd.f32 @p1 v20, v11  }
0x358: {  	v17 =	vld [tilespmem:s19+$0xB0]  }
0x359: {  	v38 =	vld [tilespmem:s7+$0xB0];
	v11 =	vmul.f32 @p1 s10, v11;
	_ =	sdelay $0x1  }
0x35a: {  	[tilespmem:s21+$0x8BB0] =	vst @p1 v11  }
0x35b: {  	s20 =	smov.u32 @p1 s13;
	v18 =	vadd.f32 @p2 v19, v18;
	v11 =	vld @p1 [tilespmem:s19+$0xC0]  }
0x35c: {  	v19 =	vld @p1 [tilespmem:s20+$0xC0]  }
0x35d: {  	v18 =	vmul.f32 @p2 s5, v18;
	v17 =	vadd.f32 v38, v17;
	_ =	sdelay $0x1  }
0x35e: {  	[tilespmem:s6+$0x8BC0] =	vst @p2 v18;
	v17 =	vmul.f32 s18, v17  }
0x35f: {  	v18 =	vld @p2 [tilespmem:s19+$0xD0]  }
0x360: {  	[tilespmem:s17+$0x8BB0] =	vst v17;
	v11 =	vadd.f32 @p1 v19, v11;
	v19 =	vld @p2 [tilespmem:s0+$0xD0]  }
0x361: {  	v17 =	vld [tilespmem:s19+$0xC0]  }
0x362: {  	v39 =	vld [tilespmem:s7+$0xC0];
	v11 =	vmul.f32 @p1 s10, v11;
	_ =	sdelay $0x1  }
0x363: {  	[tilespmem:s21+$0x8BC0] =	vst @p1 v11  }
0x364: {  	v11 =	vld @p1 [tilespmem:s19+$0xD0];
	v18 =	vadd.f32 @p2 v19, v18  }
0x365: {  	v19 =	vld @p1 [tilespmem:s20+$0xD0]  }
0x366: {  	v17 =	vadd.f32 v39, v17;
	v18 =	vmul.f32 @p2 s5, v18;
	_ =	sdelay $0x1  }
0x367: {  	v17 =	vmul.f32 s18, v17;
	[tilespmem:s6+$0x8BD0] =	vst @p2 v18  }
0x368: {  	v18 =	vld @p2 [tilespmem:s19+$0xE0]  }
0x369: {  	[tilespmem:s17+$0x8BC0] =	vst v17;
	v11 =	vadd.f32 @p1 v19, v11;
	v19 =	vld @p2 [tilespmem:s0+$0xE0]  }
0x36a: {  	v17 =	vld [tilespmem:s19+$0xD0]  }
0x36b: {  	v40 =	vld [tilespmem:s7+$0xD0];
	v11 =	vmul.f32 @p1 s10, v11;
	_ =	sdelay $0x1  }
0x36c: {  	[tilespmem:s21+$0x8BD0] =	vst @p1 v11  }
0x36d: {  	v11 =	vld @p1 [tilespmem:s19+$0xE0]  }
0x36e: {  	v18 =	vadd.f32 @p2 v19, v18;
	v19 =	vld @p1 [tilespmem:s20+$0xE0]  }
0x36f: {  	v17 =	vadd.f32 v40, v17;
	_ =	sdelay $0x1  }
0x370: {  	v17 =	vmul.f32 s18, v17;
	_ =	sdelay $0x1  }
0x371: {  	v18 =	vmul.f32 @p2 s5, v18;
	[tilespmem:s17+$0x8BD0] =	vst v17;
	v11 =	vadd.f32 @p1 v19, v11  }
0x372: {  	v17 =	vld [tilespmem:s19+$0xE0]  }
0x373: {  	[tilespmem:s6+$0x8BE0] =	vst @p2 v18;
	v41 =	vld [tilespmem:s7+$0xE0];
	v11 =	vmul.f32 @p1 s10, v11  }
0x374: {  	v18 =	vld @p2 [tilespmem:s19+$0xF0]  }
0x375: {  	v19 =	vld @p2 [tilespmem:s0+$0xF0];
	[tilespmem:s21+$0x8BE0] =	vst @p1 v11  }
0x376: {  	v11 =	vld @p1 [tilespmem:s19+$0xF0]  }
0x377: {  	v21 =	vld @p1 [tilespmem:s20+$0xF0]  }
0x378: {  	v17 =	vadd.f32 v41, v17;
	_ =	sdelay $0x1  }
0x379: {  	v18 =	vadd.f32 @p2 v19, v18;
	v17 =	vmul.f32 s18, v17;
	_ =	sdelay $0x1  }
0x37a: {  	v18 =	vmul.f32 @p2 s5, v18;
	[tilespmem:s17+$0x8BE0] =	vst v17;
	v11 =	vadd.f32 @p1 v21, v11  }
0x37b: {  	v17 =	vld [tilespmem:s19+$0xF0]  }
0x37c: {  	[tilespmem:s6+$0x8BF0] =	vst @p2 v18;
	v42 =	vld [tilespmem:s7+$0xF0];
	v11 =	vmul.f32 @p1 s10, v11  }
0x37d: {  	v18 =	vld @p2 [tilespmem:s19+$0x100]  }
0x37e: {  	v20 =	vld @p2 [tilespmem:s0+$0x100];
	[tilespmem:s21+$0x8BF0] =	vst @p1 v11  }
0x37f: {  	v11 =	vadd.f32 @p3 v16, v15;
	v15 =	vld @p1 [tilespmem:s19+$0x100]  }
0x380: {  	v16 =	vld @p1 [tilespmem:s20+$0x100]  }
0x381: {  	v17 =	vadd.f32 v42, v17;
	v11 =	vmul.f32 @p3 s1, v11;
	_ =	sdelay $0x1  }
0x382: {  	v9 =	vpsel p2, v18, v9;
	v10 =	vpsel p2, v20, v10;
	v43 =	vmul.f32 s18, v17;
	[tilespmem:s11+$0x8F80] =	vst @p3 v11  }
0x383: {  	v9 =	vadd.f32 @p2 v10, v9;
	v11 =	vld @p3 [tilespmem:s19+$0x110]  }
0x384: {  	s16 =	smov.u32 @p2 s5;
	v17 =	vld @p3 [tilespmem:s9+$0x110];
	[tilespmem:s17+$0x8BF0] =	vst v43;
	v4 =	vpsel p1, v15, v4;
	v5 =	vpsel p1, v16, v5  }
0x385: {  	v9 =	vmul.f32 @p2 s16, v9;
	s13 =	rddreg [dreg:$0xe];
	v4 =	vadd.f32 @p1 v5, v4  }
0x386: {  	s5 =	smov.u32 s8;
	s8 =	smov.u32 @p1 s10;
	v44 =	vld [tilespmem:s19+$0x100];
	s13 =	smov.u32 @p2 s6  }
0x387: {  	v45 =	vld [tilespmem:s7+$0x100];
	[tilespmem:s13+$0x8F80] =	vst @p2 v9;
	v4 =	vmul.f32 @p1 s8, v4  }
0x388: {  	s12 =	smov.u32 @p2 s0;
	s4 =	smov.u32 s14;
	s14 =	smov.u32 @p1 s21;
	v10 =	vld @p2 [tilespmem:s19+$0x110]  }
0x389: {  	v15 =	vld @p2 [tilespmem:s12+$0x110];
	v11 =	vadd.f32 @p3 v17, v11;
	[tilespmem:s14+$0x8F80] =	vst @p1 v4  }
0x38a: {  	s21 =	smov.u32 @p3 s1;
	s6 =	smov.u32 s2;
	s2 =	smov.u32 @p1 s20;
	v4 =	vld @p1 [tilespmem:s19+$0x110]  }
0x38b: {  	v11 =	vmul.f32 @p3 s21, v11;
	v16 =	vld @p1 [tilespmem:s2+$0x110]  }
0x38c: {  	s20 =	smov.u32 @p3 s11;
	v5 =	vadd.f32 v45, v44  }
0x38d: {  	[tilespmem:s20+$0x8F90] =	vst @p3 v11  }
0x38e: {  	s0 =	smov.u32 @p3 s9;
	v5 =	vmul.f32 s18, v5;
	v10 =	vadd.f32 @p2 v15, v10;
	v9 =	vld @p3 [tilespmem:s19+$0x120]  }
0x38f: {  	s1 =	smov.u32 @p2 s16;
	v11 =	vld @p3 [tilespmem:s0+$0x120]  }
0x390: {  	[tilespmem:s17+$0x8F80] =	vst v5;
	v10 =	vmul.f32 @p2 s1, v10;
	v4 =	vadd.f32 @p1 v16, v4  }
0x391: {  	s11 =	smov.u32 @p1 s8;
	s16 =	smov.u32 @p2 s13;
	v5 =	vld [tilespmem:s19+$0x110]  }
0x392: {  	v46 =	vld [tilespmem:s7+$0x110];
	[tilespmem:s16+$0x8F90] =	vst @p2 v10;
	v4 =	vmul.f32 @p1 s11, v4  }
0x393: {  	s10 =	smov.u32 @p1 s14;
	v15 =	vld @p2 [tilespmem:s19+$0x120]  }
0x394: {  	v9 =	vadd.f32 @p3 v11, v9;
	v11 =	vld @p2 [tilespmem:s12+$0x120];
	[tilespmem:s10+$0x8F90] =	vst @p1 v4  }
0x395: {  	s9 =	smov.u32 @p1 s2;
	v4 =	vld @p1 [tilespmem:s19+$0x120]  }
0x396: {  	v9 =	vmul.f32 @p3 s21, v9;
	v16 =	vld @p1 [tilespmem:s9+$0x120]  }
0x397: {  	v5 =	vadd.f32 v46, v5  }
0x398: {  	[tilespmem:s20+$0x8FA0] =	vst @p3 v9  }
0x399: {  	v5 =	vmul.f32 s18, v5;
	v9 =	vld @p3 [tilespmem:s19+$0x130];
	v10 =	vadd.f32 @p2 v11, v15  }
0x39a: {  	v11 =	vld @p3 [tilespmem:s0+$0x130]  }
0x39b: {  	[tilespmem:s17+$0x8F90] =	vst v5;
	v10 =	vmul.f32 @p2 s1, v10;
	v4 =	vadd.f32 @p1 v16, v4  }
0x39c: {  	v5 =	vld [tilespmem:s19+$0x120]  }
0x39d: {  	v47 =	vld [tilespmem:s7+$0x120];
	[tilespmem:s16+$0x8FA0] =	vst @p2 v10;
	v4 =	vmul.f32 @p1 s11, v4  }
0x39e: {  	v15 =	vld @p2 [tilespmem:s19+$0x130]  }
0x39f: {  	v9 =	vadd.f32 @p3 v11, v9;
	v11 =	vld @p2 [tilespmem:s12+$0x130];
	[tilespmem:s10+$0x8FA0] =	vst @p1 v4  }
0x3a0: {  	v4 =	vld @p1 [tilespmem:s19+$0x130]  }
0x3a1: {  	v9 =	vmul.f32 @p3 s21, v9;
	v16 =	vld @p1 [tilespmem:s9+$0x130]  }
0x3a2: {  	v5 =	vadd.f32 v47, v5  }
0x3a3: {  	[tilespmem:s20+$0x8FB0] =	vst @p3 v9  }
0x3a4: {  	v5 =	vmul.f32 s18, v5;
	v9 =	vld @p3 [tilespmem:s19+$0x140];
	v10 =	vadd.f32 @p2 v11, v15  }
0x3a5: {  	v11 =	vld @p3 [tilespmem:s0+$0x140]  }
0x3a6: {  	[tilespmem:s17+$0x8FA0] =	vst v5;
	v10 =	vmul.f32 @p2 s1, v10;
	v4 =	vadd.f32 @p1 v16, v4  }
0x3a7: {  	v5 =	vld [tilespmem:s19+$0x130]  }
0x3a8: {  	v48 =	vld [tilespmem:s7+$0x130];
	[tilespmem:s16+$0x8FB0] =	vst @p2 v10;
	v4 =	vmul.f32 @p1 s11, v4  }
0x3a9: {  	v15 =	vld @p2 [tilespmem:s19+$0x140]  }
0x3aa: {  	v9 =	vadd.f32 @p3 v11, v9;
	v11 =	vld @p2 [tilespmem:s12+$0x140];
	[tilespmem:s10+$0x8FB0] =	vst @p1 v4  }
0x3ab: {  	v4 =	vld @p1 [tilespmem:s19+$0x140]  }
0x3ac: {  	v9 =	vmul.f32 @p3 s21, v9;
	v16 =	vld @p1 [tilespmem:s9+$0x140]  }
0x3ad: {  	v5 =	vadd.f32 v48, v5  }
0x3ae: {  	[tilespmem:s20+$0x8FC0] =	vst @p3 v9  }
0x3af: {  	v5 =	vmul.f32 s18, v5;
	v9 =	vld @p3 [tilespmem:s19+$0x150];
	v10 =	vadd.f32 @p2 v11, v15  }
0x3b0: {  	v11 =	vld @p3 [tilespmem:s0+$0x150]  }
0x3b1: {  	[tilespmem:s17+$0x8FB0] =	vst v5;
	v10 =	vmul.f32 @p2 s1, v10;
	v4 =	vadd.f32 @p1 v16, v4  }
0x3b2: {  	v5 =	vld [tilespmem:s19+$0x140]  }
0x3b3: {  	v49 =	vld [tilespmem:s7+$0x140];
	[tilespmem:s16+$0x8FC0] =	vst @p2 v10;
	v4 =	vmul.f32 @p1 s11, v4  }
0x3b4: {  	v15 =	vld @p2 [tilespmem:s19+$0x150]  }
0x3b5: {  	v9 =	vadd.f32 @p3 v11, v9;
	v11 =	vld @p2 [tilespmem:s12+$0x150];
	[tilespmem:s10+$0x8FC0] =	vst @p1 v4  }
0x3b6: {  	v4 =	vld @p1 [tilespmem:s19+$0x150]  }
0x3b7: {  	v9 =	vmul.f32 @p3 s21, v9;
	v16 =	vld @p1 [tilespmem:s9+$0x150]  }
0x3b8: {  	v5 =	vadd.f32 v49, v5  }
0x3b9: {  	[tilespmem:s20+$0x8FD0] =	vst @p3 v9  }
0x3ba: {  	v5 =	vmul.f32 s18, v5;
	v9 =	vld @p3 [tilespmem:s19+$0x160];
	v10 =	vadd.f32 @p2 v11, v15  }
0x3bb: {  	v11 =	vld @p3 [tilespmem:s0+$0x160]  }
0x3bc: {  	[tilespmem:s17+$0x8FC0] =	vst v5;
	v10 =	vmul.f32 @p2 s1, v10;
	v4 =	vadd.f32 @p1 v16, v4  }
0x3bd: {  	v5 =	vld [tilespmem:s19+$0x150]  }
0x3be: {  	v50 =	vld [tilespmem:s7+$0x150];
	[tilespmem:s16+$0x8FD0] =	vst @p2 v10;
	v4 =	vmul.f32 @p1 s11, v4  }
0x3bf: {  	v13 =	vadd.f32 @p4 v14, v13;
	v14 =	vld @p2 [tilespmem:s19+$0x160]  }
0x3c0: {  	v6 =	vpsel p3, v9, v6;
	v8 =	vpsel p3, v11, v8;
	v9 =	vld @p2 [tilespmem:s12+$0x160];
	[tilespmem:s10+$0x8FD0] =	vst @p1 v4  }
0x3c1: {  	v4 =	vmul.f32 @p4 s26, v13;
	v6 =	vadd.f32 @p3 v8, v6;
	v8 =	vld @p1 [tilespmem:s19+$0x160]  }
0x3c2: {  	s5 =	smov.u32 @p3 s21;
	v11 =	vld @p1 [tilespmem:s9+$0x160]  }
0x3c3: {  	v5 =	vadd.f32 v50, v5;
	[tilespmem:s28+$0x8FE0] =	vst @p4 v4;
	v4 =	vmul.f32 @p3 s5, v6  }
0x3c4: {  	s4 =	smov.u32 @p3 s20;
	s2 =	smov.u32 @p4 s29;
	v6 =	vld @p4 [tilespmem:s19+$0x170]  }
0x3c5: {  	s6 =	smov.u32 @p3 s0;
	v51 =	vmul.f32 s18, v5;
	v10 =	vld @p4 [tilespmem:s2+$0x170];
	[tilespmem:s4+$0x8FE0] =	vst @p3 v4;
	v1 =	vpsel p2, v14, v1;
	v2 =	vpsel p2, v9, v2  }
0x3c6: {  	s8 =	smov.u32 @p3 s6;
	s15 =	rddreg [dreg:$0x13];
	v5 =	vld @p3 [tilespmem:s19+$0x170];
	v1 =	vadd.f32 @p2 v2, v1  }
0x3c7: {  	v2 =	vld @p3 [tilespmem:s8+$0x170];
	[tilespmem:s17+$0x8FD0] =	vst v51;
	s0 =	smov.u32 s15;
	s15 =	smov.u32 @p2 s1;
	v8 =	vpsel p1, v8, v0;
	v9 =	vpsel p1, v11, v0  }
0x3c8: {  	s29 =	smov.u32 @p1 s11;
	v52 =	vld [tilespmem:s19+$0x160];
	v1 =	vmul.f32 @p2 s15, v1;
	v4 =	vadd.f32 @p1 v9, v8  }
0x3c9: {  	s1 =	smov.u32 s3;
	s3 =	smov.u32 @p2 s16;
	s13 =	rddreg [dreg:$0xc];
	v53 =	vld [tilespmem:s7+$0x160]  }
0x3ca: {  	s6 =	smov.u32 s13;
	s13 =	smov.u32 @p2 s12;
	v6 =	vadd.f32 @p4 v10, v6;
	[tilespmem:s3+$0x8FE0] =	vst @p2 v1;
	v1 =	vmul.f32 @p1 s29, v4  }
0x3cb: {  	s16 =	smov.u32 @p4 s26;
	s26 =	smov.u32 @p1 s10;
	s11 =	smov.u32 @p2 s13;
	v4 =	vld @p2 [tilespmem:s19+$0x170]  }
0x3cc: {  	s9 =	smov.u32 @p1 s9;
	v6 =	vmul.f32 @p4 s16, v6;
	v2 =	vadd.f32 @p3 v2, v5;
	v5 =	vld @p2 [tilespmem:s11+$0x170];
	[tilespmem:s26+$0x8FE0] =	vst @p1 v1  }
0x3cd: {  	s21 =	smov.u32 @p4 s28;
	s20 =	smov.u32 @p3 s5;
	s13 =	smov.u32 @p1 s9;
	v1 =	vld @p1 [tilespmem:s19+$0x170]  }
0x3ce: {  	v8 =	vadd.f32 v53, v52;
	[tilespmem:s21+$0x8FF0] =	vst @p4 v6;
	v2 =	vmul.f32 @p3 s20, v2;
	v6 =	vld @p1 [tilespmem:s13+$0x170]  }
0x3cf: {  	s14 =	smov.u32 @p3 s4;
	v9 =	vld @p4 [tilespmem:s19+$0x180]  }
0x3d0: {  	v10 =	vld @p4 [tilespmem:s2+$0x180];
	[tilespmem:s14+$0x8FF0] =	vst @p3 v2;
	v2 =	vmul.f32 s18, v8  }
0x3d1: {  	v8 =	vld @p3 [tilespmem:s19+$0x180];
	v4 =	vadd.f32 @p2 v5, v4  }
0x3d2: {  	s12 =	smov.u32 @p2 s15;
	v5 =	vld @p3 [tilespmem:s8+$0x180];
	[tilespmem:s17+$0x8FE0] =	vst v2  }
0x3d3: {  	v2 =	vmul.f32 @p2 s12, v4;
	v1 =	vadd.f32 @p1 v6, v1;
	v54 =	vld [tilespmem:s19+$0x170]  }
0x3d4: {  	s10 =	smov.u32 @p2 s3;
	s9 =	smov.u32 @p1 s29;
	v55 =	vld [tilespmem:s7+$0x170]  }
0x3d5: {  	v11 =	vld @p5 [tilespmem:s23+$0x1B0];
	v9 =	vadd.f32 @p4 v10, v9;
	[tilespmem:s10+$0x8FF0] =	vst @p2 v2;
	v1 =	vmul.f32 @p1 s9, v1  }
0x3d6: {  	s5 =	smov.u32 @p1 s26;
	v2 =	vld @p2 [tilespmem:s19+$0x180]  }
0x3d7: {  	v9 =	vmul.f32 @p4 s16, v9;
	v5 =	vadd.f32 @p3 v5, v8;
	v8 =	vld @p2 [tilespmem:s11+$0x180];
	[tilespmem:s5+$0x8FF0] =	vst @p1 v1  }
0x3d8: {  	v1 =	vld @p1 [tilespmem:s19+$0x180]  }
0x3d9: {  	[tilespmem:s21+$0x9380] =	vst @p4 v9;
	v5 =	vmul.f32 @p3 s20, v5;
	v9 =	vld @p1 [tilespmem:s13+$0x180];
	v4 =	vadd.f32 v55, v54  }
0x3da: {  	v6 =	vld @p4 [tilespmem:s19+$0x190]  }
0x3db: {  	v10 =	vadd.f32 @p5 v11, v12;
	v11 =	vld @p4 [tilespmem:s2+$0x190];
	[tilespmem:s14+$0x9380] =	vst @p3 v5;
	v4 =	vmul.f32 s18, v4  }
0x3dc: {  	v5 =	vld @p3 [tilespmem:s19+$0x190];
	v2 =	vadd.f32 @p2 v8, v2  }
0x3dd: {  	v8 =	vmul.f32 @p5 s24, v10;
	v10 =	vld @p3 [tilespmem:s8+$0x190];
	[tilespmem:s17+$0x8FF0] =	vst v4  }
0x3de: {  	v2 =	vmul.f32 @p2 s12, v2;
	v1 =	vadd.f32 @p1 v9, v1;
	v4 =	vld [tilespmem:s19+$0x180]  }
0x3df: {  	[tilespmem:s25+$0x93B0] =	vst @p5 v8;
	v56 =	vld [tilespmem:s7+$0x180]  }
0x3e0: {  	v9 =	vld @p5 [tilespmem:s19+$0x1C0];
	v6 =	vadd.f32 @p4 v11, v6;
	[tilespmem:s10+$0x9380] =	vst @p2 v2;
	v1 =	vmul.f32 @p1 s9, v1  }
0x3e1: {  	v2 =	vld @p2 [tilespmem:s19+$0x190]  }
0x3e2: {  	v6 =	vmul.f32 @p4 s16, v6;
	v5 =	vadd.f32 @p3 v10, v5;
	v10 =	vld @p2 [tilespmem:s11+$0x190];
	[tilespmem:s5+$0x9380] =	vst @p1 v1  }
0x3e3: {  	v1 =	vld @p1 [tilespmem:s19+$0x190]  }
0x3e4: {  	[tilespmem:s21+$0x9390] =	vst @p4 v6;
	v5 =	vmul.f32 @p3 s20, v5;
	v6 =	vld @p1 [tilespmem:s13+$0x190];
	v4 =	vadd.f32 v56, v4  }
0x3e5: {  	v8 =	vld @p4 [tilespmem:s19+$0x1A0]  }
0x3e6: {  	v11 =	vld @p4 [tilespmem:s2+$0x1A0];
	[tilespmem:s14+$0x9390] =	vst @p3 v5;
	v4 =	vmul.f32 s18, v4  }
0x3e7: {  	v5 =	vld @p3 [tilespmem:s19+$0x1A0];
	v2 =	vadd.f32 @p2 v10, v2  }
0x3e8: {  	v10 =	vld @p3 [tilespmem:s8+$0x1A0];
	[tilespmem:s17+$0x9380] =	vst v4  }
0x3e9: {  	v2 =	vmul.f32 @p2 s12, v2;
	v1 =	vadd.f32 @p1 v6, v1;
	v4 =	vld [tilespmem:s19+$0x190]  }
0x3ea: {  	s4 =	smov.u32 @p5 s23;
	v57 =	vld [tilespmem:s7+$0x190]  }
0x3eb: {  	v12 =	vld @p5 [tilespmem:s4+$0x1C0];
	v8 =	vadd.f32 @p4 v11, v8;
	[tilespmem:s10+$0x9390] =	vst @p2 v2;
	v1 =	vmul.f32 @p1 s9, v1  }
0x3ec: {  	v2 =	vld @p2 [tilespmem:s19+$0x1A0]  }
0x3ed: {  	v8 =	vmul.f32 @p4 s16, v8;
	v5 =	vadd.f32 @p3 v10, v5;
	v10 =	vld @p2 [tilespmem:s11+$0x1A0];
	[tilespmem:s5+$0x9390] =	vst @p1 v1  }
0x3ee: {  	v1 =	vld @p1 [tilespmem:s19+$0x1A0]  }
0x3ef: {  	[tilespmem:s21+$0x93A0] =	vst @p4 v8;
	v5 =	vmul.f32 @p3 s20, v5;
	v8 =	vld @p1 [tilespmem:s13+$0x1A0];
	v4 =	vadd.f32 v57, v4  }
0x3f0: {  	s6 =	smov.u32 @p4 s2;
	v6 =	vld @p4 [tilespmem:s19+$0x1B0]  }
0x3f1: {  	v9 =	vadd.f32 @p5 v12, v9;
	v11 =	vld @p4 [tilespmem:s6+$0x1B0];
	[tilespmem:s14+$0x93A0] =	vst @p3 v5;
	v4 =	vmul.f32 s18, v4  }
0x3f2: {  	s15 =	smov.u32 @p3 s8;
	s3 =	smov.u32 @p5 s24;
	v5 =	vld @p3 [tilespmem:s19+$0x1B0];
	v2 =	vadd.f32 @p2 v10, v2  }
0x3f3: {  	v9 =	vmul.f32 @p5 s3, v9;
	v10 =	vld @p3 [tilespmem:s15+$0x1B0];
	[tilespmem:s17+$0x9390] =	vst v4  }
0x3f4: {  	s2 =	smov.u32 @p5 s25;
	v2 =	vmul.f32 @p2 s12, v2;
	v1 =	vadd.f32 @p1 v8, v1;
	v4 =	vld [tilespmem:s19+$0x1A0]  }
0x3f5: {  	[tilespmem:s2+$0x93C0] =	vst @p5 v9;
	v58 =	vld [tilespmem:s7+$0x1A0];
	v3 =	vpsel p4, v6, v3  }
0x3f6: {  	v8 =	vld @p5 [tilespmem:s19+$0x1D0];
	v3 =	vadd.f32 @p4 v11, v3;
	[tilespmem:s10+$0x93A0] =	vst @p2 v2;
	v1 =	vmul.f32 @p1 s9, v1  }
0x3f7: {  	s0 =	smov.u32 @p4 s16;
	s16 =	smov.u32 @p2 s11;
	v2 =	vpsel p3, v5, v0;
	v5 =	vld @p2 [tilespmem:s19+$0x1B0]  }
0x3f8: {  	v9 =	vld @p2 [tilespmem:s16+$0x1B0];
	v3 =	vmul.f32 @p4 s0, v3;
	v2 =	vadd.f32 @p3 v10, v2;
	[tilespmem:s5+$0x93A0] =	vst @p1 v1  }
0x3f9: {  	s1 =	smov.u32 @p4 s21;
	s20 =	smov.u32 @p3 s20;
	s13 =	smov.u32 @p1 s13;
	v1 =	vld @p1 [tilespmem:s19+$0x1B0]  }
0x3fa: {  	v4 =	vadd.f32 v58, v4;
	[tilespmem:s1+$0x93B0] =	vst @p4 v3;
	v2 =	vmul.f32 @p3 s20, v2;
	v3 =	vld @p1 [tilespmem:s13+$0x1B0]  }
0x3fb: {  	s8 =	smov.u32 @p4 s6;
	s21 =	smov.u32 @p3 s14;
	v6 =	vld @p4 [tilespmem:s19+$0x1C0]  }
0x3fc: {  	v10 =	vld @p4 [tilespmem:s8+$0x1C0];
	v4 =	vmul.f32 s18, v4;
	[tilespmem:s21+$0x93B0] =	vst @p3 v2;
	v2 =	vpsel p2, v5, v0  }
0x3fd: {  	s11 =	smov.u32 @p3 s15;
	v5 =	vld @p3 [tilespmem:s19+$0x1C0];
	v2 =	vadd.f32 @p2 v9, v2  }
0x3fe: {  	s12 =	smov.u32 @p2 s12;
	v9 =	vld @p3 [tilespmem:s11+$0x1C0];
	[tilespmem:s17+$0x93A0] =	vst v4;
	v1 =	vpsel p1, v1, v0  }
0x3ff: {  	v4 =	vld [tilespmem:s7+$0x1B0];
	v2 =	vmul.f32 @p2 s12, v2;
	v1 =	vadd.f32 @p1 v3, v1  }
0x400: {  	s23 =	smov.u32 @p2 s10;
	s24 =	smov.u32 @p1 s9;
	v3 =	vld [tilespmem:s19+$0x1B0]  }
0x401: {  	v11 =	vld @p5 [tilespmem:s4+$0x1D0];
	v6 =	vadd.f32 @p4 v10, v6;
	[tilespmem:s23+$0x93B0] =	vst @p2 v2;
	v1 =	vmul.f32 @p1 s24, v1  }
0x402: {  	s6 =	smov.u32 @p4 s0;
	s14 =	smov.u32 @p2 s16;
	s16 =	smov.u32 @p1 s5;
	v2 =	vld @p2 [tilespmem:s19+$0x1C0]  }
0x403: {  	v6 =	vmul.f32 @p4 s6, v6;
	v5 =	vadd.f32 @p3 v9, v5;
	v9 =	vld @p2 [tilespmem:s14+$0x1C0];
	[tilespmem:s16+$0x93B0] =	vst @p1 v1  }
0x404: {  	s15 =	smov.u32 @p1 s13;
	s0 =	smov.u32 @p4 s1;
	s5 =	smov.u32 @p3 s20;
	v1 =	vld @p1 [tilespmem:s19+$0x1C0]  }
0x405: {  	[tilespmem:s0+$0x93C0] =	vst @p4 v6;
	v5 =	vmul.f32 @p3 s5, v5;
	v6 =	vld @p1 [tilespmem:s15+$0x1C0];
	v3 =	vadd.f32 v4, v3  }
0x406: {  	s1 =	smov.u32 @p3 s21;
	v4 =	vld @p4 [tilespmem:s19+$0x1D0]  }
0x407: {  	v10 =	vld @p4 [tilespmem:s8+$0x1D0];
	[tilespmem:s1+$0x93C0] =	vst @p3 v5;
	v3 =	vmul.f32 s18, v3  }
0x408: {  	v5 =	vld @p3 [tilespmem:s19+$0x1D0];
	v2 =	vadd.f32 @p2 v9, v2  }
0x409: {  	s10 =	smov.u32 @p2 s12;
	v9 =	vld @p3 [tilespmem:s11+$0x1D0];
	[tilespmem:s17+$0x93B0] =	vst v3  }
0x40a: {  	v2 =	vmul.f32 @p2 s10, v2;
	v1 =	vadd.f32 @p1 v6, v1;
	v3 =	vld [tilespmem:s19+$0x1C0]  }
0x40b: {  	s9 =	smov.u32 @p2 s23;
	s12 =	smov.u32 @p1 s24;
	v59 =	vld [tilespmem:s7+$0x1C0]  }
0x40c: {  	v8 =	vadd.f32 @p5 v11, v8;
	[tilespmem:s9+$0x93C0] =	vst @p2 v2;
	v1 =	vmul.f32 @p1 s12, v1  }
0x40d: {  	s13 =	smov.u32 @p1 s16;
	v2 =	vadd.f32 @p4 v10, v4;
	v4 =	vld @p2 [tilespmem:s19+$0x1D0]  }
0x40e: {  	v8 =	vmul.f32 @p5 s3, v8;
	v10 =	vld @p2 [tilespmem:s14+$0x1D0];
	[tilespmem:s13+$0x93C0] =	vst @p1 v1  }
0x40f: {  	v1 =	vmul.f32 @p4 s6, v2;
	v2 =	vadd.f32 @p3 v9, v5;
	v5 =	vld @p1 [tilespmem:s19+$0x1D0]  }
0x410: {  	[tilespmem:s2+$0x93D0] =	vst @p5 v8;
	v9 =	vld @p1 [tilespmem:s15+$0x1D0];
	v3 =	vadd.f32 v59, v3  }
0x411: {  	v8 =	vld @p5 [tilespmem:s4+$0x1E0];
	[tilespmem:s0+$0x93D0] =	vst @p4 v1;
	v1 =	vmul.f32 @p3 s5, v2  }
0x412: {  	v6 =	vld @p5 [tilespmem:s19+$0x1E0];
	v3 =	vmul.f32 s18, v3  }
0x413: {  	v2 =	vld @p4 [tilespmem:s8+$0x1E0];
	[tilespmem:s1+$0x93D0] =	vst @p3 v1;
	v1 =	vadd.f32 @p2 v10, v4  }
0x414: {  	v11 =	vld @p4 [tilespmem:s19+$0x1E0];
	[tilespmem:s17+$0x93C0] =	vst v3  }
0x415: {  	v1 =	vmul.f32 @p2 s10, v1;
	v3 =	vadd.f32 @p1 v9, v5;
	v60 =	vld [tilespmem:s19+$0x1D0]  }
0x416: {  	v61 =	vld [tilespmem:s7+$0x1D0]  }
0x417: {  	v4 =	vld @p3 [tilespmem:s11+$0x1E0];
	[tilespmem:s9+$0x93D0] =	vst @p2 v1;
	v1 =	vmul.f32 @p1 s12, v3  }
0x418: {  	v10 =	vld @p3 [tilespmem:s19+$0x1E0]  }
0x419: {  	v3 =	vld @p2 [tilespmem:s14+$0x1E0];
	[tilespmem:s13+$0x93D0] =	vst @p1 v1  }
0x41a: {  	v12 =	vld @p2 [tilespmem:s19+$0x1E0];
	v1 =	vadd.f32 @p5 v8, v6;
	s29 =	sld [smem:$0x7FC]  }
0x41b: {  	v5 =	vadd.f32 v61, v60  }
0x41c: {  	v6 =	vld @p1 [tilespmem:s15+$0x1E0];
	v1 =	vmul.f32 @p5 s3, v1  }
0x41d: {  	v2 =	vadd.f32 @p4 v2, v11;
	v8 =	vld @p1 [tilespmem:s19+$0x1E0];
	v5 =	vmul.f32 s18, v5;
	p0 =	seq.s32 s29, $0x1  }
0x41e: {  	s4 =	smov.u32 @p5 s4;
	[tilespmem:s2+$0x93E0] =	vst @p5 v1;
	v9 =	vld @p0 [tilespmem:s30+$0x1F0]  }
0x41f: {  	v2 =	vmul.f32 @p4 s6, v2;
	v1 =	vadd.f32 @p3 v4, v10;
	v3 =	vadd.f32 @p2 v3, v12;
	v4 =	vld @p5 [tilespmem:s4+$0x1F0];
	[tilespmem:s17+$0x93D0] =	vst v5  }
0x420: {  	v62 =	vld [tilespmem:s7+$0x1E0]  }
0x421: {  	[tilespmem:s0+$0x93E0] =	vst @p4 v2;
	v2 =	vmul.f32 @p2 s10, v3;
	v3 =	vld [tilespmem:s19+$0x1E0]  }
0x422: {  	s4 =	smov.u32 @p4 s8;
	v10 =	vld @p5 [tilespmem:s19+$0x1F0];
	v1 =	vmul.f32 @p3 s5, v1  }
0x423: {  	v5 =	vadd.f32 @p1 v6, v8;
	v8 =	vld @p4 [tilespmem:s4+$0x1F0]  }
0x424: {  	s4 =	smov.u32 @p3 s11;
	v6 =	vld @p4 [tilespmem:s19+$0x1F0];
	[tilespmem:s1+$0x93E0] =	vst @p3 v1  }
0x425: {  	v1 =	vmul.f32 @p1 s12, v5;
	v5 =	vld @p3 [tilespmem:s4+$0x1F0]  }
0x426: {  	[tilespmem:s9+$0x93E0] =	vst @p2 v2;
	v11 =	vld @p3 [tilespmem:s19+$0x1F0];
	v3 =	vadd.f32 v62, v3  }
0x427: {  	s4 =	smov.u32 @p2 s14;
	v12 =	vld @p2 [tilespmem:s19+$0x1F0]  }
0x428: {  	v2 =	vld @p2 [tilespmem:s4+$0x1F0];
	[tilespmem:s13+$0x93E0] =	vst @p1 v1;
	s4 =	smov.u32 @p1 s15;
	v3 =	vmul.f32 s18, v3  }
0x429: {  	v1 =	vld @p1 [tilespmem:s4+$0x1F0]  }
0x42a: {  	v13 =	vld @p1 [tilespmem:s19+$0x1F0];
	[tilespmem:s17+$0x93E0] =	vst v3  }
0x42b: {  	v7 =	vadd.f32 @p0 v9, v7;
	v9 =	vpsel p5, v10, v0;
	v3 =	vld [tilespmem:s19+$0x1F0]  }
0x42c: {  	v4 =	vadd.f32 @p5 v4, v9;
	v6 =	vpsel p4, v6, v0;
	v63 =	vld [tilespmem:s7+$0x1F0]  }
0x42d: {  	s3 =	smov.u32 @p5 s3;
	v7 =	vmul.f32 @p0 s31, v7;
	v6 =	vadd.f32 @p4 v8, v6;
	v8 =	vpsel p3, v11, v0  }
0x42e: {  	v4 =	vmul.f32 @p5 s3, v4;
	s3 =	smov.u32 @p4 s6;
	v5 =	vadd.f32 @p3 v5, v8;
	v8 =	vpsel p2, v12, v0  }
0x42f: {  	s2 =	smov.u32 @p5 s2;
	[tilespmem:s22+$0x93F0] =	vst @p0 v7;
	v6 =	vmul.f32 @p4 s3, v6;
	s3 =	smov.u32 @p3 s5;
	v2 =	vadd.f32 @p2 v2, v8;
	v7 =	vpsel p1, v13, v0  }
0x430: {  	s0 =	smov.u32 @p4 s0;
	[tilespmem:s2+$0x93F0] =	vst @p5 v4;
	s2 =	smov.u32 @p2 s10;
	v4 =	vmul.f32 @p3 s3, v5;
	v1 =	vadd.f32 @p1 v1, v7  }
0x431: {  	[tilespmem:s0+$0x93F0] =	vst @p4 v6;
	s0 =	smov.u32 @p3 s1;
	s1 =	smov.u32 @p1 s12;
	v2 =	vmul.f32 @p2 s2, v2;
	v3 =	vadd.f32 v63, v3  }
0x432: {  	[tilespmem:s0+$0x93F0] =	vst @p3 v4;
	v1 =	vmul.f32 @p1 s1, v1;
	s0 =	smov.u32 @p2 s9  }
0x433: {  	[tilespmem:s0+$0x93F0] =	vst @p2 v2;
	s0 =	smov.u32 @p1 s13;
	v2 =	vmul.f32 s18, v3  }
0x434: {  	[tilespmem:s0+$0x93F0] =	vst @p1 v1  }
0x435: {  	s31 =	rddreg [dreg:$0x2];
	[tilespmem:s17+$0x93F0] =	vst v2  }
0x436: {  	s0 =	sld [smem:$0x7FD]  }
0x437: {  	s7 =	rddreg [dreg:$0x6]  }
0x438: {  	s10 =	rddreg [dreg:$0x9]  }
0x439: {  	s6 =	simm.s32 $0x0;
	s9 =	rddreg [dreg:$0xa];
	p0 =	seq.s32 s0, $0x1  }
.LBB2_24:
0x43a: {  	s0 =	sshll.u32 s10, $0x10  }
0x43b: {  	s0 =	sadd.s32 s7, s0  }
0x43c: {  	s0 =	sshrl.u32 s0, $0x3  }
0x43d: {  	s1 =	simm.s32 $0x8780;
	s0 =	sadd.s32 s31, s0  }
0x43e: {  	[hbm4b:s0+s6] =	stream.linear.scatter [tilespmem:s1], [sflag:$0x1], $0x8000, $0x38;
	[tilespmem:$0x18780] =	vst v63  }
0x43f: {  	s0 =	simm.s32 @!p0 $0x2  }
0x440: {  	_ =	swait.ge @!p0 [sflag:s0], $0x8000  }
0x441: {  	[sflag:s0] =	ssyncset.done @!p0 $0x0  }
0x442: {  	[sflag:s0] =	ssyncadd.s32 @!p0 $0xFFFF8000  }
0x443: {  	v1 =	vld [tilespmem:s9+$0x8701];
	_ =	sdelay $0x4  }
0x444: {  	(v2sf) =	vpush v1, $0x0  }
0x445: {  	(v2sf) =	vpush v1, $0x1;
	_ =	sdelay $0xd  }
0x446: {  	s0 =	spop (v2sf)  }
0x447: {  	s1 =	spop (v2sf)  }
0x448: {  	p0 =	sle.s32 s1, s0  }
.Ltmp15:
0x449: {  	_ = 	snop;
	(pc) =	sbr.rel @p0 .LBB2_40-.Ltmp15, $2  }
0x44a: {  	_ =	sdelay $0x2  }
0x44b: {  	s5 =	sor.u32 $0x1, s9  }
0x44c: {  	s2 =	sshll.u32 s0, $0x2  }
0x44d: {  	s2 =	sshra.s32 s2, $0x2  }
0x44e: {  	s1 =	ssub.s32 s1, s0;
	s0 =	sadd.s32 $0x8200, s2  }
0x44f: {  	v1 =	vld [tilespmem:s0+$0x0];
	_ =	sdelay $0x4  }
0x450: {  	(v2sf) =	vpush v1, $0x0;
	_ =	sdelay $0xe  }
0x451: {  	s29 =	spop (v2sf)  }
0x452: {  	s3 =	sshll.u32 s5, $0xB;
	s30 =	sshll.u32 s29, $0x9  }
0x453: {  	s18 =	sshra.s32 s3, $0x2;
	p0 =	sgt.s32 s29, $0x7F;
	s21 =	sand.u32 $0x7E00, s30  }
0x454: {  	v1 =	vld [tilespmem:s18+$0x0];
	s21 =	simm.s32 @p0 $0x8000  }
0x455: {  	v2 =	vld [tilespmem:s21+$0x0];
	_ =	sdelay $0x1  }
0x456: {  	s4 =	sxor.u32 $0xFFFFFFFF, s29  }
0x457: {  	s4 =	sshrl.u32 s4, $0x6  }
0x458: {  	s4 =	sand.u32 $0x1, s4  }
0x459: {  	s22 =	scvt.s32.f32 s4;
	v1 =	vadd.f32 v2, v1  }
0x45a: {  	s2 =	sshll.u32 s29, $0x7  }
0x45b: {  	s3 =	sand.u32 $0x7000, s30;
	s2 =	sand.u32 $0x380, s2;
	v1 =	vmul.f32 s22, v1  }
0x45c: {  	s28 =	sor.u32 s2, s3  }
0x45d: {  	[tilespmem:s28+$0x10780] =	vst v1  }
0x45e: {  	p5 =	seq.s32 s1, $0x1;
	v8 =	vld [tilespmem:s18+$0x10]  }
.Ltmp16:
0x45f: {  	v14 =	vld [tilespmem:s21+$0x10];
	(pc) =	sbr.rel @p5 .LBB2_26-.Ltmp16, $4  }
0x460: {  	_ = 	snop  }
0x461: {  	p1 =	por $0x0, $0x0  }
0x462: {  	p2 =	por $0x0, $0x0;
	p3 =	por $0x0, $0x0;
	p4 =	por $0x0, $0x0  }
0x463: {  	s1 =	sadd.s32 $0xFFFFFFFF, s1;
	p0 =	por $0x0, $0x0;
	[dreg:$0xb] =	wrdreg s5  }
0x464: {  	v1 =	vadd.f32 v14, v8;
	_ =	sdelay $0x1  }
0x465: {  	v1 =	vmul.f32 s22, v1  }
0x466: {  	s23 =	sadd.s32 $0x10780, s28  }
0x467: {  	[tilespmem:s23+$0x10] =	vst v1  }
0x468: {  	v1 =	vld [tilespmem:s18+$0x20]  }
0x469: {  	v2 =	vld [tilespmem:s21+$0x20];
	_ =	sdelay $0x4  }
0x46a: {  	v1 =	vadd.f32 v2, v1;
	_ =	sdelay $0x1  }
0x46b: {  	v1 =	vmul.f32 s22, v1;
	_ =	sdelay $0x1  }
0x46c: {  	[tilespmem:s23+$0x20] =	vst v1  }
0x46d: {  	v1 =	vld [tilespmem:s18+$0x30]  }
0x46e: {  	v2 =	vld [tilespmem:s21+$0x30];
	_ =	sdelay $0x3  }
0x46f: {  	s0 =	sadd.s32 $0x1, s0  }
0x470: {  	v1 =	vadd.f32 v2, v1;
	v2 =	vld [tilespmem:s0+$0x0];
	_ =	sdelay $0x1  }
0x471: {  	v1 =	vmul.f32 s22, v1;
	_ =	sdelay $0x1  }
0x472: {  	[tilespmem:s23+$0x30] =	vst v1  }
0x473: {  	v1 =	vld [tilespmem:s18+$0x40];
	(v2sf) =	vpush v2, $0x0  }
0x474: {  	v3 =	vld [tilespmem:s21+$0x40];
	_ =	sdelay $0x4  }
0x475: {  	v1 =	vadd.f32 v3, v1;
	_ =	sdelay $0x1  }
0x476: {  	v1 =	vmul.f32 s22, v1;
	_ =	sdelay $0x1  }
0x477: {  	[tilespmem:s23+$0x40] =	vst v1  }
0x478: {  	v1 =	vld [tilespmem:s18+$0x50]  }
0x479: {  	v2 =	vld [tilespmem:s21+$0x50];
	_ =	sdelay $0x2  }
0x47a: {  	s2 =	spop (v2sf)  }
0x47b: {  	s3 =	sshll.u32 s2, $0x9  }
0x47c: {  	v1 =	vadd.f32 v2, v1;
	p0 =	sgt.s32 s2, $0x7F;
	s24 =	sand.u32 $0x7E00, s3  }
0x47d: {  	v2 =	vld [tilespmem:s18+$0x0];
	s24 =	simm.s32 @p0 $0x8000  }
0x47e: {  	v1 =	vmul.f32 s22, v1;
	v3 =	vld [tilespmem:s24+$0x0];
	_ =	sdelay $0x1  }
0x47f: {  	s4 =	sxor.u32 $0xFFFFFFFF, s2;
	[tilespmem:s23+$0x50] =	vst v1  }
0x480: {  	s4 =	sshrl.u32 s4, $0x6;
	v1 =	vld [tilespmem:s18+$0x60]  }
0x481: {  	s4 =	sand.u32 $0x1, s4;
	v4 =	vld [tilespmem:s21+$0x60]  }
0x482: {  	s25 =	scvt.s32.f32 s4;
	v2 =	vadd.f32 v3, v2  }
0x483: {  	s2 =	sshll.u32 s2, $0x7  }
0x484: {  	s3 =	sand.u32 $0x7000, s3;
	s2 =	sand.u32 $0x380, s2;
	v2 =	vmul.f32 s25, v2  }
0x485: {  	s28 =	sor.u32 s2, s3  }
0x486: {  	v1 =	vadd.f32 v4, v1;
	[tilespmem:s28+$0x10780] =	vst v2  }
0x487: {  	p5 =	seq.s32 s1, $0x1;
	v8 =	vld [tilespmem:s18+$0x10]  }
.Ltmp17:
0x488: {  	v1 =	vmul.f32 s22, v1;
	v14 =	vld [tilespmem:s24+$0x10];
	(pc) =	sbr.rel @p5 .LBB2_28-.Ltmp17, $4  }
0x489: {  	_ = 	snop  }
0x48a: {  	[tilespmem:s23+$0x60] =	vst v1  }
0x48b: {  	v13 =	vld [tilespmem:s18+$0x70]  }
0x48c: {  	s1 =	sadd.s32 $0xFFFFFFFF, s1;
	p0 =	por $0x1, $0x1;
	v15 =	vld [tilespmem:s21+$0x70]  }
0x48d: {  	_ =	sdelay $0x1  }
0x48e: {  	v1 =	vadd.f32 v14, v8;
	_ =	sdelay $0x1  }
0x48f: {  	v1 =	vmul.f32 s25, v1;
	v2 =	vadd.f32 v15, v13  }
0x490: {  	s26 =	sadd.s32 $0x10780, s28  }
0x491: {  	[tilespmem:s26+$0x10] =	vst v1;
	v1 =	vmul.f32 s22, v2  }
0x492: {  	v3 =	vld [tilespmem:s24+$0x20]  }
0x493: {  	v2 =	vld [tilespmem:s18+$0x20];
	[tilespmem:s23+$0x70] =	vst v1  }
0x494: {  	v1 =	vld [tilespmem:s18+$0x80]  }
0x495: {  	v4 =	vld [tilespmem:s21+$0x80];
	_ =	sdelay $0x2  }
0x496: {  	v2 =	vadd.f32 v3, v2;
	_ =	sdelay $0x1  }
0x497: {  	v2 =	vmul.f32 s25, v2;
	v1 =	vadd.f32 v4, v1;
	_ =	sdelay $0x1  }
0x498: {  	[tilespmem:s26+$0x20] =	vst v2;
	v1 =	vmul.f32 s22, v1  }
0x499: {  	v2 =	vld [tilespmem:s18+$0x30]  }
0x49a: {  	v3 =	vld [tilespmem:s24+$0x30];
	[tilespmem:s23+$0x400] =	vst v1  }
0x49b: {  	v1 =	vld [tilespmem:s18+$0x90]  }
0x49c: {  	v60 =	vld [tilespmem:s21+$0x90];
	_ =	sdelay $0x2  }
0x49d: {  	v2 =	vadd.f32 v3, v2  }
0x49e: {  	s2 =	sadd.s32 $0x1, s0  }
0x49f: {  	v3 =	vld [tilespmem:s2+$0x0];
	v2 =	vmul.f32 s25, v2;
	v1 =	vadd.f32 v60, v1;
	_ =	sdelay $0x1  }
0x4a0: {  	[tilespmem:s26+$0x30] =	vst v2;
	v1 =	vmul.f32 s22, v1  }
0x4a1: {  	v2 =	vld [tilespmem:s18+$0x40]  }
0x4a2: {  	v61 =	vld [tilespmem:s24+$0x40];
	[tilespmem:s23+$0x410] =	vst v1  }
0x4a3: {  	(v2sf) =	vpush v3, $0x0;
	v1 =	vld [tilespmem:s18+$0xA0]  }
0x4a4: {  	v3 =	vld [tilespmem:s21+$0xA0];
	_ =	sdelay $0x2  }
0x4a5: {  	v2 =	vadd.f32 v61, v2;
	_ =	sdelay $0x1  }
0x4a6: {  	v2 =	vmul.f32 s25, v2;
	v1 =	vadd.f32 v3, v1;
	_ =	sdelay $0x1  }
0x4a7: {  	[tilespmem:s26+$0x40] =	vst v2;
	v1 =	vmul.f32 s22, v1  }
0x4a8: {  	v2 =	vld [tilespmem:s18+$0x50]  }
0x4a9: {  	v3 =	vld [tilespmem:s24+$0x50];
	[tilespmem:s23+$0x420] =	vst v1  }
0x4aa: {  	v1 =	vld [tilespmem:s18+$0xB0]  }
0x4ab: {  	v62 =	vld [tilespmem:s21+$0xB0];
	_ =	sdelay $0x2  }
0x4ac: {  	s3 =	spop (v2sf);
	v2 =	vadd.f32 v3, v2  }
0x4ad: {  	s4 =	sshll.u32 s3, $0x9  }
0x4ae: {  	p1 =	sgt.s32 s3, $0x7F;
	s0 =	sand.u32 $0x7E00, s4;
	v2 =	vmul.f32 s25, v2;
	v1 =	vadd.f32 v62, v1  }
0x4af: {  	v3 =	vld [tilespmem:s18+$0x0];
	s0 =	simm.s32 @p1 $0x8000  }
0x4b0: {  	v63 =	vld [tilespmem:s0+$0x0];
	[tilespmem:s26+$0x50] =	vst v2;
	v1 =	vmul.f32 s22, v1  }
0x4b1: {  	v2 =	vld [tilespmem:s18+$0x60]  }
0x4b2: {  	s5 =	sxor.u32 $0xFFFFFFFF, s3;
	v5 =	vld [tilespmem:s24+$0x60];
	[tilespmem:s23+$0x430] =	vst v1  }
0x4b3: {  	s5 =	sshrl.u32 s5, $0x6;
	v1 =	vld [tilespmem:s18+$0xC0]  }
0x4b4: {  	s5 =	sand.u32 $0x1, s5;
	v6 =	vld [tilespmem:s21+$0xC0]  }
0x4b5: {  	s9 =	scvt.s32.f32 s5;
	v3 =	vadd.f32 v63, v3  }
0x4b6: {  	s3 =	sshll.u32 s3, $0x7  }
0x4b7: {  	s4 =	sand.u32 $0x7000, s4;
	s3 =	sand.u32 $0x380, s3;
	v2 =	vadd.f32 v5, v2;
	v3 =	vmul.f32 s9, v3  }
0x4b8: {  	s28 =	sor.u32 s3, s4  }
0x4b9: {  	v2 =	vmul.f32 s25, v2;
	[tilespmem:s28+$0x10780] =	vst v3;
	v1 =	vadd.f32 v6, v1  }
0x4ba: {  	p5 =	seq.s32 s1, $0x1;
	v8 =	vld [tilespmem:s18+$0x10]  }
.Ltmp18:
0x4bb: {  	v14 =	vld [tilespmem:s0+$0x10];
	[tilespmem:s26+$0x60] =	vst v2;
	v1 =	vmul.f32 s22, v1;
	(pc) =	sbr.rel @p5 .LBB2_30-.Ltmp18, $4  }
0x4bc: {  	v13 =	vld [tilespmem:s18+$0x70]  }
0x4bd: {  	v15 =	vld [tilespmem:s24+$0x70];
	[tilespmem:s23+$0x440] =	vst v1  }
0x4be: {  	v11 =	vld [tilespmem:s18+$0xD0]  }
0x4bf: {  	s1 =	sadd.s32 $0xFFFFFFFF, s1;
	p1 =	por $0x1, $0x1;
	v12 =	vld [tilespmem:s21+$0xD0]  }
0x4c0: {  	v1 =	vadd.f32 v14, v8;
	_ =	sdelay $0x1  }
0x4c1: {  	v1 =	vmul.f32 s9, v1;
	v2 =	vadd.f32 v15, v13  }
0x4c2: {  	s5 =	sadd.s32 $0x10780, s28  }
0x4c3: {  	[tilespmem:s5+$0x10] =	vst v1;
	v1 =	vmul.f32 s25, v2;
	v2 =	vadd.f32 v12, v11  }
0x4c4: {  	v3 =	vld [tilespmem:s18+$0x20]  }
0x4c5: {  	v4 =	vld [tilespmem:s0+$0x20];
	[tilespmem:s26+$0x70] =	vst v1;
	v1 =	vmul.f32 s22, v2  }
0x4c6: {  	v2 =	vld [tilespmem:s18+$0x80]  }
0x4c7: {  	v5 =	vld [tilespmem:s24+$0x80];
	[tilespmem:s23+$0x450] =	vst v1  }
0x4c8: {  	v1 =	vld [tilespmem:s18+$0xE0]  }
0x4c9: {  	v6 =	vld [tilespmem:s21+$0xE0]  }
0x4ca: {  	v3 =	vadd.f32 v4, v3;
	_ =	sdelay $0x1  }
0x4cb: {  	v3 =	vmul.f32 s9, v3;
	v2 =	vadd.f32 v5, v2;
	_ =	sdelay $0x1  }
0x4cc: {  	[tilespmem:s5+$0x20] =	vst v3;
	v2 =	vmul.f32 s25, v2;
	v1 =	vadd.f32 v6, v1  }
0x4cd: {  	v3 =	vld [tilespmem:s18+$0x30]  }
0x4ce: {  	v53 =	vld [tilespmem:s0+$0x30];
	[tilespmem:s26+$0x400] =	vst v2;
	v1 =	vmul.f32 s22, v1  }
0x4cf: {  	v2 =	vld [tilespmem:s18+$0x90]  }
0x4d0: {  	v54 =	vld [tilespmem:s24+$0x90];
	[tilespmem:s23+$0x460] =	vst v1  }
0x4d1: {  	v1 =	vld [tilespmem:s18+$0xF0]  }
0x4d2: {  	v6 =	vld [tilespmem:s21+$0xF0]  }
0x4d3: {  	v3 =	vadd.f32 v53, v3  }
0x4d4: {  	s2 =	sadd.s32 $0x1, s2  }
0x4d5: {  	v55 =	vld [tilespmem:s2+$0x0];
	v3 =	vmul.f32 s9, v3;
	v2 =	vadd.f32 v54, v2;
	_ =	sdelay $0x1  }
0x4d6: {  	[tilespmem:s5+$0x30] =	vst v3;
	v2 =	vmul.f32 s25, v2;
	v1 =	vadd.f32 v6, v1  }
0x4d7: {  	v3 =	vld [tilespmem:s18+$0x40]  }
0x4d8: {  	v56 =	vld [tilespmem:s0+$0x40];
	[tilespmem:s26+$0x410] =	vst v2;
	v1 =	vmul.f32 s22, v1  }
0x4d9: {  	(v2sf) =	vpush v55, $0x0;
	v2 =	vld [tilespmem:s18+$0xA0]  }
0x4da: {  	v57 =	vld [tilespmem:s24+$0xA0];
	[tilespmem:s23+$0x470] =	vst v1  }
0x4db: {  	v1 =	vld [tilespmem:s18+$0x100]  }
0x4dc: {  	v6 =	vld [tilespmem:s21+$0x100]  }
0x4dd: {  	v3 =	vadd.f32 v56, v3;
	_ =	sdelay $0x1  }
0x4de: {  	v3 =	vmul.f32 s9, v3;
	v2 =	vadd.f32 v57, v2;
	_ =	sdelay $0x1  }
0x4df: {  	[tilespmem:s5+$0x40] =	vst v3;
	v2 =	vmul.f32 s25, v2;
	v1 =	vadd.f32 v6, v1  }
0x4e0: {  	v3 =	vld [tilespmem:s18+$0x50]  }
0x4e1: {  	v58 =	vld [tilespmem:s0+$0x50];
	[tilespmem:s26+$0x420] =	vst v2;
	v1 =	vmul.f32 s22, v1  }
0x4e2: {  	v2 =	vld [tilespmem:s18+$0xB0]  }
0x4e3: {  	v59 =	vld [tilespmem:s24+$0xB0];
	[tilespmem:s23+$0x800] =	vst v1  }
0x4e4: {  	v1 =	vld [tilespmem:s18+$0x110]  }
0x4e5: {  	v6 =	vld [tilespmem:s21+$0x110]  }
0x4e6: {  	s3 =	spop (v2sf);
	v3 =	vadd.f32 v58, v3  }
0x4e7: {  	s4 =	sshll.u32 s3, $0x9  }
0x4e8: {  	p2 =	sgt.s32 s3, $0x7F;
	s20 =	sand.u32 $0x7E00, s4;
	v3 =	vmul.f32 s9, v3;
	v2 =	vadd.f32 v59, v2  }
0x4e9: {  	v60 =	vld [tilespmem:s18+$0x0];
	s20 =	simm.s32 @p2 $0x8000  }
0x4ea: {  	v61 =	vld [tilespmem:s20+$0x0];
	[tilespmem:s5+$0x50] =	vst v3;
	v2 =	vmul.f32 s25, v2;
	v1 =	vadd.f32 v6, v1  }
0x4eb: {  	v3 =	vld [tilespmem:s18+$0x60]  }
0x4ec: {  	s6 =	sxor.u32 $0xFFFFFFFF, s3;
	v6 =	vld [tilespmem:s0+$0x60];
	[tilespmem:s26+$0x430] =	vst v2;
	v1 =	vmul.f32 s22, v1  }
0x4ed: {  	s6 =	sshrl.u32 s6, $0x6;
	v2 =	vld [tilespmem:s18+$0xC0]  }
0x4ee: {  	s6 =	sand.u32 $0x1, s6;
	v7 =	vld [tilespmem:s24+$0xC0];
	[tilespmem:s23+$0x810] =	vst v1  }
0x4ef: {  	s8 =	scvt.s32.f32 s6;
	v1 =	vadd.f32 v61, v60;
	v62 =	vld [tilespmem:s18+$0x120]  }
0x4f0: {  	s3 =	sshll.u32 s3, $0x7;
	v63 =	vld [tilespmem:s21+$0x120]  }
0x4f1: {  	s4 =	sand.u32 $0x7000, s4;
	s3 =	sand.u32 $0x380, s3;
	v1 =	vmul.f32 s8, v1;
	v3 =	vadd.f32 v6, v3  }
0x4f2: {  	s28 =	sor.u32 s3, s4  }
0x4f3: {  	[tilespmem:s28+$0x10780] =	vst v1;
	v1 =	vmul.f32 s9, v3;
	v2 =	vadd.f32 v7, v2  }
0x4f4: {  	v8 =	vld [tilespmem:s18+$0x10]  }
0x4f5: {  	v14 =	vld [tilespmem:s20+$0x10];
	[tilespmem:s5+$0x60] =	vst v1;
	v1 =	vmul.f32 s25, v2;
	v2 =	vadd.f32 v63, v62  }
0x4f6: {  	p5 =	seq.s32 s1, $0x1;
	v13 =	vld [tilespmem:s18+$0x70]  }
.Ltmp19:
0x4f7: {  	v15 =	vld [tilespmem:s0+$0x70];
	[tilespmem:s26+$0x440] =	vst v1;
	v1 =	vmul.f32 s22, v2;
	(pc) =	sbr.rel @p5 .LBB2_32-.Ltmp19, $4  }
0x4f8: {  	v11 =	vld [tilespmem:s18+$0xD0]  }
0x4f9: {  	v12 =	vld [tilespmem:s24+$0xD0];
	[tilespmem:s23+$0x820] =	vst v1  }
0x4fa: {  	v1 =	vld [tilespmem:s18+$0x130]  }
0x4fb: {  	s1 =	sadd.s32 $0xFFFFFFFF, s1;
	p2 =	por $0x1, $0x1;
	v2 =	vld [tilespmem:s21+$0x130]  }
0x4fc: {  	v3 =	vadd.f32 v14, v8;
	_ =	sdelay $0x1  }
0x4fd: {  	v4 =	vadd.f32 v15, v13;
	v3 =	vmul.f32 s8, v3  }
0x4fe: {  	s14 =	sadd.s32 $0x10780, s28  }
0x4ff: {  	[tilespmem:s14+$0x10] =	vst v3;
	v3 =	vmul.f32 s9, v4;
	v4 =	vadd.f32 v12, v11  }
0x500: {  	v5 =	vld [tilespmem:s18+$0x20]  }
0x501: {  	v6 =	vld [tilespmem:s20+$0x20];
	[tilespmem:s5+$0x70] =	vst v3;
	v3 =	vmul.f32 s25, v4;
	v4 =	vadd.f32 v2, v1  }
0x502: {  	v7 =	vld [tilespmem:s18+$0x80]  }
0x503: {  	v8 =	vld [tilespmem:s0+$0x80];
	[tilespmem:s26+$0x450] =	vst v3;
	v3 =	vmul.f32 s22, v4  }
0x504: {  	v4 =	vld [tilespmem:s18+$0xE0]  }
0x505: {  	v9 =	vld [tilespmem:s24+$0xE0];
	[tilespmem:s23+$0x830] =	vst v3  }
0x506: {  	v3 =	vadd.f32 v6, v5;
	v5 =	vld [tilespmem:s18+$0x140]  }
0x507: {  	v6 =	vld [tilespmem:s21+$0x140]  }
0x508: {  	v3 =	vmul.f32 s8, v3;
	v7 =	vadd.f32 v8, v7  }
0x509: {  	s2 =	sadd.s32 $0x1, s2  }
0x50a: {  	v10 =	vld [tilespmem:s2+$0x0];
	[tilespmem:s14+$0x20] =	vst v3;
	v3 =	vmul.f32 s9, v7;
	v4 =	vadd.f32 v9, v4  }
0x50b: {  	v7 =	vld [tilespmem:s18+$0x30]  }
0x50c: {  	v8 =	vld [tilespmem:s20+$0x30];
	[tilespmem:s5+$0x400] =	vst v3;
	v3 =	vmul.f32 s25, v4;
	v4 =	vadd.f32 v6, v5  }
0x50d: {  	v5 =	vld [tilespmem:s18+$0x90]  }
0x50e: {  	v6 =	vld [tilespmem:s0+$0x90];
	[tilespmem:s26+$0x460] =	vst v3;
	v3 =	vmul.f32 s22, v4  }
0x50f: {  	v4 =	vld [tilespmem:s18+$0xF0]  }
0x510: {  	v9 =	vld [tilespmem:s24+$0xF0];
	[tilespmem:s23+$0x840] =	vst v3  }
0x511: {  	v3 =	vadd.f32 v8, v7;
	v7 =	vld [tilespmem:s18+$0x150]  }
0x512: {  	v8 =	vld [tilespmem:s21+$0x150]  }
0x513: {  	v3 =	vmul.f32 s8, v3;
	v5 =	vadd.f32 v6, v5;
	_ =	sdelay $0x1  }
0x514: {  	[tilespmem:s14+$0x30] =	vst v3;
	v3 =	vmul.f32 s9, v5;
	v4 =	vadd.f32 v9, v4  }
0x515: {  	v5 =	vld [tilespmem:s18+$0x40]  }
0x516: {  	(v2sf) =	vpush v10, $0x0;
	v6 =	vld [tilespmem:s20+$0x40];
	[tilespmem:s5+$0x410] =	vst v3;
	v3 =	vmul.f32 s25, v4;
	v4 =	vadd.f32 v8, v7  }
0x517: {  	v7 =	vld [tilespmem:s18+$0xA0]  }
0x518: {  	v8 =	vld [tilespmem:s0+$0xA0];
	[tilespmem:s26+$0x470] =	vst v3;
	v3 =	vmul.f32 s22, v4  }
0x519: {  	v4 =	vld [tilespmem:s18+$0x100]  }
0x51a: {  	v9 =	vld [tilespmem:s24+$0x100];
	[tilespmem:s23+$0x850] =	vst v3  }
0x51b: {  	v3 =	vadd.f32 v6, v5;
	v5 =	vld [tilespmem:s18+$0x160]  }
0x51c: {  	v6 =	vld [tilespmem:s21+$0x160]  }
0x51d: {  	v3 =	vmul.f32 s8, v3;
	v7 =	vadd.f32 v8, v7;
	_ =	sdelay $0x1  }
0x51e: {  	[tilespmem:s14+$0x40] =	vst v3;
	v3 =	vmul.f32 s9, v7;
	v4 =	vadd.f32 v9, v4  }
0x51f: {  	v7 =	vld [tilespmem:s18+$0x50]  }
0x520: {  	v8 =	vld [tilespmem:s20+$0x50];
	[tilespmem:s5+$0x420] =	vst v3;
	v3 =	vmul.f32 s25, v4;
	v4 =	vadd.f32 v6, v5  }
0x521: {  	v5 =	vld [tilespmem:s18+$0xB0]  }
0x522: {  	v6 =	vld [tilespmem:s0+$0xB0];
	[tilespmem:s26+$0x800] =	vst v3;
	v3 =	vmul.f32 s22, v4  }
0x523: {  	v4 =	vld [tilespmem:s18+$0x110]  }
0x524: {  	s3 =	spop (v2sf);
	v9 =	vld [tilespmem:s24+$0x110];
	[tilespmem:s23+$0x860] =	vst v3  }
0x525: {  	s6 =	sshll.u32 s3, $0x9;
	v3 =	vadd.f32 v8, v7;
	v7 =	vld [tilespmem:s18+$0x170]  }
0x526: {  	p3 =	sgt.s32 s3, $0x7F;
	s17 =	sand.u32 $0x7E00, s6;
	v8 =	vld [tilespmem:s21+$0x170]  }
0x527: {  	s17 =	simm.s32 @p3 $0x8000;
	v3 =	vmul.f32 s8, v3;
	v5 =	vadd.f32 v6, v5  }
0x528: {  	v10 =	vld [tilespmem:s17+$0x0]  }
0x529: {  	v6 =	vld [tilespmem:s18+$0x0];
	[tilespmem:s14+$0x50] =	vst v3;
	v3 =	vmul.f32 s9, v5;
	v4 =	vadd.f32 v9, v4  }
0x52a: {  	v5 =	vld [tilespmem:s18+$0x60]  }
0x52b: {  	s4 =	sxor.u32 $0xFFFFFFFF, s3;
	v9 =	vld [tilespmem:s20+$0x60];
	[tilespmem:s5+$0x430] =	vst v3;
	v3 =	vmul.f32 s25, v4;
	v4 =	vadd.f32 v8, v7  }
0x52c: {  	s4 =	sshrl.u32 s4, $0x6;
	v7 =	vld [tilespmem:s18+$0xC0]  }
0x52d: {  	s4 =	sand.u32 $0x1, s4;
	v8 =	vld [tilespmem:s0+$0xC0];
	[tilespmem:s26+$0x810] =	vst v3;
	v3 =	vmul.f32 s22, v4  }
0x52e: {  	s4 =	scvt.s32.f32 s4;
	v4 =	vadd.f32 v10, v6;
	v6 =	vld [tilespmem:s18+$0x120]  }
0x52f: {  	s3 =	sshll.u32 s3, $0x7;
	v10 =	vld [tilespmem:s24+$0x120];
	[tilespmem:s23+$0x870] =	vst v3  }
0x530: {  	s6 =	sand.u32 $0x7000, s6;
	s3 =	sand.u32 $0x380, s3;
	v3 =	vmul.f32 s4, v4;
	v4 =	vadd.f32 v9, v5;
	v5 =	vld [tilespmem:s18+$0x180]  }
0x531: {  	s28 =	sor.u32 s3, s6;
	v9 =	vld [tilespmem:s21+$0x180]  }
0x532: {  	[tilespmem:s28+$0x10780] =	vst v3;
	v3 =	vmul.f32 s8, v4;
	v4 =	vadd.f32 v8, v7  }
0x533: {  	v8 =	vld [tilespmem:s18+$0x10]  }
0x534: {  	v14 =	vld [tilespmem:s17+$0x10];
	[tilespmem:s14+$0x60] =	vst v3;
	v3 =	vmul.f32 s9, v4;
	v4 =	vadd.f32 v10, v6  }
0x535: {  	p5 =	seq.s32 s1, $0x1;
	v13 =	vld [tilespmem:s18+$0x70]  }
.Ltmp20:
0x536: {  	v15 =	vld [tilespmem:s20+$0x70];
	[tilespmem:s5+$0x440] =	vst v3;
	v3 =	vmul.f32 s25, v4;
	v4 =	vadd.f32 v9, v5;
	(pc) =	sbr.rel @p5 .LBB2_34-.Ltmp20, $4  }
0x537: {  	v6 =	vld [tilespmem:s18+$0xD0]  }
0x538: {  	v7 =	vld [tilespmem:s0+$0xD0];
	[tilespmem:s26+$0x820] =	vst v3;
	v5 =	vmul.f32 s22, v4  }
0x539: {  	v3 =	vld [tilespmem:s18+$0x130]  }
0x53a: {  	s1 =	sadd.s32 $0xFFFFFFFF, s1;
	p3 =	por $0x1, $0x1;
	v4 =	vld [tilespmem:s24+$0x130];
	[tilespmem:s23+$0xC00] =	vst v5  }
0x53b: {  	v5 =	vadd.f32 v14, v8;
	_ =	sdelay $0x1  }
0x53c: {  	v8 =	vld [tilespmem:s18+$0x190];
	v9 =	vadd.f32 v15, v13;
	v5 =	vmul.f32 s4, v5  }
0x53d: {  	v10 =	vld [tilespmem:s21+$0x190];
	s7 =	sadd.s32 $0x10780, s28;
	s29 =	sadd.s32 $0x1, s2  }
0x53e: {  	v11 =	vld [tilespmem:s29+$0x0];
	[tilespmem:s7+$0x10] =	vst v5;
	v5 =	vmul.f32 s8, v9;
	v9 =	vadd.f32 v7, v6  }
0x53f: {  	v12 =	vld [tilespmem:s18+$0x20]  }
0x540: {  	v13 =	vld [tilespmem:s17+$0x20];
	[tilespmem:s14+$0x70] =	vst v5;
	v5 =	vmul.f32 s9, v9;
	v9 =	vadd.f32 v4, v3  }
0x541: {  	v14 =	vld [tilespmem:s18+$0x80]  }
0x542: {  	v8 =	vadd.f32 v10, v8;
	v10 =	vld [tilespmem:s20+$0x80];
	[tilespmem:s5+$0x450] =	vst v5;
	v5 =	vmul.f32 s25, v9  }
0x543: {  	v9 =	vld [tilespmem:s18+$0xE0]  }
0x544: {  	v8 =	vmul.f32 s22, v8;
	v15 =	vld [tilespmem:s0+$0xE0];
	[tilespmem:s26+$0x830] =	vst v5  }
0x545: {  	v5 =	vadd.f32 v13, v12;
	v12 =	vld [tilespmem:s18+$0x140]  }
0x546: {  	[tilespmem:s23+$0xC10] =	vst v8;
	v8 =	vld [tilespmem:s24+$0x140]  }
0x547: {  	v13 =	vld [tilespmem:s18+$0x1A0];
	v5 =	vmul.f32 s4, v5;
	v10 =	vadd.f32 v10, v14  }
0x548: {  	v14 =	vld [tilespmem:s21+$0x1A0]  }
0x549: {  	[tilespmem:s7+$0x20] =	vst v5;
	v5 =	vmul.f32 s8, v10;
	v9 =	vadd.f32 v15, v9  }
0x54a: {  	v10 =	vld [tilespmem:s18+$0x30]  }
0x54b: {  	v15 =	vld [tilespmem:s17+$0x30];
	[tilespmem:s14+$0x400] =	vst v5;
	v5 =	vmul.f32 s9, v9;
	v8 =	vadd.f32 v8, v12  }
0x54c: {  	(v2sf) =	vpush v11, $0x0;
	v9 =	vld [tilespmem:s18+$0x90]  }
0x54d: {  	v11 =	vld [tilespmem:s20+$0x90];
	[tilespmem:s5+$0x460] =	vst v5;
	v5 =	vmul.f32 s25, v8;
	v8 =	vadd.f32 v14, v13  }
0x54e: {  	v12 =	vld [tilespmem:s18+$0xF0]  }
0x54f: {  	v13 =	vld [tilespmem:s0+$0xF0];
	[tilespmem:s26+$0x840] =	vst v5;
	v5 =	vmul.f32 s22, v8  }
0x550: {  	v8 =	vadd.f32 v15, v10;
	v10 =	vld [tilespmem:s18+$0x150]  }
0x551: {  	v14 =	vld [tilespmem:s24+$0x150];
	[tilespmem:s23+$0xC20] =	vst v5  }
0x552: {  	v5 =	vmul.f32 s4, v8;
	v8 =	vadd.f32 v11, v9;
	v9 =	vld [tilespmem:s18+$0x1B0]  }
0x553: {  	v11 =	vld [tilespmem:s21+$0x1B0]  }
0x554: {  	v15 =	vld [tilespmem:s18+$0x0];
	[tilespmem:s7+$0x30] =	vst v5;
	v5 =	vmul.f32 s8, v8;
	v8 =	vadd.f32 v13, v12  }
0x555: {  	v12 =	vld [tilespmem:s18+$0x40]  }
0x556: {  	v13 =	vld [tilespmem:s17+$0x40];
	[tilespmem:s14+$0x410] =	vst v5;
	v5 =	vmul.f32 s9, v8;
	v8 =	vadd.f32 v14, v10  }
0x557: {  	v10 =	vld [tilespmem:s18+$0xA0]  }
0x558: {  	v14 =	vld [tilespmem:s20+$0xA0];
	[tilespmem:s5+$0x470] =	vst v5;
	v5 =	vmul.f32 s25, v8;
	v8 =	vadd.f32 v11, v9  }
0x559: {  	v9 =	vld [tilespmem:s18+$0x100]  }
0x55a: {  	v11 =	vld [tilespmem:s0+$0x100];
	[tilespmem:s26+$0x850] =	vst v5;
	v5 =	vmul.f32 s22, v8  }
0x55b: {  	s3 =	spop (v2sf);
	v8 =	vadd.f32 v13, v12;
	v12 =	vld [tilespmem:s18+$0x160]  }
0x55c: {  	s6 =	sshll.u32 s3, $0x9;
	v13 =	vld [tilespmem:s24+$0x160];
	[tilespmem:s23+$0xC30] =	vst v5  }
0x55d: {  	p4 =	sgt.s32 s3, $0x7F;
	s31 =	sand.u32 $0x7E00, s6;
	v5 =	vmul.f32 s4, v8;
	v8 =	vadd.f32 v14, v10;
	v10 =	vld [tilespmem:s18+$0x1C0]  }
0x55e: {  	s31 =	simm.s32 @p4 $0x8000;
	v14 =	vld [tilespmem:s21+$0x1C0]  }
0x55f: {  	v16 =	vld [tilespmem:s31+$0x0];
	[tilespmem:s7+$0x40] =	vst v5;
	v5 =	vmul.f32 s8, v8;
	v8 =	vadd.f32 v11, v9  }
0x560: {  	v9 =	vld [tilespmem:s18+$0x50]  }
0x561: {  	v11 =	vld [tilespmem:s17+$0x50];
	[tilespmem:s14+$0x420] =	vst v5;
	v5 =	vmul.f32 s9, v8;
	v8 =	vadd.f32 v13, v12  }
0x562: {  	s19 =	sxor.u32 $0xFFFFFFFF, s3;
	v12 =	vld [tilespmem:s18+$0xB0]  }
0x563: {  	s2 =	sshrl.u32 s19, $0x6;
	v13 =	vld [tilespmem:s20+$0xB0];
	[tilespmem:s5+$0x800] =	vst v5;
	v5 =	vmul.f32 s25, v8;
	v8 =	vadd.f32 v14, v10  }
0x564: {  	s2 =	sand.u32 $0x1, s2;
	v10 =	vld [tilespmem:s18+$0x110]  }
0x565: {  	s2 =	scvt.s32.f32 s2;
	v14 =	vadd.f32 v16, v15;
	v15 =	vld [tilespmem:s0+$0x110];
	[tilespmem:s26+$0x860] =	vst v5;
	v5 =	vmul.f32 s22, v8  }
0x566: {  	s3 =	sshll.u32 s3, $0x7;
	v8 =	vadd.f32 v11, v9;
	v9 =	vld [tilespmem:s18+$0x170]  }
0x567: {  	s6 =	sand.u32 $0x7000, s6;
	s3 =	sand.u32 $0x380, s3;
	v11 =	vmul.f32 s2, v14;
	v14 =	vld [tilespmem:s24+$0x170];
	[tilespmem:s23+$0xC40] =	vst v5  }
0x568: {  	s28 =	sor.u32 s3, s6;
	v5 =	vmul.f32 s4, v8;
	v12 =	vadd.f32 v13, v12;
	v13 =	vld [tilespmem:s18+$0x1D0]  }
0x569: {  	[tilespmem:s28+$0x10780] =	vst v11;
	v11 =	vld [tilespmem:s21+$0x1D0]  }
0x56a: {  	v8 =	vld [tilespmem:s18+$0x10];
	[tilespmem:s7+$0x50] =	vst v5;
	v5 =	vmul.f32 s8, v12;
	v10 =	vadd.f32 v15, v10  }
0x56b: {  	v12 =	vld [tilespmem:s18+$0x60]  }
0x56c: {  	v15 =	vld [tilespmem:s17+$0x60];
	[tilespmem:s14+$0x430] =	vst v5;
	v5 =	vmul.f32 s9, v10;
	v9 =	vadd.f32 v14, v9  }
0x56d: {  	v10 =	vld [tilespmem:s18+$0xC0]  }
0x56e: {  	v14 =	vld [tilespmem:s20+$0xC0];
	[tilespmem:s5+$0x810] =	vst v5;
	v5 =	vmul.f32 s25, v9;
	v9 =	vadd.f32 v11, v13  }
0x56f: {  	v11 =	vld [tilespmem:s18+$0x120]  }
0x570: {  	v13 =	vld [tilespmem:s0+$0x120];
	[tilespmem:s26+$0x870] =	vst v5;
	v5 =	vmul.f32 s22, v9  }
0x571: {  	v9 =	vadd.f32 v15, v12;
	v12 =	vld [tilespmem:s18+$0x180]  }
0x572: {  	v16 =	vld [tilespmem:s24+$0x180];
	[tilespmem:s23+$0xC50] =	vst v5  }
0x573: {  	v5 =	vmul.f32 s4, v9;
	v9 =	vadd.f32 v14, v10;
	v10 =	vld [tilespmem:s18+$0x1E0]  }
0x574: {  	v17 =	vld [tilespmem:s21+$0x1E0]  }
0x575: {  	v14 =	vld [tilespmem:s31+$0x10];
	[tilespmem:s7+$0x60] =	vst v5;
	v5 =	vmul.f32 s8, v9;
	v9 =	vadd.f32 v13, v11  }
0x576: {  	p5 =	seq.s32 s1, $0x1;
	v13 =	vld [tilespmem:s18+$0x70]  }
.Ltmp21:
0x577: {  	v15 =	vld [tilespmem:s17+$0x70];
	[tilespmem:s14+$0x440] =	vst v5;
	v5 =	vmul.f32 s9, v9;
	v9 =	vadd.f32 v16, v12;
	(pc) =	sbr.rel @p5 .LBB2_36-.Ltmp21, $4  }
0x578: {  	s30 =	sadd.s32 $0xFFFFFFFF, s1;
	s10 =	smov.u32 s24;
	v11 =	vld [tilespmem:s18+$0xD0]  }
0x579: {  	s1 =	smov.u32 s23;
	s13 =	smov.u32 s0;
	s15 =	smov.u32 s9;
	v12 =	vld [tilespmem:s20+$0xD0];
	[tilespmem:s5+$0x820] =	vst v5;
	v5 =	vmul.f32 s25, v9;
	v16 =	vadd.f32 v17, v10  }
0x57a: {  	s12 =	smov.u32 s25;
	s16 =	smov.u32 s5;
	s11 =	smov.u32 s22;
	v9 =	vld [tilespmem:s18+$0x130]  }
0x57b: {  	p4 =	por $0x1, $0x1;
	s6 =	smov.u32 s21;
	s3 =	smov.u32 s26;
	v10 =	vld [tilespmem:s0+$0x130];
	[tilespmem:s26+$0xC00] =	vst v5;
	v5 =	vmul.f32 s22, v16  }
.LBB2_37:
0x57c: {  	p5 =	seq.s32 s30, $0x1;
	v8 =	vadd.f32 v14, v8;
	v14 =	vld [tilespmem:s18+$0x190]  }
0x57d: {  	v16 =	vld [tilespmem:s10+$0x190];
	[tilespmem:s1+$0xC60] =	vst v5  }
0x57e: {  	v5 =	vmul.f32 s2, v8;
	v8 =	vadd.f32 v15, v13;
	v13 =	vld [tilespmem:s18+$0x1F0]  }
0x57f: {  	s28 =	sadd.s32 $0x10780, s28;
	s29 =	sadd.s32 $0x1, s29;
	v15 =	vld [tilespmem:s6+$0x1F0];
	s6 =	smov.u32 s10  }
0x580: {  	s10 =	smov.u32 s13;
	s13 =	smov.u32 s20;
	s20 =	smov.u32 s17;
	v17 =	vld [tilespmem:s29+$0x0];
	[tilespmem:s28+$0x10] =	vst v5;
	v5 =	vmul.f32 s4, v8;
	v8 =	vadd.f32 v12, v11  }
0x581: {  	s17 =	smov.u32 s31;
	v11 =	vld [tilespmem:s18+$0x20]  }
0x582: {  	v12 =	vld [tilespmem:s17+$0x20];
	[tilespmem:s7+$0x70] =	vst v5;
	v5 =	vmul.f32 s8, v8;
	v8 =	vadd.f32 v10, v9  }
0x583: {  	v10 =	vadd.f32 v16, v14;
	v9 =	vld [tilespmem:s18+$0x80]  }
0x584: {  	v14 =	vld [tilespmem:s20+$0x80];
	[tilespmem:s14+$0x450] =	vst v5;
	v5 =	vmul.f32 s15, v8;
	v8 =	vadd.f32 v15, v13  }
0x585: {  	v10 =	vmul.f32 s12, v10;
	v13 =	vld [tilespmem:s18+$0xE0]  }
0x586: {  	v15 =	vld [tilespmem:s13+$0xE0];
	[tilespmem:s16+$0x830] =	vst v5;
	v5 =	vmul.f32 s11, v8;
	s11 =	smov.u32 s12;
	s12 =	smov.u32 s15;
	s15 =	smov.u32 s8  }
0x587: {  	s8 =	smov.u32 s4;
	s4 =	smov.u32 s2;
	v8 =	vadd.f32 v12, v11;
	v11 =	vld [tilespmem:s18+$0x140];
	[tilespmem:s3+$0xC10] =	vst v10  }
0x588: {  	v10 =	vld [tilespmem:s10+$0x140];
	[tilespmem:s1+$0xC70] =	vst v5;
	s1 =	smov.u32 s3;
	s3 =	smov.u32 s16;
	s16 =	smov.u32 s14  }
0x589: {  	s14 =	smov.u32 s7;
	s7 =	smov.u32 s28;
	v5 =	vmul.f32 s4, v8;
	v8 =	vadd.f32 v14, v9;
	v9 =	vld [tilespmem:s18+$0x1A0]  }
0x58a: {  	v12 =	vld [tilespmem:s6+$0x1A0]  }
0x58b: {  	[tilespmem:s7+$0x20] =	vst v5;
	v5 =	vmul.f32 s8, v8;
	v8 =	vadd.f32 v15, v13  }
0x58c: {  	v13 =	vld [tilespmem:s18+$0x30]  }
0x58d: {  	v14 =	vld [tilespmem:s17+$0x30];
	[tilespmem:s14+$0x400] =	vst v5;
	v5 =	vmul.f32 s15, v8;
	v8 =	vadd.f32 v10, v11  }
0x58e: {  	(v2sf) =	vpush v17, $0x0;
	v10 =	vld [tilespmem:s18+$0x90]  }
0x58f: {  	v11 =	vld [tilespmem:s20+$0x90];
	[tilespmem:s16+$0x460] =	vst v5;
	v5 =	vmul.f32 s12, v8;
	v8 =	vadd.f32 v12, v9  }
0x590: {  	v9 =	vld [tilespmem:s18+$0xF0]  }
0x591: {  	v12 =	vld [tilespmem:s13+$0xF0];
	[tilespmem:s3+$0x840] =	vst v5;
	v5 =	vmul.f32 s11, v8  }
0x592: {  	v8 =	vadd.f32 v14, v13;
	v13 =	vld [tilespmem:s18+$0x150]  }
0x593: {  	v14 =	vld [tilespmem:s10+$0x150];
	[tilespmem:s1+$0xC20] =	vst v5  }
0x594: {  	v5 =	vmul.f32 s4, v8;
	v8 =	vadd.f32 v11, v10;
	v10 =	vld [tilespmem:s18+$0x1B0]  }
0x595: {  	v11 =	vld [tilespmem:s6+$0x1B0]  }
0x596: {  	v15 =	vld [tilespmem:s18+$0x0];
	[tilespmem:s7+$0x30] =	vst v5;
	v5 =	vmul.f32 s8, v8;
	v8 =	vadd.f32 v12, v9  }
0x597: {  	v9 =	vld [tilespmem:s18+$0x40]  }
0x598: {  	v12 =	vld [tilespmem:s17+$0x40];
	[tilespmem:s14+$0x410] =	vst v5;
	v5 =	vmul.f32 s15, v8;
	v8 =	vadd.f32 v14, v13  }
0x599: {  	v13 =	vld [tilespmem:s18+$0xA0]  }
0x59a: {  	v14 =	vld [tilespmem:s20+$0xA0];
	[tilespmem:s16+$0x470] =	vst v5;
	v5 =	vmul.f32 s12, v8;
	v8 =	vadd.f32 v11, v10  }
0x59b: {  	v10 =	vld [tilespmem:s18+$0x100]  }
0x59c: {  	v11 =	vld [tilespmem:s13+$0x100];
	[tilespmem:s3+$0x850] =	vst v5;
	v5 =	vmul.f32 s11, v8  }
0x59d: {  	s28 =	spop (v2sf);
	v8 =	vadd.f32 v12, v9;
	v9 =	vld [tilespmem:s18+$0x160]  }
0x59e: {  	s19 =	sshll.u32 s28, $0x9;
	v12 =	vld [tilespmem:s10+$0x160];
	[tilespmem:s1+$0xC30] =	vst v5  }
0x59f: {  	p6 =	sgt.s32 s28, $0x7F;
	s31 =	sand.u32 $0x7E00, s19;
	v5 =	vmul.f32 s4, v8;
	v8 =	vadd.f32 v14, v13;
	v13 =	vld [tilespmem:s18+$0x1C0]  }
0x5a0: {  	s31 =	simm.s32 @p6 $0x8000;
	v14 =	vld [tilespmem:s6+$0x1C0]  }
0x5a1: {  	v16 =	vld [tilespmem:s31+$0x0];
	[tilespmem:s7+$0x40] =	vst v5;
	v5 =	vmul.f32 s8, v8;
	v8 =	vadd.f32 v11, v10  }
0x5a2: {  	v10 =	vld [tilespmem:s18+$0x50]  }
0x5a3: {  	v11 =	vld [tilespmem:s17+$0x50];
	[tilespmem:s14+$0x420] =	vst v5;
	v5 =	vmul.f32 s15, v8;
	v8 =	vadd.f32 v12, v9  }
0x5a4: {  	s2 =	sxor.u32 $0xFFFFFFFF, s28;
	v9 =	vld [tilespmem:s18+$0xB0]  }
0x5a5: {  	s2 =	sshrl.u32 s2, $0x6;
	v12 =	vld [tilespmem:s20+$0xB0];
	[tilespmem:s16+$0x800] =	vst v5;
	v5 =	vmul.f32 s12, v8;
	v8 =	vadd.f32 v14, v13  }
0x5a6: {  	s2 =	sand.u32 $0x1, s2;
	v13 =	vld [tilespmem:s18+$0x110]  }
0x5a7: {  	s2 =	scvt.s32.f32 s2;
	v14 =	vadd.f32 v16, v15;
	v15 =	vld [tilespmem:s13+$0x110];
	[tilespmem:s3+$0x860] =	vst v5;
	v5 =	vmul.f32 s11, v8  }
0x5a8: {  	s28 =	sshll.u32 s28, $0x7;
	v8 =	vadd.f32 v11, v10;
	v10 =	vld [tilespmem:s18+$0x170]  }
0x5a9: {  	s19 =	sand.u32 $0x7000, s19;
	s28 =	sand.u32 $0x380, s28;
	v11 =	vmul.f32 s2, v14;
	v14 =	vld [tilespmem:s10+$0x170];
	[tilespmem:s1+$0xC40] =	vst v5  }
0x5aa: {  	s28 =	sor.u32 s28, s19;
	v5 =	vmul.f32 s4, v8;
	v9 =	vadd.f32 v12, v9;
	v12 =	vld [tilespmem:s18+$0x1D0]  }
0x5ab: {  	[tilespmem:s28+$0x10780] =	vst v11;
	v11 =	vld [tilespmem:s6+$0x1D0]  }
0x5ac: {  	v8 =	vld [tilespmem:s18+$0x10];
	[tilespmem:s7+$0x50] =	vst v5;
	v5 =	vmul.f32 s8, v9;
	v9 =	vadd.f32 v15, v13  }
0x5ad: {  	v13 =	vld [tilespmem:s18+$0x60]  }
0x5ae: {  	v15 =	vld [tilespmem:s17+$0x60];
	[tilespmem:s14+$0x430] =	vst v5;
	v5 =	vmul.f32 s15, v9;
	v9 =	vadd.f32 v14, v10  }
0x5af: {  	v10 =	vld [tilespmem:s18+$0xC0]  }
0x5b0: {  	v14 =	vld [tilespmem:s20+$0xC0];
	[tilespmem:s16+$0x810] =	vst v5;
	v5 =	vmul.f32 s12, v9;
	v9 =	vadd.f32 v11, v12  }
0x5b1: {  	v11 =	vld [tilespmem:s18+$0x120]  }
0x5b2: {  	v12 =	vld [tilespmem:s13+$0x120];
	[tilespmem:s3+$0x870] =	vst v5;
	v5 =	vmul.f32 s11, v9  }
0x5b3: {  	v9 =	vadd.f32 v15, v13;
	v16 =	vld [tilespmem:s18+$0x180]  }
0x5b4: {  	v17 =	vld [tilespmem:s10+$0x180];
	[tilespmem:s1+$0xC50] =	vst v5  }
0x5b5: {  	v5 =	vmul.f32 s4, v9;
	v9 =	vadd.f32 v14, v10;
	v10 =	vld [tilespmem:s18+$0x1E0]  }
0x5b6: {  	v18 =	vld [tilespmem:s6+$0x1E0]  }
0x5b7: {  	v14 =	vld [tilespmem:s31+$0x10];
	[tilespmem:s7+$0x60] =	vst v5;
	v5 =	vmul.f32 s8, v9;
	v9 =	vadd.f32 v12, v11  }
0x5b8: {  	v13 =	vld [tilespmem:s18+$0x70]  }
.Ltmp22:
0x5b9: {  	v15 =	vld [tilespmem:s17+$0x70];
	[tilespmem:s14+$0x440] =	vst v5;
	v5 =	vmul.f32 s15, v9;
	v9 =	vadd.f32 v17, v16;
	(pc) =	sbr.rel @!p5 .LBB2_37-.Ltmp22, $4  }
0x5ba: {  	v11 =	vld [tilespmem:s18+$0xD0]  }
0x5bb: {  	v12 =	vld [tilespmem:s20+$0xD0];
	[tilespmem:s16+$0x820] =	vst v5;
	v5 =	vmul.f32 s12, v9;
	v16 =	vadd.f32 v18, v10  }
0x5bc: {  	v9 =	vld [tilespmem:s18+$0x130]  }
0x5bd: {  	s30 =	sadd.s32 $0xFFFFFFFF, s30;
	v10 =	vld [tilespmem:s13+$0x130];
	[tilespmem:s3+$0xC00] =	vst v5;
	v5 =	vmul.f32 s11, v16  }
.Ltmp23:
0x5be: {  	(pc) =	sbr.rel .LBB2_39-.Ltmp23, $3  }
0x5bf: {  	_ =	sdelay $0x1  }
0x5c0: {  	s29 =	smov.u32 s20  }
0x5c1: {  	s30 =	smov.u32 s17;
	s20 =	smov.u32 s31;
	s31 =	rddreg [dreg:$0x2]  }
.LBB2_8:
0x5c2: {  	_ = 	snop  }
.Ltmp24:
0x5c3: {  	(pc) =	sbr.rel .LBB2_23-.Ltmp24, $4  }
0x5c4: {  	_ = 	snop  }
0x5c5: {  	_ = 	snop  }
0x5c6: {  	_ = 	snop  }
0x5c7: {  	p5 =	por $0x0, $0x0  }
.LBB2_10:
0x5c8: {  	_ = 	snop  }
.Ltmp25:
0x5c9: {  	(pc) =	sbr.rel .LBB2_23-.Ltmp25, $4  }
0x5ca: {  	_ = 	snop  }
0x5cb: {  	_ = 	snop  }
0x5cc: {  	s6 =	smov.u32 s3  }
0x5cd: {  	s5 =	smov.u32 s29;
	s21 =	smov.u32 s15  }
.LBB2_28:
.Ltmp26:
0x5ce: {  	(pc) =	sbr.rel .LBB2_39-.Ltmp26, $3  }
0x5cf: {  	_ =	sdelay $0x1  }
0x5d0: {  	s2 =	smov.u32 s25;
	s4 =	smov.u32 s22  }
0x5d1: {  	s30 =	smov.u32 s21;
	s20 =	smov.u32 s24;
	s7 =	smov.u32 s23  }
.LBB2_12:
0x5d2: {  	s5 =	smov.u32 s2  }
.Ltmp27:
0x5d3: {  	(pc) =	sbr.rel .LBB2_23-.Ltmp27, $4  }
0x5d4: {  	_ = 	snop  }
0x5d5: {  	_ = 	snop  }
0x5d6: {  	s6 =	smov.u32 s14;
	s0 =	smov.u32 s3  }
0x5d7: {  	[dreg:$0x12] =	wrdreg s15;
	s20 =	smov.u32 s29;
	s21 =	smov.u32 s8  }
.LBB2_30:
.Ltmp28:
0x5d8: {  	(pc) =	sbr.rel .LBB2_39-.Ltmp28, $4  }
0x5d9: {  	_ = 	snop  }
0x5da: {  	s2 =	smov.u32 s9;
	s4 =	smov.u32 s25  }
0x5db: {  	s29 =	smov.u32 s21;
	s30 =	smov.u32 s24;
	s20 =	smov.u32 s0  }
0x5dc: {  	s7 =	smov.u32 s26;
	s8 =	smov.u32 s22;
	s14 =	smov.u32 s23  }
.LBB2_14:
0x5dd: {  	s20 =	smov.u32 s2  }
.Ltmp29:
0x5de: {  	(pc) =	sbr.rel .LBB2_23-.Ltmp29, $4  }
0x5df: {  	_ = 	snop  }
0x5e0: {  	s6 =	smov.u32 s28;
	[dreg:$0x12] =	wrdreg s8  }
0x5e1: {  	s5 =	smov.u32 s12;
	s0 =	smov.u32 s14;
	s11 =	smov.u32 s3  }
0x5e2: {  	s1 =	smov.u32 s15;
	s9 =	smov.u32 s29;
	s21 =	smov.u32 s16  }
.LBB2_32:
.Ltmp30:
0x5e3: {  	_ = 	snop;
	(pc) =	sbr.rel .LBB2_39-.Ltmp30, $4  }
0x5e4: {  	s2 =	smov.u32 s8  }
0x5e5: {  	s4 =	smov.u32 s9;
	s29 =	smov.u32 s24;
	s30 =	smov.u32 s0  }
0x5e6: {  	s7 =	smov.u32 s5;
	s8 =	smov.u32 s25;
	s14 =	smov.u32 s26  }
0x5e7: {  	s13 =	smov.u32 s21;
	s15 =	smov.u32 s22;
	s16 =	smov.u32 s23;
	v9 =	vmov v1;
	v10 =	vmov v2  }
.LBB2_16:
.Ltmp31:
0x5e8: {  	(pc) =	sbr.rel .LBB2_23-.Ltmp31, $4  }
0x5e9: {  	s6 =	smov.u32 s11;
	s21 =	smov.u32 s4  }
0x5ea: {  	[dreg:$0x12] =	wrdreg s16;
	s5 =	smov.u32 s13;
	s0 =	smov.u32 s28  }
0x5eb: {  	s20 =	smov.u32 s12;
	s1 =	smov.u32 s8;
	s11 =	smov.u32 s14  }
0x5ec: {  	v15 =	vmovc v4;
	s26 =	smov.u32 s15;
	s9 =	smov.u32 s2;
	s28 =	smov.u32 s3;
	v16 =	vmov v5;
	v13 =	vmov v1;
	v14 =	vmov v2  }
.LBB2_34:
.Ltmp32:
0x5ed: {  	s2 =	smov.u32 s4;
	s4 =	smov.u32 s8;
	(pc) =	sbr.rel .LBB2_39-.Ltmp32, $4  }
0x5ee: {  	s30 =	smov.u32 s20;
	s7 =	smov.u32 s14;
	s10 =	smov.u32 s21  }
0x5ef: {  	s13 =	smov.u32 s24;
	s29 =	smov.u32 s0;
	s20 =	smov.u32 s17  }
0x5f0: {  	s8 =	smov.u32 s9;
	s14 =	smov.u32 s5;
	s15 =	smov.u32 s25  }
0x5f1: {  	s12 =	smov.u32 s22;
	s16 =	smov.u32 s26;
	s3 =	smov.u32 s23;
	v11 =	vmovc v6;
	v12 =	vmov v7;
	v9 =	vmov v3;
	v10 =	vmov v4  }
.LBB2_18:
.Ltmp33:
0x5f2: {  	s6 =	smov.u32 s0;
	s5 =	smov.u32 s20;
	(pc) =	sbr.rel .LBB2_23-.Ltmp33, $4  }
0x5f3: {  	s23 =	smov.u32 s29;
	[dreg:$0x12] =	wrdreg s4;
	s0 =	smov.u32 s11  }
0x5f4: {  	s1 =	smov.u32 s16;
	s20 =	smov.u32 s13;
	s11 =	smov.u32 s28  }
0x5f5: {  	v15 =	vmov v9;
	s26 =	smov.u32 s8;
	s29 =	smov.u32 s2;
	s9 =	smov.u32 s12  }
0x5f6: {  	v16 =	vmovc v10;
	v13 =	vmovc v6;
	v14 =	vmov v8;
	s28 =	smov.u32 s14;
	s24 =	smov.u32 s15;
	s25 =	smov.u32 s3;
	v17 =	vmov v11;
	v12 =	vmov v3  }
.LBB2_36:
.Ltmp34:
0x5f7: {  	s29 =	smov.u32 s20;
	(pc) =	sbr.rel .LBB2_39-.Ltmp34, $4  }
0x5f8: {  	s10 =	smov.u32 s24;
	s1 =	smov.u32 s23;
	s6 =	smov.u32 s21  }
0x5f9: {  	s13 =	smov.u32 s0;
	s30 =	smov.u32 s17;
	s20 =	smov.u32 s31  }
0x5fa: {  	s15 =	smov.u32 s9;
	s12 =	smov.u32 s25;
	s16 =	smov.u32 s5  }
0x5fb: {  	s11 =	smov.u32 s22;
	s3 =	smov.u32 s26;
	s31 =	rddreg [dreg:$0x2]  }
.LBB2_20:
0x5fc: {  	[dreg:$0x12] =	wrdreg s21  }
0x5fd: {  	s1 =	rddreg [dreg:$0xf]  }
0x5fe: {  	s30 =	rddreg [dreg:$0xc]  }
0x5ff: {  	s11 =	rddreg [dreg:$0x11]  }
.Ltmp35:
0x600: {  	s16 =	rddreg [dreg:$0xd];
	(pc) =	sbr.rel .LBB2_23-.Ltmp35, $4  }
0x601: {  	s9 =	rddreg [dreg:$0x10]  }
0x602: {  	s23 =	smov.u32 s2;
	s29 =	smov.u32 s12;
	s28 =	rddreg [dreg:$0xe]  }
0x603: {  	s24 =	smov.u32 s8;
	s21 =	smov.u32 s7;
	s25 =	smov.u32 s14  }
0x604: {  	s31 =	smov.u32 s15;
	s22 =	smov.u32 s3;
	s26 =	smov.u32 s16  }
.LBB2_42:
0x605: {  	_ =	sfence.sel $0x180000  }
0x606: {  	[bflag:$0x0] =	sbarrier.arrive $0xFFFF  }
0x607: {  	_ =	strace $0x90000047  }
0x608: {  	s0 =	stileid.u32;
	[bflag:$0x2] =	sbarrier.arrive $0xFFFF  }
0x609: {  	p0 =	sne.s32 s0, $0x0;
	s0 =	rddreg [dreg:$0x3]  }
0x60a: {  	s0 =	sadd.s32 @!p0 $0x100000, s0  }
0x60b: {  	[sflag:s0] =	ssyncadd.tile.s32 @!p0 $0x1;
	_ =	shalt  }
.Lfunc_end2:
_tile_overlayer_lowered:
.L_overlay_start_2:
0x60c: {  	(tag) =	ssettag $0x2  }
0x60d: {  	s0 =	rddreg [dreg:$0x0];
	s2 =	stileid.u32  }
0x60e: {  	s1 =	rddreg [dreg:$0x1];
	p0 =	sne.s32 s2, $0x0  }
0x60f: {  	s3 =	rddreg [dreg:$0x2];
	[bflag:$0x3] =	sbarrier.arrive $0xFFFF;
	s2 =	simm.s32 @!p0 $0x1C03  }
0x610: {  	[timem:s3], [sflag:s2] =	dma.local @!p0 [hbm:s0], s1  }
0x611: {  	s0 =	simm.s32 @!p0 $0x3  }
0x612: {  	_ =	swait.ge @!p0 [sflag:s0], s1  }
0x613: {  	s1 =	ssub.s32 @!p0 $0x0, s1;
	[sflag:s0] =	ssyncset.done @!p0 $0x0  }
0x614: {  	[sflag:s0] =	ssyncadd.s32 @!p0 s1  }
0x615: {  	[bflag:$0x3] =	sbarrier.arrive $0xFFFF  }
0x616: {  	_ =	shalt  }

</sc_bundles>
